<compile_context>
chip_gen: v7x
topology: tpu7x:2x2x1
jax: 0.10.2.dev20260603
libtpu: 0.0.44.dev20260713+nightly
codegen_flags: <defaults>
</compile_context>

<pallas_src>
import dataclasses
import functools

import jax
import jax.numpy as jnp
from jax import lax
from jax.experimental import pallas as pl
from jax.experimental.pallas import tpu as pltpu
from jax.experimental.pallas import tpu_sc as plsc

N = 10000
D = 128
E = 320000
ALPHA = 0.1
BETA1 = 0.6931471805599453
BETA2 = 0.4054651081081644

NC, NS = 2, 16
K = 128
CH = 160
EPW = CH * K
EPAD = NS * EPW
NPAD = 10240
RPS = NPAD // NS
ZR = RPS // 2
NBUF = 2
T = 40
NT = CH // T


@functools.cache
def _mesh():
    return plsc.VectorSubcoreMesh(core_axis_name="c", subcore_axis_name="s",
                                  num_cores=NC, num_subcores=NS)


def _sc_hist(idx2, zn):

    @functools.partial(
        pl.kernel,
        out_type=jax.ShapeDtypeStruct((2, NC, NS, NPAD), jnp.float32),
        mesh=_mesh(),
        scratch_types=[
            pltpu.VMEM((CH, K), jnp.int32),
            pltpu.VMEM((NPAD,), jnp.float32),
        ],
        compiler_params=dataclasses.replace(
            pltpu.CompilerParams(), needs_layout_passes=False),
    )
    def hist_k(idx_hbm, zn_hbm, out_hbm, idx_v, cnt_v):
        c = lax.axis_index("c")
        s = lax.axis_index("s")
        ones16 = jnp.ones((16,), jnp.float32)

        for p in range(2):
            pltpu.sync_copy(idx_hbm.at[p].at[c].at[s], idx_v)
            pltpu.sync_copy(zn_hbm, cnt_v)

            @pl.loop(0, CH)
            def _row(j):
                for l in range(K // 16):
                    idx16 = idx_v[j, pl.ds(l * 16, 16)]
                    plsc.addupdate_scatter(cnt_v, [idx16], ones16)

            pltpu.sync_copy(cnt_v, out_hbm.at[p].at[c].at[s])

    return hist_k(idx2, zn)


def _sc_agg(xs, srcc, dstc, zrows):

    @functools.partial(
        pl.kernel,
        out_type=jax.ShapeDtypeStruct((NC, NPAD, D), jnp.float32),
        mesh=_mesh(),
        scratch_types=[
            pltpu.VMEM((T, K), jnp.int32),
            pltpu.VMEM((T, K), jnp.int32),
            pltpu.VMEM((K, D), jnp.float32),
            pltpu.VMEM((K, D), jnp.float32),
            pltpu.VMEM_SHARED((NPAD, D), jnp.float32),
            pltpu.SemaphoreType.DMA,
            pltpu.SemaphoreType.DMA,
        ],
    )
    def agg_k(xs_hbm, src_hbm, dst_hbm, z_hbm, out_hbm,
              src_v, dst_v, b0, b1, acc_sh, g0, g1):
        bufs = (b0, b1)
        gsems = (g0, g1)
        c = lax.axis_index("c")
        s = lax.axis_index("s")
        table = xs_hbm.at[c]
        pltpu.sync_copy(z_hbm, acc_sh.at[pl.ds(s * RPS, ZR)])
        pltpu.sync_copy(z_hbm, acc_sh.at[pl.ds(s * RPS + ZR, ZR)])
        plsc.subcore_barrier()

        @pl.loop(0, NT)
        def _tile(nt):
            pltpu.sync_copy(src_hbm.at[c].at[s].at[pl.ds(nt * T, T)], src_v)
            pltpu.sync_copy(dst_hbm.at[c].at[s].at[pl.ds(nt * T, T)], dst_v)
            for b in range(NBUF):
                pltpu.async_copy(table.at[src_v.at[b]], bufs[b], gsems[b])

            @pl.loop(0, T // NBUF)
            def _chunks(t):
                j0 = NBUF * t
                for b in range(NBUF):
                    j = j0 + b
                    pltpu.make_async_copy(
                        table.at[src_v.at[j]], bufs[b], gsems[b]).wait()
                    pltpu.sync_copy(bufs[b], acc_sh.at[dst_v.at[j]], add=True)

                    def _prefetch(b=b, j=j):
                        pltpu.async_copy(
                            table.at[src_v.at[j + NBUF]], bufs[b], gsems[b])

                    pl.when(j + NBUF < T)(_prefetch)

        plsc.subcore_barrier()
        pltpu.sync_copy(acc_sh.at[pl.ds(s * RPS, RPS)],
                        out_hbm.at[c].at[pl.ds(s * RPS, RPS)])

    return agg_k(xs, srcc, dstc, zrows)


BN = 1024
GRID = NPAD // BN


def _tc_prep(hist, f0):

    def body(h_ref, f0_ref, ns_ref, nd_ref, xs_ref):
        ones_col = jnp.ones((NS, 1), jnp.float32)
        for g in range(NC):
            degs = lax.dot_general(
                h_ref[0, g], ones_col, (((0,), (0,)), ((), ())),
                preferred_element_type=jnp.float32,
                precision=lax.Precision.HIGHEST)
            degd = lax.dot_general(
                h_ref[1, g], ones_col, (((0,), (0,)), ((), ())),
                preferred_element_type=jnp.float32,
                precision=lax.Precision.HIGHEST)
            ns = jnp.where(degs > 0.0, lax.rsqrt(degs), 0.0)
            nd = jnp.where(degd > 0.0, lax.rsqrt(degd), 0.0)
            ns_ref[g] = ns
            nd_ref[g] = nd
            xs_ref[g] = f0_ref[g] * ns

    return pl.pallas_call(
        body,
        grid=(GRID,),
        in_specs=[
            pl.BlockSpec((2, NC, NS, BN), lambda i: (0, 0, 0, i)),
            pl.BlockSpec((NC, BN, D), lambda i: (0, i, 0)),
        ],
        out_specs=[
            pl.BlockSpec((NC, BN, 1), lambda i: (0, i, 0)),
            pl.BlockSpec((NC, BN, 1), lambda i: (0, i, 0)),
            pl.BlockSpec((NC, BN, D), lambda i: (0, i, 0)),
        ],
        out_shape=[
            jax.ShapeDtypeStruct((NC, NPAD, 1), jnp.float32),
            jax.ShapeDtypeStruct((NC, NPAD, 1), jnp.float32),
            jax.ShapeDtypeStruct((NC, NPAD, D), jnp.float32),
        ],
    )(hist, f0)


def _tc_layer1(p, nd, ns, f0, W):

    def body(p_ref, nd_ref, ns_ref, f0_ref, w_ref, x_ref, xs_ref):
        for g in range(NC):
            agg = p_ref[g] * nd_ref[g]
            feat = (1.0 - ALPHA) * agg + ALPHA * f0_ref[g]
            rst = (1.0 - BETA1) * feat + BETA1 * jnp.dot(
                feat, w_ref[...], preferred_element_type=jnp.float32,
                precision=lax.Precision.HIGHEST)
            x = jnp.maximum(rst, 0.0)
            x_ref[g] = x
            xs_ref[g] = x * ns_ref[g]

    return pl.pallas_call(
        body,
        grid=(GRID,),
        in_specs=[
            pl.BlockSpec((NC, BN, D), lambda i: (0, i, 0)),
            pl.BlockSpec((NC, BN, 1), lambda i: (0, i, 0)),
            pl.BlockSpec((NC, BN, 1), lambda i: (0, i, 0)),
            pl.BlockSpec((NC, BN, D), lambda i: (0, i, 0)),
            pl.BlockSpec((D, D), lambda i: (0, 0)),
        ],
        out_specs=[pl.BlockSpec((NC, BN, D), lambda i: (0, i, 0))] * 2,
        out_shape=[jax.ShapeDtypeStruct((NC, NPAD, D), jnp.float32)] * 2,
    )(p, nd, ns, f0, W)


def _tc_layer2(p, nd, f0, W):

    def body(p_ref, nd_ref, f0_ref, w_ref, h_ref, st_ref):
        @pl.when(pl.program_id(0) == 0)
        def _():
            st_ref[...] = jnp.zeros((NC, 8, D), jnp.float32)

        rid = lax.broadcasted_iota(jnp.int32, (8, D), 0)
        for g in range(NC):
            agg = p_ref[g] * nd_ref[g]
            feat = (1.0 - ALPHA) * agg + ALPHA * f0_ref[g]
            rst = (1.0 - BETA2) * feat + BETA2 * jnp.dot(
                feat, w_ref[...], preferred_element_type=jnp.float32,
                precision=lax.Precision.HIGHEST)
            x = jnp.maximum(rst, 0.0)
            h_ref[g] = x
            s1 = jnp.sum(x, axis=0, keepdims=True)
            s2 = jnp.sum(x * x, axis=0, keepdims=True)
            st_ref[g] += jnp.where(rid == 0, s1, 0.0) + jnp.where(rid == 1, s2, 0.0)

    return pl.pallas_call(
        body,
        grid=(GRID,),
        in_specs=[
            pl.BlockSpec((NC, BN, D), lambda i: (0, i, 0)),
            pl.BlockSpec((NC, BN, 1), lambda i: (0, i, 0)),
            pl.BlockSpec((NC, BN, D), lambda i: (0, i, 0)),
            pl.BlockSpec((D, D), lambda i: (0, 0)),
        ],
        out_specs=[
            pl.BlockSpec((NC, BN, D), lambda i: (0, i, 0)),
            pl.BlockSpec((NC, 8, D), lambda i: (0, 0, 0)),
        ],
        out_shape=[
            jax.ShapeDtypeStruct((NC, NPAD, D), jnp.float32),
            jax.ShapeDtypeStruct((NC, 8, D), jnp.float32),
        ],
    )(p, nd, f0, W)


def _tc_std(h, st):

    def body(h_ref, st_ref, z_ref):
        for g in range(NC):
            s1 = st_ref[g, 0:1, :]
            s2 = st_ref[g, 1:2, :]
            mean = s1 * (1.0 / N)
            var = (s2 - (mean * mean) * N) * (1.0 / (N - 1))
            sd = jnp.sqrt(jnp.maximum(var, 0.0))
            inv = 1.0 / jnp.maximum(sd, 1e-12)
            z_ref[g] = (h_ref[g] - mean) * inv

    return pl.pallas_call(
        body,
        grid=(GRID,),
        in_specs=[
            pl.BlockSpec((NC, BN, D), lambda i: (0, i, 0)),
            pl.BlockSpec((NC, 8, D), lambda i: (0, 0, 0)),
        ],
        out_specs=pl.BlockSpec((NC, BN, D), lambda i: (0, i, 0)),
        out_shape=jax.ShapeDtypeStruct((NC, NPAD, D), jnp.float32),
    )(h, st)


def kernel(feat1, edge_index1, feat2, edge_index2, W1, W2):
    f0 = jnp.stack([
        jnp.pad(feat1, ((0, NPAD - N), (0, 0))),
        jnp.pad(feat2, ((0, NPAD - N), (0, 0))),
    ])

    def chunk(idx):
        pad = jnp.full((EPAD - E,), N, jnp.int32)
        return jnp.concatenate([idx.astype(jnp.int32), pad]).reshape(NS, CH, K)

    srcc = jnp.stack([chunk(edge_index1[0]), chunk(edge_index2[0])])
    dstc = jnp.stack([chunk(edge_index1[1]), chunk(edge_index2[1])])
    idx2 = jnp.stack([srcc, dstc])
    zn = jnp.zeros((NPAD,), jnp.float32)
    zrows = jnp.zeros((ZR, D), jnp.float32)

    hist = _sc_hist(idx2, zn)
    ns, nd, xs = _tc_prep(hist, f0)

    p = _sc_agg(xs, srcc, dstc, zrows)
    x, xsb = _tc_layer1(p, nd, ns, f0, W1)
    q = _sc_agg(xsb, srcc, dstc, zrows)
    h, st = _tc_layer2(q, nd, f0, W2)
    z = _tc_std(h, st)
    return z[0, :N], z[1, :N]

# --- scband reference (transcript-rebuilt; emitter-appended) ---
"""Pipeline reference for scband-cca-ssg-26792005992870 (READ-ONLY COPY).

The authoritative reference and input builder live on the scoring server;
editing this copy changes nothing except your own understanding.
"""

import jax, jax.numpy as jnp
import numpy as np

N = 10000
E = 320000
D = 128
N_LAYERS = 2
ALPHA = 0.1
LAM = 1.0


def setup_inputs(seed: int = 0) -> dict:
    key = jax.random.key(seed)
    k1, k2, k3, k4, k5, k6 = jax.random.split(key, 6)
    feat1 = jax.random.normal(k1, (N, D), dtype=jnp.float32)
    feat2 = jax.random.normal(k2, (N, D), dtype=jnp.float32)
    edge_index1 = jax.random.randint(k3, (2, E), 0, N, dtype=jnp.int32)
    edge_index2 = jax.random.randint(k4, (2, E), 0, N, dtype=jnp.int32)
    # GCN2Conv weights (project_initial_features=True style: one weight per layer)
    W1 = jax.random.normal(k5, (D, D), dtype=jnp.float32) * 0.05
    W2 = jax.random.normal(k6, (D, D), dtype=jnp.float32) * 0.05
    return {"feat1": feat1, "edge_index1": edge_index1, "feat2": feat2, "edge_index2": edge_index2, "W1": W1, "W2": W2}


def _sym_norm_agg(x, src, dst, n):
    ones = jnp.ones(src.shape[0], dtype=x.dtype)
    deg_out = jax.ops.segment_sum(ones, src, num_segments=n)
    deg_in = jax.ops.segment_sum(ones, dst, num_segments=n)
    norm_src = jnp.where(deg_out > 0, deg_out ** -0.5, 0.0)
    norm_dst = jnp.where(deg_in > 0, deg_in ** -0.5, 0.0)
    m = x[src] * norm_src[src][:, None]
    agg = jax.ops.segment_sum(m, dst, num_segments=n)
    return agg * norm_dst[:, None]


def _gcnii_backbone(edge_index, x, Ws):
    src = edge_index[0]
    dst = edge_index[1]
    n = x.shape[0]
    feat0 = x
    for i, W in enumerate(Ws):
        layer = i + 1
        beta = float(np.log(LAM / layer + 1.0))
        agg = _sym_norm_agg(x, src, dst, n)
        feat = (1.0 - ALPHA) * agg + ALPHA * feat0
        rst = (1.0 - beta) * feat + beta * (feat @ W)
        x = jax.nn.relu(rst)
    return x


def _standardize(h, eps=1e-12):
    return (h - h.mean(0)) / jnp.clip(jnp.std(h, axis=0, ddof=1), eps, None)


def reference(feat1, edge_index1, feat2, edge_index2, W1, W2):
    Ws = [W1, W2]
    h1 = _gcnii_backbone(edge_index1, feat1, Ws)
    h2 = _gcnii_backbone(edge_index2, feat2, Ws)
    z1 = _standardize(h1)
    z2 = _standardize(h2)
    return (z1, z2)

if __name__ == "__main__":
    import jax
    _d = setup_inputs()
    print(jax.jit(kernel)(*tuple(_d.values())))

</pallas_src>

<mosaic_0001>
#map = affine_map<(d0, d1) -> (0, 0, 0)>
#map1 = affine_map<(d0, d1) -> (0, 0, 0, 0)>
#map2 = affine_map<(d0, d1) -> (0, 0)>
module attributes {stable_mosaic.version = 14 : i64} {
  func.func @agg_k(%arg0: i32, %arg1: i32, %arg2: memref<2x10240x128xf32, #tpu.memory_space<hbm>>, %arg3: memref<2x16x160x128xi32, #tpu.memory_space<hbm>>, %arg4: memref<2x16x160x128xi32, #tpu.memory_space<hbm>>, %arg5: memref<320x128xf32, #tpu.memory_space<hbm>>, %arg6: memref<2x10240x128xf32, #tpu.memory_space<hbm>>, %arg7: memref<40x128xi32, #tpu.memory_space<vmem>>, %arg8: memref<40x128xi32, #tpu.memory_space<vmem>>, %arg9: memref<128x128xf32, #tpu.memory_space<vmem>>, %arg10: memref<128x128xf32, #tpu.memory_space<vmem>>, %arg11: memref<10240x128xf32, #tpu.memory_space<vmem_shared>>, %arg12: memref<!tpu.dma_semaphore, #tpu.memory_space<semaphore_mem>>, %arg13: memref<!tpu.dma_semaphore, #tpu.memory_space<semaphore_mem>>) attributes {dimension_semantics = [#tpu.dimension_semantics<core_parallel>, #tpu.dimension_semantics<subcore_parallel>], iteration_bounds = array<i64: 2, 16>, scalar_prefetch = 0 : i64, scratch_operands = 7 : i64, tpu.core_type = #tpu.core_type<sc_vector_subcore>, window_params = [{transform_indices = #map}, {transform_indices = #map1}, {transform_indices = #map1}, {transform_indices = #map2}, {transform_indices = #map}]} {
    %mul3A = arith.constant 640 : i32
    %mul3A_0 = arith.muli %arg1, %mul3A : i32
    "tpu.region"() ({
      %run_scoped3A = tpu.sem_alloc : memref<!tpu.dma_semaphore, #tpu.memory_space<semaphore_mem>>
      %dma_start3A = arith.constant 0 : i32
      %dma_start3A_13 = tpu.memref_slice %arg11[%mul3A_0, %dma_start3A] : memref<10240x128xf32, #tpu.memory_space<vmem_shared>> -> memref<320x128xf32, #tpu.memory_space<vmem_shared>>
      tpu.enqueue_dma source(%arg5 : memref<320x128xf32, #tpu.memory_space<hbm>>) target(%dma_start3A_13 : memref<320x128xf32, #tpu.memory_space<vmem_shared>>) target_semaphore(%run_scoped3A : memref<!tpu.dma_semaphore, #tpu.memory_space<semaphore_mem>>)
      %dma_wait3A = arith.constant 0 : i32
      %dma_wait3A_14 = tpu.memref_slice %arg11[%mul3A_0, %dma_wait3A] : memref<10240x128xf32, #tpu.memory_space<vmem_shared>> -> memref<320x128xf32, #tpu.memory_space<vmem_shared>>
      tpu.wait_dma2 semaphore(%run_scoped3A : memref<!tpu.dma_semaphore, #tpu.memory_space<semaphore_mem>>) src(%arg5 : memref<320x128xf32, #tpu.memory_space<hbm>>) dst(%dma_wait3A_14 : memref<320x128xf32, #tpu.memory_space<vmem_shared>>)
      tpu.yield
    }) : () -> ()
    %mul3A_1 = arith.constant 640 : i32
    %mul3A_2 = arith.muli %arg1, %mul3A_1 : i32
    %add3A = arith.constant 320 : i32
    %add3A_3 = arith.addi %mul3A_2, %add3A : i32
    "tpu.region"() ({
      %run_scoped3A = tpu.sem_alloc : memref<!tpu.dma_semaphore, #tpu.memory_space<semaphore_mem>>
      %dma_start3A = arith.constant 0 : i32
      %dma_start3A_13 = tpu.memref_slice %arg11[%add3A_3, %dma_start3A] : memref<10240x128xf32, #tpu.memory_space<vmem_shared>> -> memref<320x128xf32, #tpu.memory_space<vmem_shared>>
      tpu.enqueue_dma source(%arg5 : memref<320x128xf32, #tpu.memory_space<hbm>>) target(%dma_start3A_13 : memref<320x128xf32, #tpu.memory_space<vmem_shared>>) target_semaphore(%run_scoped3A : memref<!tpu.dma_semaphore, #tpu.memory_space<semaphore_mem>>)
      %dma_wait3A = arith.constant 0 : i32
      %dma_wait3A_14 = tpu.memref_slice %arg11[%add3A_3, %dma_wait3A] : memref<10240x128xf32, #tpu.memory_space<vmem_shared>> -> memref<320x128xf32, #tpu.memory_space<vmem_shared>>
      tpu.wait_dma2 semaphore(%run_scoped3A : memref<!tpu.dma_semaphore, #tpu.memory_space<semaphore_mem>>) src(%arg5 : memref<320x128xf32, #tpu.memory_space<hbm>>) dst(%dma_wait3A_14 : memref<320x128xf32, #tpu.memory_space<vmem_shared>>)
      tpu.yield
    }) : () -> ()
    %barrier3A = arith.constant 0 : index
    tpu.barrier barrier_id(%barrier3A)
    %scan3A = arith.constant 0 : i32
    %scan3A_4 = arith.constant 4 : i32
    %scan3A_5 = arith.addi %scan3A, %scan3A_4 : i32
    %scan3A_6 = arith.constant 1 : i32
    scf.for %scan3A_13 = %scan3A to %scan3A_5 step %scan3A_6  : i32 {
      %mul3A_14 = arith.constant 1 : i32
      %mul3A_15 = arith.muli %scan3A_13, %mul3A_14 : i32
      %add3A_16 = arith.constant 0 : i32
      %add3A_17 = arith.addi %add3A_16, %mul3A_15 : i32
      %mul3A_18 = arith.constant 40 : i32
      %mul3A_19 = arith.muli %add3A_17, %mul3A_18 : i32
      "tpu.region"() ({
        %run_scoped3A = tpu.sem_alloc : memref<!tpu.dma_semaphore, #tpu.memory_space<semaphore_mem>>
        %dma_start3A_48 = arith.constant 0 : i32
        %dma_start3A_49 = arith.constant 0 : i32
        %dma_start3A_50 = arith.constant 0 : i32
        %dma_start3A_51 = tpu.memref_slice %arg3[%arg0, %dma_start3A_48, %dma_start3A_49, %dma_start3A_50] : memref<2x16x160x128xi32, #tpu.memory_space<hbm>> -> memref<1x16x160x128xi32, #tpu.memory_space<hbm>>
        %dma_start3A_52 = tpu.memref_squeeze %dma_start3A_51 : memref<1x16x160x128xi32, #tpu.memory_space<hbm>> -> memref<16x160x128xi32, #tpu.memory_space<hbm>>
        %dma_start3A_53 = arith.constant 0 : i32
        %dma_start3A_54 = arith.constant 0 : i32
        %dma_start3A_55 = tpu.memref_slice %dma_start3A_52[%arg1, %dma_start3A_53, %dma_start3A_54] : memref<16x160x128xi32, #tpu.memory_space<hbm>> -> memref<1x160x128xi32, #tpu.memory_space<hbm>>
        %dma_start3A_56 = tpu.memref_squeeze %dma_start3A_55 : memref<1x160x128xi32, #tpu.memory_space<hbm>> -> memref<160x128xi32, #tpu.memory_space<hbm>>
        %dma_start3A_57 = arith.constant 0 : i32
        %dma_start3A_58 = tpu.memref_slice %dma_start3A_56[%mul3A_19, %dma_start3A_57] : memref<160x128xi32, #tpu.memory_space<hbm>> -> memref<40x128xi32, #tpu.memory_space<hbm>>
        %dma_start3A_59 = arith.constant 0 : i32
        %dma_start3A_60 = arith.constant 0 : i32
        %dma_start3A_61 = arith.constant 0 : i32
        %dma_start3A_62 = tpu.memref_slice %arg3[%arg0, %dma_start3A_59, %dma_start3A_60, %dma_start3A_61] : memref<2x16x160x128xi32, #tpu.memory_space<hbm>> -> memref<1x16x160x128xi32, #tpu.memory_space<hbm>>
        %dma_start3A_63 = tpu.memref_squeeze %dma_start3A_62 : memref<1x16x160x128xi32, #tpu.memory_space<hbm>> -> memref<16x160x128xi32, #tpu.memory_space<hbm>>
        %dma_start3A_64 = arith.constant 0 : i32
        %dma_start3A_65 = arith.constant 0 : i32
        %dma_start3A_66 = tpu.memref_slice %dma_start3A_63[%arg1, %dma_start3A_64, %dma_start3A_65] : memref<16x160x128xi32, #tpu.memory_space<hbm>> -> memref<1x160x128xi32, #tpu.memory_space<hbm>>
        %dma_start3A_67 = tpu.memref_squeeze %dma_start3A_66 : memref<1x160x128xi32, #tpu.memory_space<hbm>> -> memref<160x128xi32, #tpu.memory_space<hbm>>
        %dma_start3A_68 = arith.constant 0 : i32
        %dma_start3A_69 = tpu.memref_slice %dma_start3A_67[%mul3A_19, %dma_start3A_68] : memref<160x128xi32, #tpu.memory_space<hbm>> -> memref<40x128xi32, #tpu.memory_space<hbm>>
        tpu.enqueue_dma source(%dma_start3A_69 : memref<40x128xi32, #tpu.memory_space<hbm>>) target(%arg7 : memref<40x128xi32, #tpu.memory_space<vmem>>) target_semaphore(%run_scoped3A : memref<!tpu.dma_semaphore, #tpu.memory_space<semaphore_mem>>)
        %dma_wait3A = arith.constant 0 : i32
        %dma_wait3A_70 = arith.constant 0 : i32
        %dma_wait3A_71 = arith.constant 0 : i32
        %dma_wait3A_72 = tpu.memref_slice %arg3[%arg0, %dma_wait3A, %dma_wait3A_70, %dma_wait3A_71] : memref<2x16x160x128xi32, #tpu.memory_space<hbm>> -> memref<1x16x160x128xi32, #tpu.memory_space<hbm>>
        %dma_wait3A_73 = tpu.memref_squeeze %dma_wait3A_72 : memref<1x16x160x128xi32, #tpu.memory_space<hbm>> -> memref<16x160x128xi32, #tpu.memory_space<hbm>>
        %dma_wait3A_74 = arith.constant 0 : i32
        %dma_wait3A_75 = arith.constant 0 : i32
        %dma_wait3A_76 = tpu.memref_slice %dma_wait3A_73[%arg1, %dma_wait3A_74, %dma_wait3A_75] : memref<16x160x128xi32, #tpu.memory_space<hbm>> -> memref<1x160x128xi32, #tpu.memory_space<hbm>>
        %dma_wait3A_77 = tpu.memref_squeeze %dma_wait3A_76 : memref<1x160x128xi32, #tpu.memory_space<hbm>> -> memref<160x128xi32, #tpu.memory_space<hbm>>
        %dma_wait3A_78 = arith.constant 0 : i32
        %dma_wait3A_79 = tpu.memref_slice %dma_wait3A_77[%mul3A_19, %dma_wait3A_78] : memref<160x128xi32, #tpu.memory_space<hbm>> -> memref<40x128xi32, #tpu.memory_space<hbm>>
        %dma_wait3A_80 = arith.constant 0 : i32
        %dma_wait3A_81 = arith.constant 0 : i32
        %dma_wait3A_82 = arith.constant 0 : i32
        %dma_wait3A_83 = tpu.memref_slice %arg3[%arg0, %dma_wait3A_80, %dma_wait3A_81, %dma_wait3A_82] : memref<2x16x160x128xi32, #tpu.memory_space<hbm>> -> memref<1x16x160x128xi32, #tpu.memory_space<hbm>>
        %dma_wait3A_84 = tpu.memref_squeeze %dma_wait3A_83 : memref<1x16x160x128xi32, #tpu.memory_space<hbm>> -> memref<16x160x128xi32, #tpu.memory_space<hbm>>
        %dma_wait3A_85 = arith.constant 0 : i32
        %dma_wait3A_86 = arith.constant 0 : i32
        %dma_wait3A_87 = tpu.memref_slice %dma_wait3A_84[%arg1, %dma_wait3A_85, %dma_wait3A_86] : memref<16x160x128xi32, #tpu.memory_space<hbm>> -> memref<1x160x128xi32, #tpu.memory_space<hbm>>
        %dma_wait3A_88 = tpu.memref_squeeze %dma_wait3A_87 : memref<1x160x128xi32, #tpu.memory_space<hbm>> -> memref<160x128xi32, #tpu.memory_space<hbm>>
        %dma_wait3A_89 = arith.constant 0 : i32
        %dma_wait3A_90 = tpu.memref_slice %dma_wait3A_88[%mul3A_19, %dma_wait3A_89] : memref<160x128xi32, #tpu.memory_space<hbm>> -> memref<40x128xi32, #tpu.memory_space<hbm>>
        tpu.wait_dma2 semaphore(%run_scoped3A : memref<!tpu.dma_semaphore, #tpu.memory_space<semaphore_mem>>) src(%dma_wait3A_90 : memref<40x128xi32, #tpu.memory_space<hbm>>) dst(%arg7 : memref<40x128xi32, #tpu.memory_space<vmem>>)
        tpu.yield
      }) : () -> ()
      %mul3A_20 = arith.constant 40 : i32
      %mul3A_21 = arith.muli %add3A_17, %mul3A_20 : i32
      "tpu.region"() ({
        %run_scoped3A = tpu.sem_alloc : memref<!tpu.dma_semaphore, #tpu.memory_space<semaphore_mem>>
        %dma_start3A_48 = arith.constant 0 : i32
        %dma_start3A_49 = arith.constant 0 : i32
        %dma_start3A_50 = arith.constant 0 : i32
        %dma_start3A_51 = tpu.memref_slice %arg4[%arg0, %dma_start3A_48, %dma_start3A_49, %dma_start3A_50] : memref<2x16x160x128xi32, #tpu.memory_space<hbm>> -> memref<1x16x160x128xi32, #tpu.memory_space<hbm>>
        %dma_start3A_52 = tpu.memref_squeeze %dma_start3A_51 : memref<1x16x160x128xi32, #tpu.memory_space<hbm>> -> memref<16x160x128xi32, #tpu.memory_space<hbm>>
        %dma_start3A_53 = arith.constant 0 : i32
        %dma_start3A_54 = arith.constant 0 : i32
        %dma_start3A_55 = tpu.memref_slice %dma_start3A_52[%arg1, %dma_start3A_53, %dma_start3A_54] : memref<16x160x128xi32, #tpu.memory_space<hbm>> -> memref<1x160x128xi32, #tpu.memory_space<hbm>>
        %dma_start3A_56 = tpu.memref_squeeze %dma_start3A_55 : memref<1x160x128xi32, #tpu.memory_space<hbm>> -> memref<160x128xi32, #tpu.memory_space<hbm>>
        %dma_start3A_57 = arith.constant 0 : i32
        %dma_start3A_58 = tpu.memref_slice %dma_start3A_56[%mul3A_21, %dma_start3A_57] : memref<160x128xi32, #tpu.memory_space<hbm>> -> memref<40x128xi32, #tpu.memory_space<hbm>>
        %dma_start3A_59 = arith.constant 0 : i32
        %dma_start3A_60 = arith.constant 0 : i32
        %dma_start3A_61 = arith.constant 0 : i32
        %dma_start3A_62 = tpu.memref_slice %arg4[%arg0, %dma_start3A_59, %dma_start3A_60, %dma_start3A_61] : memref<2x16x160x128xi32, #tpu.memory_space<hbm>> -> memref<1x16x160x128xi32, #tpu.memory_space<hbm>>
        %dma_start3A_63 = tpu.memref_squeeze %dma_start3A_62 : memref<1x16x160x128xi32, #tpu.memory_space<hbm>> -> memref<16x160x128xi32, #tpu.memory_space<hbm>>
        %dma_start3A_64 = arith.constant 0 : i32
        %dma_start3A_65 = arith.constant 0 : i32
        %dma_start3A_66 = tpu.memref_slice %dma_start3A_63[%arg1, %dma_start3A_64, %dma_start3A_65] : memref<16x160x128xi32, #tpu.memory_space<hbm>> -> memref<1x160x128xi32, #tpu.memory_space<hbm>>
        %dma_start3A_67 = tpu.memref_squeeze %dma_start3A_66 : memref<1x160x128xi32, #tpu.memory_space<hbm>> -> memref<160x128xi32, #tpu.memory_space<hbm>>
        %dma_start3A_68 = arith.constant 0 : i32
        %dma_start3A_69 = tpu.memref_slice %dma_start3A_67[%mul3A_21, %dma_start3A_68] : memref<160x128xi32, #tpu.memory_space<hbm>> -> memref<40x128xi32, #tpu.memory_space<hbm>>
        tpu.enqueue_dma source(%dma_start3A_69 : memref<40x128xi32, #tpu.memory_space<hbm>>) target(%arg8 : memref<40x128xi32, #tpu.memory_space<vmem>>) target_semaphore(%run_scoped3A : memref<!tpu.dma_semaphore, #tpu.memory_space<semaphore_mem>>)
        %dma_wait3A = arith.constant 0 : i32
        %dma_wait3A_70 = arith.constant 0 : i32
        %dma_wait3A_71 = arith.constant 0 : i32
        %dma_wait3A_72 = tpu.memref_slice %arg4[%arg0, %dma_wait3A, %dma_wait3A_70, %dma_wait3A_71] : memref<2x16x160x128xi32, #tpu.memory_space<hbm>> -> memref<1x16x160x128xi32, #tpu.memory_space<hbm>>
        %dma_wait3A_73 = tpu.memref_squeeze %dma_wait3A_72 : memref<1x16x160x128xi32, #tpu.memory_space<hbm>> -> memref<16x160x128xi32, #tpu.memory_space<hbm>>
        %dma_wait3A_74 = arith.constant 0 : i32
        %dma_wait3A_75 = arith.constant 0 : i32
        %dma_wait3A_76 = tpu.memref_slice %dma_wait3A_73[%arg1, %dma_wait3A_74, %dma_wait3A_75] : memref<16x160x128xi32, #tpu.memory_space<hbm>> -> memref<1x160x128xi32, #tpu.memory_space<hbm>>
        %dma_wait3A_77 = tpu.memref_squeeze %dma_wait3A_76 : memref<1x160x128xi32, #tpu.memory_space<hbm>> -> memref<160x128xi32, #tpu.memory_space<hbm>>
        %dma_wait3A_78 = arith.constant 0 : i32
        %dma_wait3A_79 = tpu.memref_slice %dma_wait3A_77[%mul3A_21, %dma_wait3A_78] : memref<160x128xi32, #tpu.memory_space<hbm>> -> memref<40x128xi32, #tpu.memory_space<hbm>>
        %dma_wait3A_80 = arith.constant 0 : i32
        %dma_wait3A_81 = arith.constant 0 : i32
        %dma_wait3A_82 = arith.constant 0 : i32
        %dma_wait3A_83 = tpu.memref_slice %arg4[%arg0, %dma_wait3A_80, %dma_wait3A_81, %dma_wait3A_82] : memref<2x16x160x128xi32, #tpu.memory_space<hbm>> -> memref<1x16x160x128xi32, #tpu.memory_space<hbm>>
        %dma_wait3A_84 = tpu.memref_squeeze %dma_wait3A_83 : memref<1x16x160x128xi32, #tpu.memory_space<hbm>> -> memref<16x160x128xi32, #tpu.memory_space<hbm>>
        %dma_wait3A_85 = arith.constant 0 : i32
        %dma_wait3A_86 = arith.constant 0 : i32
        %dma_wait3A_87 = tpu.memref_slice %dma_wait3A_84[%arg1, %dma_wait3A_85, %dma_wait3A_86] : memref<16x160x128xi32, #tpu.memory_space<hbm>> -> memref<1x160x128xi32, #tpu.memory_space<hbm>>
        %dma_wait3A_88 = tpu.memref_squeeze %dma_wait3A_87 : memref<1x160x128xi32, #tpu.memory_space<hbm>> -> memref<160x128xi32, #tpu.memory_space<hbm>>
        %dma_wait3A_89 = arith.constant 0 : i32
        %dma_wait3A_90 = tpu.memref_slice %dma_wait3A_88[%mul3A_21, %dma_wait3A_89] : memref<160x128xi32, #tpu.memory_space<hbm>> -> memref<40x128xi32, #tpu.memory_space<hbm>>
        tpu.wait_dma2 semaphore(%run_scoped3A : memref<!tpu.dma_semaphore, #tpu.memory_space<semaphore_mem>>) src(%dma_wait3A_90 : memref<40x128xi32, #tpu.memory_space<hbm>>) dst(%arg8 : memref<40x128xi32, #tpu.memory_space<vmem>>)
        tpu.yield
      }) : () -> ()
      %dma_start3A = arith.constant 0 : i32
      %dma_start3A_22 = arith.constant 0 : i32
      %dma_start3A_23 = tpu.memref_slice %arg7[%dma_start3A, %dma_start3A_22] : memref<40x128xi32, #tpu.memory_space<vmem>> -> memref<1x128xi32, #tpu.memory_space<vmem>>
      %dma_start3A_24 = tpu.memref_squeeze %dma_start3A_23 : memref<1x128xi32, #tpu.memory_space<vmem>> -> memref<128xi32, #tpu.memory_space<vmem>>
      %dma_start3A_25 = arith.constant 0 : i32
      %dma_start3A_26 = arith.constant 0 : i32
      %dma_start3A_27 = tpu.memref_slice %arg2[%arg0, %dma_start3A_25, %dma_start3A_26] : memref<2x10240x128xf32, #tpu.memory_space<hbm>> -> memref<1x10240x128xf32, #tpu.memory_space<hbm>>
      %dma_start3A_28 = tpu.memref_squeeze %dma_start3A_27 : memref<1x10240x128xf32, #tpu.memory_space<hbm>> -> memref<10240x128xf32, #tpu.memory_space<hbm>>
      %dma_start3A_29 = arith.constant 0 : i32
      %dma_start3A_30 = arith.constant 0 : i32
      %dma_start3A_31 = tpu.memref_slice %dma_start3A_28[%dma_start3A_29, %dma_start3A_30] : memref<10240x128xf32, #tpu.memory_space<hbm>> -> memref<10240x128xf32, #tpu.memory_space<hbm>>
      tpu.enqueue_indirect_dma source(%dma_start3A_31 : memref<10240x128xf32, #tpu.memory_space<hbm>>) target(%arg9 : memref<128x128xf32, #tpu.memory_space<vmem>>) offsets(%dma_start3A_24 : memref<128xi32, #tpu.memory_space<vmem>>) semaphore(%arg12 : memref<!tpu.dma_semaphore, #tpu.memory_space<semaphore_mem>>)
      %dma_start3A_32 = arith.constant 1 : i32
      %dma_start3A_33 = arith.constant 0 : i32
      %dma_start3A_34 = tpu.memref_slice %arg7[%dma_start3A_32, %dma_start3A_33] : memref<40x128xi32, #tpu.memory_space<vmem>> -> memref<1x128xi32, #tpu.memory_space<vmem>>
      %dma_start3A_35 = tpu.memref_squeeze %dma_start3A_34 : memref<1x128xi32, #tpu.memory_space<vmem>> -> memref<128xi32, #tpu.memory_space<vmem>>
      %dma_start3A_36 = arith.constant 0 : i32
      %dma_start3A_37 = arith.constant 0 : i32
      %dma_start3A_38 = tpu.memref_slice %arg2[%arg0, %dma_start3A_36, %dma_start3A_37] : memref<2x10240x128xf32, #tpu.memory_space<hbm>> -> memref<1x10240x128xf32, #tpu.memory_space<hbm>>
      %dma_start3A_39 = tpu.memref_squeeze %dma_start3A_38 : memref<1x10240x128xf32, #tpu.memory_space<hbm>> -> memref<10240x128xf32, #tpu.memory_space<hbm>>
      %dma_start3A_40 = arith.constant 0 : i32
      %dma_start3A_41 = arith.constant 0 : i32
      %dma_start3A_42 = tpu.memref_slice %dma_start3A_39[%dma_start3A_40, %dma_start3A_41] : memref<10240x128xf32, #tpu.memory_space<hbm>> -> memref<10240x128xf32, #tpu.memory_space<hbm>>
      tpu.enqueue_indirect_dma source(%dma_start3A_42 : memref<10240x128xf32, #tpu.memory_space<hbm>>) target(%arg10 : memref<128x128xf32, #tpu.memory_space<vmem>>) offsets(%dma_start3A_35 : memref<128xi32, #tpu.memory_space<vmem>>) semaphore(%arg13 : memref<!tpu.dma_semaphore, #tpu.memory_space<semaphore_mem>>)
      %scan3A_43 = arith.constant 0 : i32
      %scan3A_44 = arith.constant 20 : i32
      %scan3A_45 = arith.addi %scan3A_43, %scan3A_44 : i32
      %scan3A_46 = arith.constant 1 : i32
      scf.for %scan3A_48 = %scan3A_43 to %scan3A_45 step %scan3A_46  : i32 {
        %mul3A_49 = arith.constant 1 : i32
        %mul3A_50 = arith.muli %scan3A_48, %mul3A_49 : i32
        %add3A_51 = arith.constant 0 : i32
        %add3A_52 = arith.addi %add3A_51, %mul3A_50 : i32
        %mul3A_53 = arith.constant 2 : i32
        %mul3A_54 = arith.muli %mul3A_53, %add3A_52 : i32
        %add3A_55 = arith.constant 0 : i32
        %add3A_56 = arith.addi %mul3A_54, %add3A_55 : i32
        %dma_wait3A = arith.constant 0 : i32
        %dma_wait3A_57 = tpu.memref_slice %arg7[%add3A_56, %dma_wait3A] : memref<40x128xi32, #tpu.memory_space<vmem>> -> memref<1x128xi32, #tpu.memory_space<vmem>>
        %dma_wait3A_58 = tpu.memref_squeeze %dma_wait3A_57 : memref<1x128xi32, #tpu.memory_space<vmem>> -> memref<128xi32, #tpu.memory_space<vmem>>
        %dma_wait3A_59 = arith.constant 0 : i32
        %dma_wait3A_60 = arith.constant 0 : i32
        %dma_wait3A_61 = tpu.memref_slice %arg2[%arg0, %dma_wait3A_59, %dma_wait3A_60] : memref<2x10240x128xf32, #tpu.memory_space<hbm>> -> memref<1x10240x128xf32, #tpu.memory_space<hbm>>
        %dma_wait3A_62 = tpu.memref_squeeze %dma_wait3A_61 : memref<1x10240x128xf32, #tpu.memory_space<hbm>> -> memref<10240x128xf32, #tpu.memory_space<hbm>>
        %dma_wait3A_63 = arith.constant 0 : i32
        %dma_wait3A_64 = arith.constant 0 : i32
        %dma_wait3A_65 = tpu.memref_slice %dma_wait3A_62[%dma_wait3A_63, %dma_wait3A_64] : memref<10240x128xf32, #tpu.memory_space<hbm>> -> memref<10240x128xf32, #tpu.memory_space<hbm>>
        tpu.wait_indirect_dma semaphore(%arg12 : memref<!tpu.dma_semaphore, #tpu.memory_space<semaphore_mem>>) src(%dma_wait3A_65 : memref<10240x128xf32, #tpu.memory_space<hbm>>) dst(%arg9 : memref<128x128xf32, #tpu.memory_space<vmem>>)
        "tpu.region"() ({
          %run_scoped3A = tpu.sem_alloc : memref<!tpu.dma_semaphore, #tpu.memory_space<semaphore_mem>>
          %dma_start3A_89 = arith.constant 0 : i32
          %dma_start3A_90 = tpu.memref_slice %arg8[%add3A_56, %dma_start3A_89] : memref<40x128xi32, #tpu.memory_space<vmem>> -> memref<1x128xi32, #tpu.memory_space<vmem>>
          %dma_start3A_91 = tpu.memref_squeeze %dma_start3A_90 : memref<1x128xi32, #tpu.memory_space<vmem>> -> memref<128xi32, #tpu.memory_space<vmem>>
          %dma_start3A_92 = arith.constant 0 : i32
          %dma_start3A_93 = arith.constant 0 : i32
          %dma_start3A_94 = tpu.memref_slice %arg11[%dma_start3A_92, %dma_start3A_93] : memref<10240x128xf32, #tpu.memory_space<vmem_shared>> -> memref<10240x128xf32, #tpu.memory_space<vmem_shared>>
          tpu.enqueue_indirect_dma source(%arg9 : memref<128x128xf32, #tpu.memory_space<vmem>>) target(%dma_start3A_94 : memref<10240x128xf32, #tpu.memory_space<vmem_shared>>) offsets(%dma_start3A_91 : memref<128xi32, #tpu.memory_space<vmem>>) semaphore(%run_scoped3A : memref<!tpu.dma_semaphore, #tpu.memory_space<semaphore_mem>>) {add = true}
          %dma_wait3A_95 = arith.constant 0 : i32
          %dma_wait3A_96 = tpu.memref_slice %arg8[%add3A_56, %dma_wait3A_95] : memref<40x128xi32, #tpu.memory_space<vmem>> -> memref<1x128xi32, #tpu.memory_space<vmem>>
          %dma_wait3A_97 = tpu.memref_squeeze %dma_wait3A_96 : memref<1x128xi32, #tpu.memory_space<vmem>> -> memref<128xi32, #tpu.memory_space<vmem>>
          %dma_wait3A_98 = arith.constant 0 : i32
          %dma_wait3A_99 = arith.constant 0 : i32
          %dma_wait3A_100 = tpu.memref_slice %arg11[%dma_wait3A_98, %dma_wait3A_99] : memref<10240x128xf32, #tpu.memory_space<vmem_shared>> -> memref<10240x128xf32, #tpu.memory_space<vmem_shared>>
          tpu.wait_indirect_dma semaphore(%run_scoped3A : memref<!tpu.dma_semaphore, #tpu.memory_space<semaphore_mem>>) src(%arg9 : memref<128x128xf32, #tpu.memory_space<vmem>>) dst(%dma_wait3A_100 : memref<10240x128xf32, #tpu.memory_space<vmem_shared>>)
          tpu.yield
        }) : () -> ()
        %add3A_66 = arith.constant 2 : i32
        %add3A_67 = arith.addi %add3A_56, %add3A_66 : i32
        %lt3A = arith.constant 40 : i32
        %lt3A_68 = arith.cmpi slt, %add3A_67, %lt3A : i32
        %convert_element_type3A = arith.extui %lt3A_68 : i1 to i32
        %cond3A = arith.constant 0 : i32
        %cond3A_69 = arith.cmpi ne, %convert_element_type3A, %cond3A : i32
        scf.if %cond3A_69 {
          %add3A_89 = arith.constant 2 : i32
          %add3A_90 = arith.addi %add3A_56, %add3A_89 : i32
          %dma_start3A_91 = arith.constant 0 : i32
          %dma_start3A_92 = tpu.memref_slice %arg7[%add3A_90, %dma_start3A_91] : memref<40x128xi32, #tpu.memory_space<vmem>> -> memref<1x128xi32, #tpu.memory_space<vmem>>
          %dma_start3A_93 = tpu.memref_squeeze %dma_start3A_92 : memref<1x128xi32, #tpu.memory_space<vmem>> -> memref<128xi32, #tpu.memory_space<vmem>>
          %dma_start3A_94 = arith.constant 0 : i32
          %dma_start3A_95 = arith.constant 0 : i32
          %dma_start3A_96 = tpu.memref_slice %arg2[%arg0, %dma_start3A_94, %dma_start3A_95] : memref<2x10240x128xf32, #tpu.memory_space<hbm>> -> memref<1x10240x128xf32, #tpu.memory_space<hbm>>
          %dma_start3A_97 = tpu.memref_squeeze %dma_start3A_96 : memref<1x10240x128xf32, #tpu.memory_space<hbm>> -> memref<10240x128xf32, #tpu.memory_space<hbm>>
          %dma_start3A_98 = arith.constant 0 : i32
          %dma_start3A_99 = arith.constant 0 : i32
          %dma_start3A_100 = tpu.memref_slice %dma_start3A_97[%dma_start3A_98, %dma_start3A_99] : memref<10240x128xf32, #tpu.memory_space<hbm>> -> memref<10240x128xf32, #tpu.memory_space<hbm>>
          tpu.enqueue_indirect_dma source(%dma_start3A_100 : memref<10240x128xf32, #tpu.memory_space<hbm>>) target(%arg9 : memref<128x128xf32, #tpu.memory_space<vmem>>) offsets(%dma_start3A_93 : memref<128xi32, #tpu.memory_space<vmem>>) semaphore(%arg12 : memref<!tpu.dma_semaphore, #tpu.memory_space<semaphore_mem>>)
        } else {
        }
        %add3A_70 = arith.constant 1 : i32
        %add3A_71 = arith.addi %mul3A_54, %add3A_70 : i32
        %dma_wait3A_72 = arith.constant 0 : i32
        %dma_wait3A_73 = tpu.memref_slice %arg7[%add3A_71, %dma_wait3A_72] : memref<40x128xi32, #tpu.memory_space<vmem>> -> memref<1x128xi32, #tpu.memory_space<vmem>>
        %dma_wait3A_74 = tpu.memref_squeeze %dma_wait3A_73 : memref<1x128xi32, #tpu.memory_space<vmem>> -> memref<128xi32, #tpu.memory_space<vmem>>
        %dma_wait3A_75 = arith.constant 0 : i32
        %dma_wait3A_76 = arith.constant 0 : i32
        %dma_wait3A_77 = tpu.memref_slice %arg2[%arg0, %dma_wait3A_75, %dma_wait3A_76] : memref<2x10240x128xf32, #tpu.memory_space<hbm>> -> memref<1x10240x128xf32, #tpu.memory_space<hbm>>
        %dma_wait3A_78 = tpu.memref_squeeze %dma_wait3A_77 : memref<1x10240x128xf32, #tpu.memory_space<hbm>> -> memref<10240x128xf32, #tpu.memory_space<hbm>>
        %dma_wait3A_79 = arith.constant 0 : i32
        %dma_wait3A_80 = arith.constant 0 : i32
        %dma_wait3A_81 = tpu.memref_slice %dma_wait3A_78[%dma_wait3A_79, %dma_wait3A_80] : memref<10240x128xf32, #tpu.memory_space<hbm>> -> memref<10240x128xf32, #tpu.memory_space<hbm>>
        tpu.wait_indirect_dma semaphore(%arg13 : memref<!tpu.dma_semaphore, #tpu.memory_space<semaphore_mem>>) src(%dma_wait3A_81 : memref<10240x128xf32, #tpu.memory_space<hbm>>) dst(%arg10 : memref<128x128xf32, #tpu.memory_space<vmem>>)
        "tpu.region"() ({
          %run_scoped3A = tpu.sem_alloc : memref<!tpu.dma_semaphore, #tpu.memory_space<semaphore_mem>>
          %dma_start3A_89 = arith.constant 0 : i32
          %dma_start3A_90 = tpu.memref_slice %arg8[%add3A_71, %dma_start3A_89] : memref<40x128xi32, #tpu.memory_space<vmem>> -> memref<1x128xi32, #tpu.memory_space<vmem>>
          %dma_start3A_91 = tpu.memref_squeeze %dma_start3A_90 : memref<1x128xi32, #tpu.memory_space<vmem>> -> memref<128xi32, #tpu.memory_space<vmem>>
          %dma_start3A_92 = arith.constant 0 : i32
          %dma_start3A_93 = arith.constant 0 : i32
          %dma_start3A_94 = tpu.memref_slice %arg11[%dma_start3A_92, %dma_start3A_93] : memref<10240x128xf32, #tpu.memory_space<vmem_shared>> -> memref<10240x128xf32, #tpu.memory_space<vmem_shared>>
          tpu.enqueue_indirect_dma source(%arg10 : memref<128x128xf32, #tpu.memory_space<vmem>>) target(%dma_start3A_94 : memref<10240x128xf32, #tpu.memory_space<vmem_shared>>) offsets(%dma_start3A_91 : memref<128xi32, #tpu.memory_space<vmem>>) semaphore(%run_scoped3A : memref<!tpu.dma_semaphore, #tpu.memory_space<semaphore_mem>>) {add = true}
          %dma_wait3A_95 = arith.constant 0 : i32
          %dma_wait3A_96 = tpu.memref_slice %arg8[%add3A_71, %dma_wait3A_95] : memref<40x128xi32, #tpu.memory_space<vmem>> -> memref<1x128xi32, #tpu.memory_space<vmem>>
          %dma_wait3A_97 = tpu.memref_squeeze %dma_wait3A_96 : memref<1x128xi32, #tpu.memory_space<vmem>> -> memref<128xi32, #tpu.memory_space<vmem>>
          %dma_wait3A_98 = arith.constant 0 : i32
          %dma_wait3A_99 = arith.constant 0 : i32
          %dma_wait3A_100 = tpu.memref_slice %arg11[%dma_wait3A_98, %dma_wait3A_99] : memref<10240x128xf32, #tpu.memory_space<vmem_shared>> -> memref<10240x128xf32, #tpu.memory_space<vmem_shared>>
          tpu.wait_indirect_dma semaphore(%run_scoped3A : memref<!tpu.dma_semaphore, #tpu.memory_space<semaphore_mem>>) src(%arg10 : memref<128x128xf32, #tpu.memory_space<vmem>>) dst(%dma_wait3A_100 : memref<10240x128xf32, #tpu.memory_space<vmem_shared>>)
          tpu.yield
        }) : () -> ()
        %add3A_82 = arith.constant 2 : i32
        %add3A_83 = arith.addi %add3A_71, %add3A_82 : i32
        %lt3A_84 = arith.constant 40 : i32
        %lt3A_85 = arith.cmpi slt, %add3A_83, %lt3A_84 : i32
        %convert_element_type3A_86 = arith.extui %lt3A_85 : i1 to i32
        %cond3A_87 = arith.constant 0 : i32
        %cond3A_88 = arith.cmpi ne, %convert_element_type3A_86, %cond3A_87 : i32
        scf.if %cond3A_88 {
          %add3A_89 = arith.constant 2 : i32
          %add3A_90 = arith.addi %add3A_71, %add3A_89 : i32
          %dma_start3A_91 = arith.constant 0 : i32
          %dma_start3A_92 = tpu.memref_slice %arg7[%add3A_90, %dma_start3A_91] : memref<40x128xi32, #tpu.memory_space<vmem>> -> memref<1x128xi32, #tpu.memory_space<vmem>>
          %dma_start3A_93 = tpu.memref_squeeze %dma_start3A_92 : memref<1x128xi32, #tpu.memory_space<vmem>> -> memref<128xi32, #tpu.memory_space<vmem>>
          %dma_start3A_94 = arith.constant 0 : i32
          %dma_start3A_95 = arith.constant 0 : i32
          %dma_start3A_96 = tpu.memref_slice %arg2[%arg0, %dma_start3A_94, %dma_start3A_95] : memref<2x10240x128xf32, #tpu.memory_space<hbm>> -> memref<1x10240x128xf32, #tpu.memory_space<hbm>>
          %dma_start3A_97 = tpu.memref_squeeze %dma_start3A_96 : memref<1x10240x128xf32, #tpu.memory_space<hbm>> -> memref<10240x128xf32, #tpu.memory_space<hbm>>
          %dma_start3A_98 = arith.constant 0 : i32
          %dma_start3A_99 = arith.constant 0 : i32
          %dma_start3A_100 = tpu.memref_slice %dma_start3A_97[%dma_start3A_98, %dma_start3A_99] : memref<10240x128xf32, #tpu.memory_space<hbm>> -> memref<10240x128xf32, #tpu.memory_space<hbm>>
          tpu.enqueue_indirect_dma source(%dma_start3A_100 : memref<10240x128xf32, #tpu.memory_space<hbm>>) target(%arg10 : memref<128x128xf32, #tpu.memory_space<vmem>>) offsets(%dma_start3A_93 : memref<128xi32, #tpu.memory_space<vmem>>) semaphore(%arg13 : memref<!tpu.dma_semaphore, #tpu.memory_space<semaphore_mem>>)
        } else {
        }
      }
      %scan3A_47 = arith.constant 20 : i32
    }
    %scan3A_7 = arith.constant 4 : i32
    %barrier3A_8 = arith.constant 0 : index
    tpu.barrier barrier_id(%barrier3A_8)
    %mul3A_9 = arith.constant 640 : i32
    %mul3A_10 = arith.muli %arg1, %mul3A_9 : i32
    %mul3A_11 = arith.constant 640 : i32
    %mul3A_12 = arith.muli %arg1, %mul3A_11 : i32
    "tpu.region"() ({
      %run_scoped3A = tpu.sem_alloc : memref<!tpu.dma_semaphore, #tpu.memory_space<semaphore_mem>>
      %dma_start3A = arith.constant 0 : i32
      %dma_start3A_13 = arith.constant 0 : i32
      %dma_start3A_14 = tpu.memref_slice %arg6[%arg0, %dma_start3A, %dma_start3A_13] : memref<2x10240x128xf32, #tpu.memory_space<hbm>> -> memref<1x10240x128xf32, #tpu.memory_space<hbm>>
      %dma_start3A_15 = tpu.memref_squeeze %dma_start3A_14 : memref<1x10240x128xf32, #tpu.memory_space<hbm>> -> memref<10240x128xf32, #tpu.memory_space<hbm>>
      %dma_start3A_16 = arith.constant 0 : i32
      %dma_start3A_17 = tpu.memref_slice %dma_start3A_15[%mul3A_12, %dma_start3A_16] : memref<10240x128xf32, #tpu.memory_space<hbm>> -> memref<640x128xf32, #tpu.memory_space<hbm>>
      %dma_start3A_18 = arith.constant 0 : i32
      %dma_start3A_19 = tpu.memref_slice %arg11[%mul3A_10, %dma_start3A_18] : memref<10240x128xf32, #tpu.memory_space<vmem_shared>> -> memref<640x128xf32, #tpu.memory_space<vmem_shared>>
      tpu.enqueue_dma source(%dma_start3A_19 : memref<640x128xf32, #tpu.memory_space<vmem_shared>>) target(%dma_start3A_17 : memref<640x128xf32, #tpu.memory_space<hbm>>) target_semaphore(%run_scoped3A : memref<!tpu.dma_semaphore, #tpu.memory_space<semaphore_mem>>)
      %dma_wait3A = arith.constant 0 : i32
      %dma_wait3A_20 = arith.constant 0 : i32
      %dma_wait3A_21 = tpu.memref_slice %arg6[%arg0, %dma_wait3A, %dma_wait3A_20] : memref<2x10240x128xf32, #tpu.memory_space<hbm>> -> memref<1x10240x128xf32, #tpu.memory_space<hbm>>
      %dma_wait3A_22 = tpu.memref_squeeze %dma_wait3A_21 : memref<1x10240x128xf32, #tpu.memory_space<hbm>> -> memref<10240x128xf32, #tpu.memory_space<hbm>>
      %dma_wait3A_23 = arith.constant 0 : i32
      %dma_wait3A_24 = tpu.memref_slice %dma_wait3A_22[%mul3A_12, %dma_wait3A_23] : memref<10240x128xf32, #tpu.memory_space<hbm>> -> memref<640x128xf32, #tpu.memory_space<hbm>>
      %dma_wait3A_25 = arith.constant 0 : i32
      %dma_wait3A_26 = tpu.memref_slice %arg11[%mul3A_10, %dma_wait3A_25] : memref<10240x128xf32, #tpu.memory_space<vmem_shared>> -> memref<640x128xf32, #tpu.memory_space<vmem_shared>>
      tpu.wait_dma2 semaphore(%run_scoped3A : memref<!tpu.dma_semaphore, #tpu.memory_space<semaphore_mem>>) src(%dma_wait3A_26 : memref<640x128xf32, #tpu.memory_space<vmem_shared>>) dst(%dma_wait3A_24 : memref<640x128xf32, #tpu.memory_space<hbm>>)
      tpu.yield
    }) : () -> ()
    return
  }
}

#map = affine_map<(d0, d1) -> (0, 0, 0, 0, 0)>
#map1 = affine_map<(d0, d1) -> (0)>
#map2 = affine_map<(d0, d1) -> (0, 0, 0, 0)>
module attributes {stable_mosaic.version = 14 : i64} {
  func.func @hist_k(%arg0: i32, %arg1: i32, %arg2: memref<2x2x16x160x128xi32, #tpu.memory_space<hbm>>, %arg3: memref<10240xf32, #tpu.memory_space<hbm>>, %arg4: memref<2x2x16x10240xf32, #tpu.memory_space<hbm>>, %arg5: memref<160x128xi32, #tpu.memory_space<vmem>>, %arg6: memref<10240xf32, #tpu.memory_space<vmem>>) attributes {dimension_semantics = [#tpu.dimension_semantics<core_parallel>, #tpu.dimension_semantics<subcore_parallel>], iteration_bounds = array<i64: 2, 16>, scalar_prefetch = 0 : i64, scratch_operands = 2 : i64, tpu.core_type = #tpu.core_type<sc_vector_subcore>, window_params = [{transform_indices = #map}, {transform_indices = #map1}, {transform_indices = #map2}]} {
    %broadcast_in_dim3A = arith.constant 1.000000e+00 : f32
    %broadcast_in_dim3A_0 = vector.broadcast %broadcast_in_dim3A : f32 to vector<16xf32>
    %run_scoped3A = arith.constant 0 : i32
    "tpu.region"() ({
      %run_scoped3A_13 = tpu.sem_alloc : memref<!tpu.dma_semaphore, #tpu.memory_space<semaphore_mem>>
      %dma_start3A = arith.constant 0 : i32
      %dma_start3A_14 = arith.constant 0 : i32
      %dma_start3A_15 = arith.constant 0 : i32
      %dma_start3A_16 = arith.constant 0 : i32
      %dma_start3A_17 = tpu.memref_slice %arg2[%run_scoped3A, %dma_start3A, %dma_start3A_14, %dma_start3A_15, %dma_start3A_16] : memref<2x2x16x160x128xi32, #tpu.memory_space<hbm>> -> memref<1x2x16x160x128xi32, #tpu.memory_space<hbm>>
      %dma_start3A_18 = tpu.memref_squeeze %dma_start3A_17 : memref<1x2x16x160x128xi32, #tpu.memory_space<hbm>> -> memref<2x16x160x128xi32, #tpu.memory_space<hbm>>
      %dma_start3A_19 = arith.constant 0 : i32
      %dma_start3A_20 = arith.constant 0 : i32
      %dma_start3A_21 = arith.constant 0 : i32
      %dma_start3A_22 = tpu.memref_slice %dma_start3A_18[%arg0, %dma_start3A_19, %dma_start3A_20, %dma_start3A_21] : memref<2x16x160x128xi32, #tpu.memory_space<hbm>> -> memref<1x16x160x128xi32, #tpu.memory_space<hbm>>
      %dma_start3A_23 = tpu.memref_squeeze %dma_start3A_22 : memref<1x16x160x128xi32, #tpu.memory_space<hbm>> -> memref<16x160x128xi32, #tpu.memory_space<hbm>>
      %dma_start3A_24 = arith.constant 0 : i32
      %dma_start3A_25 = arith.constant 0 : i32
      %dma_start3A_26 = tpu.memref_slice %dma_start3A_23[%arg1, %dma_start3A_24, %dma_start3A_25] : memref<16x160x128xi32, #tpu.memory_space<hbm>> -> memref<1x160x128xi32, #tpu.memory_space<hbm>>
      %dma_start3A_27 = tpu.memref_squeeze %dma_start3A_26 : memref<1x160x128xi32, #tpu.memory_space<hbm>> -> memref<160x128xi32, #tpu.memory_space<hbm>>
      %dma_start3A_28 = arith.constant 0 : i32
      %dma_start3A_29 = arith.constant 0 : i32
      %dma_start3A_30 = arith.constant 0 : i32
      %dma_start3A_31 = arith.constant 0 : i32
      %dma_start3A_32 = tpu.memref_slice %arg2[%run_scoped3A, %dma_start3A_28, %dma_start3A_29, %dma_start3A_30, %dma_start3A_31] : memref<2x2x16x160x128xi32, #tpu.memory_space<hbm>> -> memref<1x2x16x160x128xi32, #tpu.memory_space<hbm>>
      %dma_start3A_33 = tpu.memref_squeeze %dma_start3A_32 : memref<1x2x16x160x128xi32, #tpu.memory_space<hbm>> -> memref<2x16x160x128xi32, #tpu.memory_space<hbm>>
      %dma_start3A_34 = arith.constant 0 : i32
      %dma_start3A_35 = arith.constant 0 : i32
      %dma_start3A_36 = arith.constant 0 : i32
      %dma_start3A_37 = tpu.memref_slice %dma_start3A_33[%arg0, %dma_start3A_34, %dma_start3A_35, %dma_start3A_36] : memref<2x16x160x128xi32, #tpu.memory_space<hbm>> -> memref<1x16x160x128xi32, #tpu.memory_space<hbm>>
      %dma_start3A_38 = tpu.memref_squeeze %dma_start3A_37 : memref<1x16x160x128xi32, #tpu.memory_space<hbm>> -> memref<16x160x128xi32, #tpu.memory_space<hbm>>
      %dma_start3A_39 = arith.constant 0 : i32
      %dma_start3A_40 = arith.constant 0 : i32
      %dma_start3A_41 = tpu.memref_slice %dma_start3A_38[%arg1, %dma_start3A_39, %dma_start3A_40] : memref<16x160x128xi32, #tpu.memory_space<hbm>> -> memref<1x160x128xi32, #tpu.memory_space<hbm>>
      %dma_start3A_42 = tpu.memref_squeeze %dma_start3A_41 : memref<1x160x128xi32, #tpu.memory_space<hbm>> -> memref<160x128xi32, #tpu.memory_space<hbm>>
      tpu.enqueue_dma source(%dma_start3A_42 : memref<160x128xi32, #tpu.memory_space<hbm>>) target(%arg5 : memref<160x128xi32, #tpu.memory_space<vmem>>) target_semaphore(%run_scoped3A_13 : memref<!tpu.dma_semaphore, #tpu.memory_space<semaphore_mem>>)
      %dma_wait3A = arith.constant 0 : i32
      %dma_wait3A_43 = arith.constant 0 : i32
      %dma_wait3A_44 = arith.constant 0 : i32
      %dma_wait3A_45 = arith.constant 0 : i32
      %dma_wait3A_46 = tpu.memref_slice %arg2[%run_scoped3A, %dma_wait3A, %dma_wait3A_43, %dma_wait3A_44, %dma_wait3A_45] : memref<2x2x16x160x128xi32, #tpu.memory_space<hbm>> -> memref<1x2x16x160x128xi32, #tpu.memory_space<hbm>>
      %dma_wait3A_47 = tpu.memref_squeeze %dma_wait3A_46 : memref<1x2x16x160x128xi32, #tpu.memory_space<hbm>> -> memref<2x16x160x128xi32, #tpu.memory_space<hbm>>
      %dma_wait3A_48 = arith.constant 0 : i32
      %dma_wait3A_49 = arith.constant 0 : i32
      %dma_wait3A_50 = arith.constant 0 : i32
      %dma_wait3A_51 = tpu.memref_slice %dma_wait3A_47[%arg0, %dma_wait3A_48, %dma_wait3A_49, %dma_wait3A_50] : memref<2x16x160x128xi32, #tpu.memory_space<hbm>> -> memref<1x16x160x128xi32, #tpu.memory_space<hbm>>
      %dma_wait3A_52 = tpu.memref_squeeze %dma_wait3A_51 : memref<1x16x160x128xi32, #tpu.memory_space<hbm>> -> memref<16x160x128xi32, #tpu.memory_space<hbm>>
      %dma_wait3A_53 = arith.constant 0 : i32
      %dma_wait3A_54 = arith.constant 0 : i32
      %dma_wait3A_55 = tpu.memref_slice %dma_wait3A_52[%arg1, %dma_wait3A_53, %dma_wait3A_54] : memref<16x160x128xi32, #tpu.memory_space<hbm>> -> memref<1x160x128xi32, #tpu.memory_space<hbm>>
      %dma_wait3A_56 = tpu.memref_squeeze %dma_wait3A_55 : memref<1x160x128xi32, #tpu.memory_space<hbm>> -> memref<160x128xi32, #tpu.memory_space<hbm>>
      %dma_wait3A_57 = arith.constant 0 : i32
      %dma_wait3A_58 = arith.constant 0 : i32
      %dma_wait3A_59 = arith.constant 0 : i32
      %dma_wait3A_60 = arith.constant 0 : i32
      %dma_wait3A_61 = tpu.memref_slice %arg2[%run_scoped3A, %dma_wait3A_57, %dma_wait3A_58, %dma_wait3A_59, %dma_wait3A_60] : memref<2x2x16x160x128xi32, #tpu.memory_space<hbm>> -> memref<1x2x16x160x128xi32, #tpu.memory_space<hbm>>
      %dma_wait3A_62 = tpu.memref_squeeze %dma_wait3A_61 : memref<1x2x16x160x128xi32, #tpu.memory_space<hbm>> -> memref<2x16x160x128xi32, #tpu.memory_space<hbm>>
      %dma_wait3A_63 = arith.constant 0 : i32
      %dma_wait3A_64 = arith.constant 0 : i32
      %dma_wait3A_65 = arith.constant 0 : i32
      %dma_wait3A_66 = tpu.memref_slice %dma_wait3A_62[%arg0, %dma_wait3A_63, %dma_wait3A_64, %dma_wait3A_65] : memref<2x16x160x128xi32, #tpu.memory_space<hbm>> -> memref<1x16x160x128xi32, #tpu.memory_space<hbm>>
      %dma_wait3A_67 = tpu.memref_squeeze %dma_wait3A_66 : memref<1x16x160x128xi32, #tpu.memory_space<hbm>> -> memref<16x160x128xi32, #tpu.memory_space<hbm>>
      %dma_wait3A_68 = arith.constant 0 : i32
      %dma_wait3A_69 = arith.constant 0 : i32
      %dma_wait3A_70 = tpu.memref_slice %dma_wait3A_67[%arg1, %dma_wait3A_68, %dma_wait3A_69] : memref<16x160x128xi32, #tpu.memory_space<hbm>> -> memref<1x160x128xi32, #tpu.memory_space<hbm>>
      %dma_wait3A_71 = tpu.memref_squeeze %dma_wait3A_70 : memref<1x160x128xi32, #tpu.memory_space<hbm>> -> memref<160x128xi32, #tpu.memory_space<hbm>>
      tpu.wait_dma2 semaphore(%run_scoped3A_13 : memref<!tpu.dma_semaphore, #tpu.memory_space<semaphore_mem>>) src(%dma_wait3A_71 : memref<160x128xi32, #tpu.memory_space<hbm>>) dst(%arg5 : memref<160x128xi32, #tpu.memory_space<vmem>>)
      tpu.yield
    }) : () -> ()
    "tpu.region"() ({
      %run_scoped3A_13 = tpu.sem_alloc : memref<!tpu.dma_semaphore, #tpu.memory_space<semaphore_mem>>
      tpu.enqueue_dma source(%arg3 : memref<10240xf32, #tpu.memory_space<hbm>>) target(%arg6 : memref<10240xf32, #tpu.memory_space<vmem>>) target_semaphore(%run_scoped3A_13 : memref<!tpu.dma_semaphore, #tpu.memory_space<semaphore_mem>>)
      tpu.wait_dma2 semaphore(%run_scoped3A_13 : memref<!tpu.dma_semaphore, #tpu.memory_space<semaphore_mem>>) src(%arg3 : memref<10240xf32, #tpu.memory_space<hbm>>) dst(%arg6 : memref<10240xf32, #tpu.memory_space<vmem>>)
      tpu.yield
    }) : () -> ()
    %scan3A = arith.constant 0 : i32
    %scan3A_1 = arith.constant 160 : i32
    %scan3A_2 = arith.addi %scan3A, %scan3A_1 : i32
    %scan3A_3 = arith.constant 1 : i32
    scf.for %scan3A_13 = %scan3A to %scan3A_2 step %scan3A_3  : i32 {
      %mul3A = arith.constant 1 : i32
      %mul3A_14 = arith.muli %scan3A_13, %mul3A : i32
      %add3A = arith.constant 0 : i32
      %add3A_15 = arith.addi %add3A, %mul3A_14 : i32
      %get3A = arith.index_cast %add3A_15 : i32 to index
      %get3A_16 = arith.constant 0 : index
      %get3A_17 = tpu.vector_load %arg5[%get3A, %get3A_16] {strides = array<i32>} : memref<160x128xi32, #tpu.memory_space<vmem>>, vector<16xi32>,
      tpu.vector_store_idx %arg6[%get3A_17], %broadcast_in_dim3A_0 {add = true} : memref<10240xf32, #tpu.memory_space<vmem>>[vector<16xi32>], vector<16xf32>,
      %get3A_18 = arith.index_cast %add3A_15 : i32 to index
      %get3A_19 = arith.constant 16 : index
      %get3A_20 = tpu.vector_load %arg5[%get3A_18, %get3A_19] {strides = array<i32>} : memref<160x128xi32, #tpu.memory_space<vmem>>, vector<16xi32>,
      tpu.vector_store_idx %arg6[%get3A_20], %broadcast_in_dim3A_0 {add = true} : memref<10240xf32, #tpu.memory_space<vmem>>[vector<16xi32>], vector<16xf32>,
      %get3A_21 = arith.index_cast %add3A_15 : i32 to index
      %get3A_22 = arith.constant 32 : index
      %get3A_23 = tpu.vector_load %arg5[%get3A_21, %get3A_22] {strides = array<i32>} : memref<160x128xi32, #tpu.memory_space<vmem>>, vector<16xi32>,
      tpu.vector_store_idx %arg6[%get3A_23], %broadcast_in_dim3A_0 {add = true} : memref<10240xf32, #tpu.memory_space<vmem>>[vector<16xi32>], vector<16xf32>,
      %get3A_24 = arith.index_cast %add3A_15 : i32 to index
      %get3A_25 = arith.constant 48 : index
      %get3A_26 = tpu.vector_load %arg5[%get3A_24, %get3A_25] {strides = array<i32>} : memref<160x128xi32, #tpu.memory_space<vmem>>, vector<16xi32>,
      tpu.vector_store_idx %arg6[%get3A_26], %broadcast_in_dim3A_0 {add = true} : memref<10240xf32, #tpu.memory_space<vmem>>[vector<16xi32>], vector<16xf32>,
      %get3A_27 = arith.index_cast %add3A_15 : i32 to index
      %get3A_28 = arith.constant 64 : index
      %get3A_29 = tpu.vector_load %arg5[%get3A_27, %get3A_28] {strides = array<i32>} : memref<160x128xi32, #tpu.memory_space<vmem>>, vector<16xi32>,
      tpu.vector_store_idx %arg6[%get3A_29], %broadcast_in_dim3A_0 {add = true} : memref<10240xf32, #tpu.memory_space<vmem>>[vector<16xi32>], vector<16xf32>,
      %get3A_30 = arith.index_cast %add3A_15 : i32 to index
      %get3A_31 = arith.constant 80 : index
      %get3A_32 = tpu.vector_load %arg5[%get3A_30, %get3A_31] {strides = array<i32>} : memref<160x128xi32, #tpu.memory_space<vmem>>, vector<16xi32>,
      tpu.vector_store_idx %arg6[%get3A_32], %broadcast_in_dim3A_0 {add = true} : memref<10240xf32, #tpu.memory_space<vmem>>[vector<16xi32>], vector<16xf32>,
      %get3A_33 = arith.index_cast %add3A_15 : i32 to index
      %get3A_34 = arith.constant 96 : index
      %get3A_35 = tpu.vector_load %arg5[%get3A_33, %get3A_34] {strides = array<i32>} : memref<160x128xi32, #tpu.memory_space<vmem>>, vector<16xi32>,
      tpu.vector_store_idx %arg6[%get3A_35], %broadcast_in_dim3A_0 {add = true} : memref<10240xf32, #tpu.memory_space<vmem>>[vector<16xi32>], vector<16xf32>,
      %get3A_36 = arith.index_cast %add3A_15 : i32 to index
      %get3A_37 = arith.constant 112 : index
      %get3A_38 = tpu.vector_load %arg5[%get3A_36, %get3A_37] {strides = array<i32>} : memref<160x128xi32, #tpu.memory_space<vmem>>, vector<16xi32>,
      tpu.vector_store_idx %arg6[%get3A_38], %broadcast_in_dim3A_0 {add = true} : memref<10240xf32, #tpu.memory_space<vmem>>[vector<16xi32>], vector<16xf32>,
    }
    %scan3A_4 = arith.constant 160 : i32
    %run_scoped3A_5 = arith.constant 0 : i32
    "tpu.region"() ({
      %run_scoped3A_13 = tpu.sem_alloc : memref<!tpu.dma_semaphore, #tpu.memory_space<semaphore_mem>>
      %dma_start3A = arith.constant 0 : i32
      %dma_start3A_14 = arith.constant 0 : i32
      %dma_start3A_15 = arith.constant 0 : i32
      %dma_start3A_16 = tpu.memref_slice %arg4[%run_scoped3A_5, %dma_start3A, %dma_start3A_14, %dma_start3A_15] : memref<2x2x16x10240xf32, #tpu.memory_space<hbm>> -> memref<1x2x16x10240xf32, #tpu.memory_space<hbm>>
      %dma_start3A_17 = tpu.memref_squeeze %dma_start3A_16 : memref<1x2x16x10240xf32, #tpu.memory_space<hbm>> -> memref<2x16x10240xf32, #tpu.memory_space<hbm>>
      %dma_start3A_18 = arith.constant 0 : i32
      %dma_start3A_19 = arith.constant 0 : i32
      %dma_start3A_20 = tpu.memref_slice %dma_start3A_17[%arg0, %dma_start3A_18, %dma_start3A_19] : memref<2x16x10240xf32, #tpu.memory_space<hbm>> -> memref<1x16x10240xf32, #tpu.memory_space<hbm>>
      %dma_start3A_21 = tpu.memref_squeeze %dma_start3A_20 : memref<1x16x10240xf32, #tpu.memory_space<hbm>> -> memref<16x10240xf32, #tpu.memory_space<hbm>>
      %dma_start3A_22 = arith.constant 0 : i32
      %dma_start3A_23 = tpu.memref_slice %dma_start3A_21[%arg1, %dma_start3A_22] : memref<16x10240xf32, #tpu.memory_space<hbm>> -> memref<1x10240xf32, #tpu.memory_space<hbm>>
      %dma_start3A_24 = tpu.memref_squeeze %dma_start3A_23 : memref<1x10240xf32, #tpu.memory_space<hbm>> -> memref<10240xf32, #tpu.memory_space<hbm>>
      %dma_start3A_25 = arith.constant 0 : i32
      %dma_start3A_26 = arith.constant 0 : i32
      %dma_start3A_27 = arith.constant 0 : i32
      %dma_start3A_28 = tpu.memref_slice %arg4[%run_scoped3A_5, %dma_start3A_25, %dma_start3A_26, %dma_start3A_27] : memref<2x2x16x10240xf32, #tpu.memory_space<hbm>> -> memref<1x2x16x10240xf32, #tpu.memory_space<hbm>>
      %dma_start3A_29 = tpu.memref_squeeze %dma_start3A_28 : memref<1x2x16x10240xf32, #tpu.memory_space<hbm>> -> memref<2x16x10240xf32, #tpu.memory_space<hbm>>
      %dma_start3A_30 = arith.constant 0 : i32
      %dma_start3A_31 = arith.constant 0 : i32
      %dma_start3A_32 = tpu.memref_slice %dma_start3A_29[%arg0, %dma_start3A_30, %dma_start3A_31] : memref<2x16x10240xf32, #tpu.memory_space<hbm>> -> memref<1x16x10240xf32, #tpu.memory_space<hbm>>
      %dma_start3A_33 = tpu.memref_squeeze %dma_start3A_32 : memref<1x16x10240xf32, #tpu.memory_space<hbm>> -> memref<16x10240xf32, #tpu.memory_space<hbm>>
      %dma_start3A_34 = arith.constant 0 : i32
      %dma_start3A_35 = tpu.memref_slice %dma_start3A_33[%arg1, %dma_start3A_34] : memref<16x10240xf32, #tpu.memory_space<hbm>> -> memref<1x10240xf32, #tpu.memory_space<hbm>>
      %dma_start3A_36 = tpu.memref_squeeze %dma_start3A_35 : memref<1x10240xf32, #tpu.memory_space<hbm>> -> memref<10240xf32, #tpu.memory_space<hbm>>
      tpu.enqueue_dma source(%arg6 : memref<10240xf32, #tpu.memory_space<vmem>>) target(%dma_start3A_36 : memref<10240xf32, #tpu.memory_space<hbm>>) target_semaphore(%run_scoped3A_13 : memref<!tpu.dma_semaphore, #tpu.memory_space<semaphore_mem>>)
      %dma_wait3A = arith.constant 0 : i32
      %dma_wait3A_37 = arith.constant 0 : i32
      %dma_wait3A_38 = arith.constant 0 : i32
      %dma_wait3A_39 = tpu.memref_slice %arg4[%run_scoped3A_5, %dma_wait3A, %dma_wait3A_37, %dma_wait3A_38] : memref<2x2x16x10240xf32, #tpu.memory_space<hbm>> -> memref<1x2x16x10240xf32, #tpu.memory_space<hbm>>
      %dma_wait3A_40 = tpu.memref_squeeze %dma_wait3A_39 : memref<1x2x16x10240xf32, #tpu.memory_space<hbm>> -> memref<2x16x10240xf32, #tpu.memory_space<hbm>>
      %dma_wait3A_41 = arith.constant 0 : i32
      %dma_wait3A_42 = arith.constant 0 : i32
      %dma_wait3A_43 = tpu.memref_slice %dma_wait3A_40[%arg0, %dma_wait3A_41, %dma_wait3A_42] : memref<2x16x10240xf32, #tpu.memory_space<hbm>> -> memref<1x16x10240xf32, #tpu.memory_space<hbm>>
      %dma_wait3A_44 = tpu.memref_squeeze %dma_wait3A_43 : memref<1x16x10240xf32, #tpu.memory_space<hbm>> -> memref<16x10240xf32, #tpu.memory_space<hbm>>
      %dma_wait3A_45 = arith.constant 0 : i32
      %dma_wait3A_46 = tpu.memref_slice %dma_wait3A_44[%arg1, %dma_wait3A_45] : memref<16x10240xf32, #tpu.memory_space<hbm>> -> memref<1x10240xf32, #tpu.memory_space<hbm>>
      %dma_wait3A_47 = tpu.memref_squeeze %dma_wait3A_46 : memref<1x10240xf32, #tpu.memory_space<hbm>> -> memref<10240xf32, #tpu.memory_space<hbm>>
      %dma_wait3A_48 = arith.constant 0 : i32
      %dma_wait3A_49 = arith.constant 0 : i32
      %dma_wait3A_50 = arith.constant 0 : i32
      %dma_wait3A_51 = tpu.memref_slice %arg4[%run_scoped3A_5, %dma_wait3A_48, %dma_wait3A_49, %dma_wait3A_50] : memref<2x2x16x10240xf32, #tpu.memory_space<hbm>> -> memref<1x2x16x10240xf32, #tpu.memory_space<hbm>>
      %dma_wait3A_52 = tpu.memref_squeeze %dma_wait3A_51 : memref<1x2x16x10240xf32, #tpu.memory_space<hbm>> -> memref<2x16x10240xf32, #tpu.memory_space<hbm>>
      %dma_wait3A_53 = arith.constant 0 : i32
      %dma_wait3A_54 = arith.constant 0 : i32
      %dma_wait3A_55 = tpu.memref_slice %dma_wait3A_52[%arg0, %dma_wait3A_53, %dma_wait3A_54] : memref<2x16x10240xf32, #tpu.memory_space<hbm>> -> memref<1x16x10240xf32, #tpu.memory_space<hbm>>
      %dma_wait3A_56 = tpu.memref_squeeze %dma_wait3A_55 : memref<1x16x10240xf32, #tpu.memory_space<hbm>> -> memref<16x10240xf32, #tpu.memory_space<hbm>>
      %dma_wait3A_57 = arith.constant 0 : i32
      %dma_wait3A_58 = tpu.memref_slice %dma_wait3A_56[%arg1, %dma_wait3A_57] : memref<16x10240xf32, #tpu.memory_space<hbm>> -> memref<1x10240xf32, #tpu.memory_space<hbm>>
      %dma_wait3A_59 = tpu.memref_squeeze %dma_wait3A_58 : memref<1x10240xf32, #tpu.memory_space<hbm>> -> memref<10240xf32, #tpu.memory_space<hbm>>
      tpu.wait_dma2 semaphore(%run_scoped3A_13 : memref<!tpu.dma_semaphore, #tpu.memory_space<semaphore_mem>>) src(%arg6 : memref<10240xf32, #tpu.memory_space<vmem>>) dst(%dma_wait3A_59 : memref<10240xf32, #tpu.memory_space<hbm>>)
      tpu.yield
    }) : () -> ()
    %run_scoped3A_6 = arith.constant 1 : i32
    "tpu.region"() ({
      %run_scoped3A_13 = tpu.sem_alloc : memref<!tpu.dma_semaphore, #tpu.memory_space<semaphore_mem>>
      %dma_start3A = arith.constant 0 : i32
      %dma_start3A_14 = arith.constant 0 : i32
      %dma_start3A_15 = arith.constant 0 : i32
      %dma_start3A_16 = arith.constant 0 : i32
      %dma_start3A_17 = tpu.memref_slice %arg2[%run_scoped3A_6, %dma_start3A, %dma_start3A_14, %dma_start3A_15, %dma_start3A_16] : memref<2x2x16x160x128xi32, #tpu.memory_space<hbm>> -> memref<1x2x16x160x128xi32, #tpu.memory_space<hbm>>
      %dma_start3A_18 = tpu.memref_squeeze %dma_start3A_17 : memref<1x2x16x160x128xi32, #tpu.memory_space<hbm>> -> memref<2x16x160x128xi32, #tpu.memory_space<hbm>>
      %dma_start3A_19 = arith.constant 0 : i32
      %dma_start3A_20 = arith.constant 0 : i32
      %dma_start3A_21 = arith.constant 0 : i32
      %dma_start3A_22 = tpu.memref_slice %dma_start3A_18[%arg0, %dma_start3A_19, %dma_start3A_20, %dma_start3A_21] : memref<2x16x160x128xi32, #tpu.memory_space<hbm>> -> memref<1x16x160x128xi32, #tpu.memory_space<hbm>>
      %dma_start3A_23 = tpu.memref_squeeze %dma_start3A_22 : memref<1x16x160x128xi32, #tpu.memory_space<hbm>> -> memref<16x160x128xi32, #tpu.memory_space<hbm>>
      %dma_start3A_24 = arith.constant 0 : i32
      %dma_start3A_25 = arith.constant 0 : i32
      %dma_start3A_26 = tpu.memref_slice %dma_start3A_23[%arg1, %dma_start3A_24, %dma_start3A_25] : memref<16x160x128xi32, #tpu.memory_space<hbm>> -> memref<1x160x128xi32, #tpu.memory_space<hbm>>
      %dma_start3A_27 = tpu.memref_squeeze %dma_start3A_26 : memref<1x160x128xi32, #tpu.memory_space<hbm>> -> memref<160x128xi32, #tpu.memory_space<hbm>>
      %dma_start3A_28 = arith.constant 0 : i32
      %dma_start3A_29 = arith.constant 0 : i32
      %dma_start3A_30 = arith.constant 0 : i32
      %dma_start3A_31 = arith.constant 0 : i32
      %dma_start3A_32 = tpu.memref_slice %arg2[%run_scoped3A_6, %dma_start3A_28, %dma_start3A_29, %dma_start3A_30, %dma_start3A_31] : memref<2x2x16x160x128xi32, #tpu.memory_space<hbm>> -> memref<1x2x16x160x128xi32, #tpu.memory_space<hbm>>
      %dma_start3A_33 = tpu.memref_squeeze %dma_start3A_32 : memref<1x2x16x160x128xi32, #tpu.memory_space<hbm>> -> memref<2x16x160x128xi32, #tpu.memory_space<hbm>>
      %dma_start3A_34 = arith.constant 0 : i32
      %dma_start3A_35 = arith.constant 0 : i32
      %dma_start3A_36 = arith.constant 0 : i32
      %dma_start3A_37 = tpu.memref_slice %dma_start3A_33[%arg0, %dma_start3A_34, %dma_start3A_35, %dma_start3A_36] : memref<2x16x160x128xi32, #tpu.memory_space<hbm>> -> memref<1x16x160x128xi32, #tpu.memory_space<hbm>>
      %dma_start3A_38 = tpu.memref_squeeze %dma_start3A_37 : memref<1x16x160x128xi32, #tpu.memory_space<hbm>> -> memref<16x160x128xi32, #tpu.memory_space<hbm>>
      %dma_start3A_39 = arith.constant 0 : i32
      %dma_start3A_40 = arith.constant 0 : i32
      %dma_start3A_41 = tpu.memref_slice %dma_start3A_38[%arg1, %dma_start3A_39, %dma_start3A_40] : memref<16x160x128xi32, #tpu.memory_space<hbm>> -> memref<1x160x128xi32, #tpu.memory_space<hbm>>
      %dma_start3A_42 = tpu.memref_squeeze %dma_start3A_41 : memref<1x160x128xi32, #tpu.memory_space<hbm>> -> memref<160x128xi32, #tpu.memory_space<hbm>>
      tpu.enqueue_dma source(%dma_start3A_42 : memref<160x128xi32, #tpu.memory_space<hbm>>) target(%arg5 : memref<160x128xi32, #tpu.memory_space<vmem>>) target_semaphore(%run_scoped3A_13 : memref<!tpu.dma_semaphore, #tpu.memory_space<semaphore_mem>>)
      %dma_wait3A = arith.constant 0 : i32
      %dma_wait3A_43 = arith.constant 0 : i32
      %dma_wait3A_44 = arith.constant 0 : i32
      %dma_wait3A_45 = arith.constant 0 : i32
      %dma_wait3A_46 = tpu.memref_slice %arg2[%run_scoped3A_6, %dma_wait3A, %dma_wait3A_43, %dma_wait3A_44, %dma_wait3A_45] : memref<2x2x16x160x128xi32, #tpu.memory_space<hbm>> -> memref<1x2x16x160x128xi32, #tpu.memory_space<hbm>>
      %dma_wait3A_47 = tpu.memref_squeeze %dma_wait3A_46 : memref<1x2x16x160x128xi32, #tpu.memory_space<hbm>> -> memref<2x16x160x128xi32, #tpu.memory_space<hbm>>
      %dma_wait3A_48 = arith.constant 0 : i32
      %dma_wait3A_49 = arith.constant 0 : i32
      %dma_wait3A_50 = arith.constant 0 : i32
      %dma_wait3A_51 = tpu.memref_slice %dma_wait3A_47[%arg0, %dma_wait3A_48, %dma_wait3A_49, %dma_wait3A_50] : memref<2x16x160x128xi32, #tpu.memory_space<hbm>> -> memref<1x16x160x128xi32, #tpu.memory_space<hbm>>
      %dma_wait3A_52 = tpu.memref_squeeze %dma_wait3A_51 : memref<1x16x160x128xi32, #tpu.memory_space<hbm>> -> memref<16x160x128xi32, #tpu.memory_space<hbm>>
      %dma_wait3A_53 = arith.constant 0 : i32
      %dma_wait3A_54 = arith.constant 0 : i32
      %dma_wait3A_55 = tpu.memref_slice %dma_wait3A_52[%arg1, %dma_wait3A_53, %dma_wait3A_54] : memref<16x160x128xi32, #tpu.memory_space<hbm>> -> memref<1x160x128xi32, #tpu.memory_space<hbm>>
      %dma_wait3A_56 = tpu.memref_squeeze %dma_wait3A_55 : memref<1x160x128xi32, #tpu.memory_space<hbm>> -> memref<160x128xi32, #tpu.memory_space<hbm>>
      %dma_wait3A_57 = arith.constant 0 : i32
      %dma_wait3A_58 = arith.constant 0 : i32
      %dma_wait3A_59 = arith.constant 0 : i32
      %dma_wait3A_60 = arith.constant 0 : i32
      %dma_wait3A_61 = tpu.memref_slice %arg2[%run_scoped3A_6, %dma_wait3A_57, %dma_wait3A_58, %dma_wait3A_59, %dma_wait3A_60] : memref<2x2x16x160x128xi32, #tpu.memory_space<hbm>> -> memref<1x2x16x160x128xi32, #tpu.memory_space<hbm>>
      %dma_wait3A_62 = tpu.memref_squeeze %dma_wait3A_61 : memref<1x2x16x160x128xi32, #tpu.memory_space<hbm>> -> memref<2x16x160x128xi32, #tpu.memory_space<hbm>>
      %dma_wait3A_63 = arith.constant 0 : i32
      %dma_wait3A_64 = arith.constant 0 : i32
      %dma_wait3A_65 = arith.constant 0 : i32
      %dma_wait3A_66 = tpu.memref_slice %dma_wait3A_62[%arg0, %dma_wait3A_63, %dma_wait3A_64, %dma_wait3A_65] : memref<2x16x160x128xi32, #tpu.memory_space<hbm>> -> memref<1x16x160x128xi32, #tpu.memory_space<hbm>>
      %dma_wait3A_67 = tpu.memref_squeeze %dma_wait3A_66 : memref<1x16x160x128xi32, #tpu.memory_space<hbm>> -> memref<16x160x128xi32, #tpu.memory_space<hbm>>
      %dma_wait3A_68 = arith.constant 0 : i32
      %dma_wait3A_69 = arith.constant 0 : i32
      %dma_wait3A_70 = tpu.memref_slice %dma_wait3A_67[%arg1, %dma_wait3A_68, %dma_wait3A_69] : memref<16x160x128xi32, #tpu.memory_space<hbm>> -> memref<1x160x128xi32, #tpu.memory_space<hbm>>
      %dma_wait3A_71 = tpu.memref_squeeze %dma_wait3A_70 : memref<1x160x128xi32, #tpu.memory_space<hbm>> -> memref<160x128xi32, #tpu.memory_space<hbm>>
      tpu.wait_dma2 semaphore(%run_scoped3A_13 : memref<!tpu.dma_semaphore, #tpu.memory_space<semaphore_mem>>) src(%dma_wait3A_71 : memref<160x128xi32, #tpu.memory_space<hbm>>) dst(%arg5 : memref<160x128xi32, #tpu.memory_space<vmem>>)
      tpu.yield
    }) : () -> ()
    "tpu.region"() ({
      %run_scoped3A_13 = tpu.sem_alloc : memref<!tpu.dma_semaphore, #tpu.memory_space<semaphore_mem>>
      tpu.enqueue_dma source(%arg3 : memref<10240xf32, #tpu.memory_space<hbm>>) target(%arg6 : memref<10240xf32, #tpu.memory_space<vmem>>) target_semaphore(%run_scoped3A_13 : memref<!tpu.dma_semaphore, #tpu.memory_space<semaphore_mem>>)
      tpu.wait_dma2 semaphore(%run_scoped3A_13 : memref<!tpu.dma_semaphore, #tpu.memory_space<semaphore_mem>>) src(%arg3 : memref<10240xf32, #tpu.memory_space<hbm>>) dst(%arg6 : memref<10240xf32, #tpu.memory_space<vmem>>)
      tpu.yield
    }) : () -> ()
    %scan3A_7 = arith.constant 0 : i32
    %scan3A_8 = arith.constant 160 : i32
    %scan3A_9 = arith.addi %scan3A_7, %scan3A_8 : i32
    %scan3A_10 = arith.constant 1 : i32
    scf.for %scan3A_13 = %scan3A_7 to %scan3A_9 step %scan3A_10  : i32 {
      %mul3A = arith.constant 1 : i32
      %mul3A_14 = arith.muli %scan3A_13, %mul3A : i32
      %add3A = arith.constant 0 : i32
      %add3A_15 = arith.addi %add3A, %mul3A_14 : i32
      %get3A = arith.index_cast %add3A_15 : i32 to index
      %get3A_16 = arith.constant 0 : index
      %get3A_17 = tpu.vector_load %arg5[%get3A, %get3A_16] {strides = array<i32>} : memref<160x128xi32, #tpu.memory_space<vmem>>, vector<16xi32>,
      tpu.vector_store_idx %arg6[%get3A_17], %broadcast_in_dim3A_0 {add = true} : memref<10240xf32, #tpu.memory_space<vmem>>[vector<16xi32>], vector<16xf32>,
      %get3A_18 = arith.index_cast %add3A_15 : i32 to index
      %get3A_19 = arith.constant 16 : index
      %get3A_20 = tpu.vector_load %arg5[%get3A_18, %get3A_19] {strides = array<i32>} : memref<160x128xi32, #tpu.memory_space<vmem>>, vector<16xi32>,
      tpu.vector_store_idx %arg6[%get3A_20], %broadcast_in_dim3A_0 {add = true} : memref<10240xf32, #tpu.memory_space<vmem>>[vector<16xi32>], vector<16xf32>,
      %get3A_21 = arith.index_cast %add3A_15 : i32 to index
      %get3A_22 = arith.constant 32 : index
      %get3A_23 = tpu.vector_load %arg5[%get3A_21, %get3A_22] {strides = array<i32>} : memref<160x128xi32, #tpu.memory_space<vmem>>, vector<16xi32>,
      tpu.vector_store_idx %arg6[%get3A_23], %broadcast_in_dim3A_0 {add = true} : memref<10240xf32, #tpu.memory_space<vmem>>[vector<16xi32>], vector<16xf32>,
      %get3A_24 = arith.index_cast %add3A_15 : i32 to index
      %get3A_25 = arith.constant 48 : index
      %get3A_26 = tpu.vector_load %arg5[%get3A_24, %get3A_25] {strides = array<i32>} : memref<160x128xi32, #tpu.memory_space<vmem>>, vector<16xi32>,
      tpu.vector_store_idx %arg6[%get3A_26], %broadcast_in_dim3A_0 {add = true} : memref<10240xf32, #tpu.memory_space<vmem>>[vector<16xi32>], vector<16xf32>,
      %get3A_27 = arith.index_cast %add3A_15 : i32 to index
      %get3A_28 = arith.constant 64 : index
      %get3A_29 = tpu.vector_load %arg5[%get3A_27, %get3A_28] {strides = array<i32>} : memref<160x128xi32, #tpu.memory_space<vmem>>, vector<16xi32>,
      tpu.vector_store_idx %arg6[%get3A_29], %broadcast_in_dim3A_0 {add = true} : memref<10240xf32, #tpu.memory_space<vmem>>[vector<16xi32>], vector<16xf32>,
      %get3A_30 = arith.index_cast %add3A_15 : i32 to index
      %get3A_31 = arith.constant 80 : index
      %get3A_32 = tpu.vector_load %arg5[%get3A_30, %get3A_31] {strides = array<i32>} : memref<160x128xi32, #tpu.memory_space<vmem>>, vector<16xi32>,
      tpu.vector_store_idx %arg6[%get3A_32], %broadcast_in_dim3A_0 {add = true} : memref<10240xf32, #tpu.memory_space<vmem>>[vector<16xi32>], vector<16xf32>,
      %get3A_33 = arith.index_cast %add3A_15 : i32 to index
      %get3A_34 = arith.constant 96 : index
      %get3A_35 = tpu.vector_load %arg5[%get3A_33, %get3A_34] {strides = array<i32>} : memref<160x128xi32, #tpu.memory_space<vmem>>, vector<16xi32>,
      tpu.vector_store_idx %arg6[%get3A_35], %broadcast_in_dim3A_0 {add = true} : memref<10240xf32, #tpu.memory_space<vmem>>[vector<16xi32>], vector<16xf32>,
      %get3A_36 = arith.index_cast %add3A_15 : i32 to index
      %get3A_37 = arith.constant 112 : index
      %get3A_38 = tpu.vector_load %arg5[%get3A_36, %get3A_37] {strides = array<i32>} : memref<160x128xi32, #tpu.memory_space<vmem>>, vector<16xi32>,
      tpu.vector_store_idx %arg6[%get3A_38], %broadcast_in_dim3A_0 {add = true} : memref<10240xf32, #tpu.memory_space<vmem>>[vector<16xi32>], vector<16xf32>,
    }
    %scan3A_11 = arith.constant 160 : i32
    %run_scoped3A_12 = arith.constant 1 : i32
    "tpu.region"() ({
      %run_scoped3A_13 = tpu.sem_alloc : memref<!tpu.dma_semaphore, #tpu.memory_space<semaphore_mem>>
      %dma_start3A = arith.constant 0 : i32
      %dma_start3A_14 = arith.constant 0 : i32
      %dma_start3A_15 = arith.constant 0 : i32
      %dma_start3A_16 = tpu.memref_slice %arg4[%run_scoped3A_12, %dma_start3A, %dma_start3A_14, %dma_start3A_15] : memref<2x2x16x10240xf32, #tpu.memory_space<hbm>> -> memref<1x2x16x10240xf32, #tpu.memory_space<hbm>>
      %dma_start3A_17 = tpu.memref_squeeze %dma_start3A_16 : memref<1x2x16x10240xf32, #tpu.memory_space<hbm>> -> memref<2x16x10240xf32, #tpu.memory_space<hbm>>
      %dma_start3A_18 = arith.constant 0 : i32
      %dma_start3A_19 = arith.constant 0 : i32
      %dma_start3A_20 = tpu.memref_slice %dma_start3A_17[%arg0, %dma_start3A_18, %dma_start3A_19] : memref<2x16x10240xf32, #tpu.memory_space<hbm>> -> memref<1x16x10240xf32, #tpu.memory_space<hbm>>
      %dma_start3A_21 = tpu.memref_squeeze %dma_start3A_20 : memref<1x16x10240xf32, #tpu.memory_space<hbm>> -> memref<16x10240xf32, #tpu.memory_space<hbm>>
      %dma_start3A_22 = arith.constant 0 : i32
      %dma_start3A_23 = tpu.memref_slice %dma_start3A_21[%arg1, %dma_start3A_22] : memref<16x10240xf32, #tpu.memory_space<hbm>> -> memref<1x10240xf32, #tpu.memory_space<hbm>>
      %dma_start3A_24 = tpu.memref_squeeze %dma_start3A_23 : memref<1x10240xf32, #tpu.memory_space<hbm>> -> memref<10240xf32, #tpu.memory_space<hbm>>
      %dma_start3A_25 = arith.constant 0 : i32
      %dma_start3A_26 = arith.constant 0 : i32
      %dma_start3A_27 = arith.constant 0 : i32
      %dma_start3A_28 = tpu.memref_slice %arg4[%run_scoped3A_12, %dma_start3A_25, %dma_start3A_26, %dma_start3A_27] : memref<2x2x16x10240xf32, #tpu.memory_space<hbm>> -> memref<1x2x16x10240xf32, #tpu.memory_space<hbm>>
      %dma_start3A_29 = tpu.memref_squeeze %dma_start3A_28 : memref<1x2x16x10240xf32, #tpu.memory_space<hbm>> -> memref<2x16x10240xf32, #tpu.memory_space<hbm>>
      %dma_start3A_30 = arith.constant 0 : i32
      %dma_start3A_31 = arith.constant 0 : i32
      %dma_start3A_32 = tpu.memref_slice %dma_start3A_29[%arg0, %dma_start3A_30, %dma_start3A_31] : memref<2x16x10240xf32, #tpu.memory_space<hbm>> -> memref<1x16x10240xf32, #tpu.memory_space<hbm>>
      %dma_start3A_33 = tpu.memref_squeeze %dma_start3A_32 : memref<1x16x10240xf32, #tpu.memory_space<hbm>> -> memref<16x10240xf32, #tpu.memory_space<hbm>>
      %dma_start3A_34 = arith.constant 0 : i32
      %dma_start3A_35 = tpu.memref_slice %dma_start3A_33[%arg1, %dma_start3A_34] : memref<16x10240xf32, #tpu.memory_space<hbm>> -> memref<1x10240xf32, #tpu.memory_space<hbm>>
      %dma_start3A_36 = tpu.memref_squeeze %dma_start3A_35 : memref<1x10240xf32, #tpu.memory_space<hbm>> -> memref<10240xf32, #tpu.memory_space<hbm>>
      tpu.enqueue_dma source(%arg6 : memref<10240xf32, #tpu.memory_space<vmem>>) target(%dma_start3A_36 : memref<10240xf32, #tpu.memory_space<hbm>>) target_semaphore(%run_scoped3A_13 : memref<!tpu.dma_semaphore, #tpu.memory_space<semaphore_mem>>)
      %dma_wait3A = arith.constant 0 : i32
      %dma_wait3A_37 = arith.constant 0 : i32
      %dma_wait3A_38 = arith.constant 0 : i32
      %dma_wait3A_39 = tpu.memref_slice %arg4[%run_scoped3A_12, %dma_wait3A, %dma_wait3A_37, %dma_wait3A_38] : memref<2x2x16x10240xf32, #tpu.memory_space<hbm>> -> memref<1x2x16x10240xf32, #tpu.memory_space<hbm>>
      %dma_wait3A_40 = tpu.memref_squeeze %dma_wait3A_39 : memref<1x2x16x10240xf32, #tpu.memory_space<hbm>> -> memref<2x16x10240xf32, #tpu.memory_space<hbm>>
      %dma_wait3A_41 = arith.constant 0 : i32
      %dma_wait3A_42 = arith.constant 0 : i32
      %dma_wait3A_43 = tpu.memref_slice %dma_wait3A_40[%arg0, %dma_wait3A_41, %dma_wait3A_42] : memref<2x16x10240xf32, #tpu.memory_space<hbm>> -> memref<1x16x10240xf32, #tpu.memory_space<hbm>>
      %dma_wait3A_44 = tpu.memref_squeeze %dma_wait3A_43 : memref<1x16x10240xf32, #tpu.memory_space<hbm>> -> memref<16x10240xf32, #tpu.memory_space<hbm>>
      %dma_wait3A_45 = arith.constant 0 : i32
      %dma_wait3A_46 = tpu.memref_slice %dma_wait3A_44[%arg1, %dma_wait3A_45] : memref<16x10240xf32, #tpu.memory_space<hbm>> -> memref<1x10240xf32, #tpu.memory_space<hbm>>
      %dma_wait3A_47 = tpu.memref_squeeze %dma_wait3A_46 : memref<1x10240xf32, #tpu.memory_space<hbm>> -> memref<10240xf32, #tpu.memory_space<hbm>>
      %dma_wait3A_48 = arith.constant 0 : i32
      %dma_wait3A_49 = arith.constant 0 : i32
      %dma_wait3A_50 = arith.constant 0 : i32
      %dma_wait3A_51 = tpu.memref_slice %arg4[%run_scoped3A_12, %dma_wait3A_48, %dma_wait3A_49, %dma_wait3A_50] : memref<2x2x16x10240xf32, #tpu.memory_space<hbm>> -> memref<1x2x16x10240xf32, #tpu.memory_space<hbm>>
      %dma_wait3A_52 = tpu.memref_squeeze %dma_wait3A_51 : memref<1x2x16x10240xf32, #tpu.memory_space<hbm>> -> memref<2x16x10240xf32, #tpu.memory_space<hbm>>
      %dma_wait3A_53 = arith.constant 0 : i32
      %dma_wait3A_54 = arith.constant 0 : i32
      %dma_wait3A_55 = tpu.memref_slice %dma_wait3A_52[%arg0, %dma_wait3A_53, %dma_wait3A_54] : memref<2x16x10240xf32, #tpu.memory_space<hbm>> -> memref<1x16x10240xf32, #tpu.memory_space<hbm>>
      %dma_wait3A_56 = tpu.memref_squeeze %dma_wait3A_55 : memref<1x16x10240xf32, #tpu.memory_space<hbm>> -> memref<16x10240xf32, #tpu.memory_space<hbm>>
      %dma_wait3A_57 = arith.constant 0 : i32
      %dma_wait3A_58 = tpu.memref_slice %dma_wait3A_56[%arg1, %dma_wait3A_57] : memref<16x10240xf32, #tpu.memory_space<hbm>> -> memref<1x10240xf32, #tpu.memory_space<hbm>>
      %dma_wait3A_59 = tpu.memref_squeeze %dma_wait3A_58 : memref<1x10240xf32, #tpu.memory_space<hbm>> -> memref<10240xf32, #tpu.memory_space<hbm>>
      tpu.wait_dma2 semaphore(%run_scoped3A_13 : memref<!tpu.dma_semaphore, #tpu.memory_space<semaphore_mem>>) src(%arg6 : memref<10240xf32, #tpu.memory_space<vmem>>) dst(%dma_wait3A_59 : memref<10240xf32, #tpu.memory_space<hbm>>)
      tpu.yield
    }) : () -> ()
    return
  }
}

#map = affine_map<(d0, d1) -> (0, 0, 0)>
#map1 = affine_map<(d0, d1) -> (0, 0, 0, 0)>
#map2 = affine_map<(d0, d1) -> (0, 0)>
module attributes {stable_mosaic.version = 14 : i64} {
  func.func @agg_k(%arg0: i32, %arg1: i32, %arg2: memref<2x10240x128xf32, #tpu.memory_space<hbm>>, %arg3: memref<2x16x160x128xi32, #tpu.memory_space<hbm>>, %arg4: memref<2x16x160x128xi32, #tpu.memory_space<hbm>>, %arg5: memref<320x128xf32, #tpu.memory_space<hbm>>, %arg6: memref<2x10240x128xf32, #tpu.memory_space<hbm>>, %arg7: memref<40x128xi32, #tpu.memory_space<vmem>>, %arg8: memref<40x128xi32, #tpu.memory_space<vmem>>, %arg9: memref<128x128xf32, #tpu.memory_space<vmem>>, %arg10: memref<128x128xf32, #tpu.memory_space<vmem>>, %arg11: memref<10240x128xf32, #tpu.memory_space<vmem_shared>>, %arg12: memref<!tpu.dma_semaphore, #tpu.memory_space<semaphore_mem>>, %arg13: memref<!tpu.dma_semaphore, #tpu.memory_space<semaphore_mem>>) attributes {dimension_semantics = [#tpu.dimension_semantics<core_parallel>, #tpu.dimension_semantics<subcore_parallel>], iteration_bounds = array<i64: 2, 16>, scalar_prefetch = 0 : i64, scratch_operands = 7 : i64, tpu.core_type = #tpu.core_type<sc_vector_subcore>, window_params = [{transform_indices = #map}, {transform_indices = #map1}, {transform_indices = #map1}, {transform_indices = #map2}, {transform_indices = #map}]} {
    %mul3A = arith.constant 640 : i32
    %mul3A_0 = arith.muli %arg1, %mul3A : i32
    "tpu.region"() ({
      %run_scoped3A = tpu.sem_alloc : memref<!tpu.dma_semaphore, #tpu.memory_space<semaphore_mem>>
      %dma_start3A = arith.constant 0 : i32
      %dma_start3A_13 = tpu.memref_slice %arg11[%mul3A_0, %dma_start3A] : memref<10240x128xf32, #tpu.memory_space<vmem_shared>> -> memref<320x128xf32, #tpu.memory_space<vmem_shared>>
      tpu.enqueue_dma source(%arg5 : memref<320x128xf32, #tpu.memory_space<hbm>>) target(%dma_start3A_13 : memref<320x128xf32, #tpu.memory_space<vmem_shared>>) target_semaphore(%run_scoped3A : memref<!tpu.dma_semaphore, #tpu.memory_space<semaphore_mem>>)
      %dma_wait3A = arith.constant 0 : i32
      %dma_wait3A_14 = tpu.memref_slice %arg11[%mul3A_0, %dma_wait3A] : memref<10240x128xf32, #tpu.memory_space<vmem_shared>> -> memref<320x128xf32, #tpu.memory_space<vmem_shared>>
      tpu.wait_dma2 semaphore(%run_scoped3A : memref<!tpu.dma_semaphore, #tpu.memory_space<semaphore_mem>>) src(%arg5 : memref<320x128xf32, #tpu.memory_space<hbm>>) dst(%dma_wait3A_14 : memref<320x128xf32, #tpu.memory_space<vmem_shared>>)
      tpu.yield
    }) : () -> ()
    %mul3A_1 = arith.constant 640 : i32
    %mul3A_2 = arith.muli %arg1, %mul3A_1 : i32
    %add3A = arith.constant 320 : i32
    %add3A_3 = arith.addi %mul3A_2, %add3A : i32
    "tpu.region"() ({
      %run_scoped3A = tpu.sem_alloc : memref<!tpu.dma_semaphore, #tpu.memory_space<semaphore_mem>>
      %dma_start3A = arith.constant 0 : i32
      %dma_start3A_13 = tpu.memref_slice %arg11[%add3A_3, %dma_start3A] : memref<10240x128xf32, #tpu.memory_space<vmem_shared>> -> memref<320x128xf32, #tpu.memory_space<vmem_shared>>
      tpu.enqueue_dma source(%arg5 : memref<320x128xf32, #tpu.memory_space<hbm>>) target(%dma_start3A_13 : memref<320x128xf32, #tpu.memory_space<vmem_shared>>) target_semaphore(%run_scoped3A : memref<!tpu.dma_semaphore, #tpu.memory_space<semaphore_mem>>)
      %dma_wait3A = arith.constant 0 : i32
      %dma_wait3A_14 = tpu.memref_slice %arg11[%add3A_3, %dma_wait3A] : memref<10240x128xf32, #tpu.memory_space<vmem_shared>> -> memref<320x128xf32, #tpu.memory_space<vmem_shared>>
      tpu.wait_dma2 semaphore(%run_scoped3A : memref<!tpu.dma_semaphore, #tpu.memory_space<semaphore_mem>>) src(%arg5 : memref<320x128xf32, #tpu.memory_space<hbm>>) dst(%dma_wait3A_14 : memref<320x128xf32, #tpu.memory_space<vmem_shared>>)
      tpu.yield
    }) : () -> ()
    %barrier3A = arith.constant 0 : index
    tpu.barrier barrier_id(%barrier3A)
    %scan3A = arith.constant 0 : i32
    %scan3A_4 = arith.constant 4 : i32
    %scan3A_5 = arith.addi %scan3A, %scan3A_4 : i32
    %scan3A_6 = arith.constant 1 : i32
    scf.for %scan3A_13 = %scan3A to %scan3A_5 step %scan3A_6  : i32 {
      %mul3A_14 = arith.constant 1 : i32
      %mul3A_15 = arith.muli %scan3A_13, %mul3A_14 : i32
      %add3A_16 = arith.constant 0 : i32
      %add3A_17 = arith.addi %add3A_16, %mul3A_15 : i32
      %mul3A_18 = arith.constant 40 : i32
      %mul3A_19 = arith.muli %add3A_17, %mul3A_18 : i32
      "tpu.region"() ({
        %run_scoped3A = tpu.sem_alloc : memref<!tpu.dma_semaphore, #tpu.memory_space<semaphore_mem>>
        %dma_start3A_48 = arith.constant 0 : i32
        %dma_start3A_49 = arith.constant 0 : i32
        %dma_start3A_50 = arith.constant 0 : i32
        %dma_start3A_51 = tpu.memref_slice %arg3[%arg0, %dma_start3A_48, %dma_start3A_49, %dma_start3A_50] : memref<2x16x160x128xi32, #tpu.memory_space<hbm>> -> memref<1x16x160x128xi32, #tpu.memory_space<hbm>>
        %dma_start3A_52 = tpu.memref_squeeze %dma_start3A_51 : memref<1x16x160x128xi32, #tpu.memory_space<hbm>> -> memref<16x160x128xi32, #tpu.memory_space<hbm>>
        %dma_start3A_53 = arith.constant 0 : i32
        %dma_start3A_54 = arith.constant 0 : i32
        %dma_start3A_55 = tpu.memref_slice %dma_start3A_52[%arg1, %dma_start3A_53, %dma_start3A_54] : memref<16x160x128xi32, #tpu.memory_space<hbm>> -> memref<1x160x128xi32, #tpu.memory_space<hbm>>
        %dma_start3A_56 = tpu.memref_squeeze %dma_start3A_55 : memref<1x160x128xi32, #tpu.memory_space<hbm>> -> memref<160x128xi32, #tpu.memory_space<hbm>>
        %dma_start3A_57 = arith.constant 0 : i32
        %dma_start3A_58 = tpu.memref_slice %dma_start3A_56[%mul3A_19, %dma_start3A_57] : memref<160x128xi32, #tpu.memory_space<hbm>> -> memref<40x128xi32, #tpu.memory_space<hbm>>
        %dma_start3A_59 = arith.constant 0 : i32
        %dma_start3A_60 = arith.constant 0 : i32
        %dma_start3A_61 = arith.constant 0 : i32
        %dma_start3A_62 = tpu.memref_slice %arg3[%arg0, %dma_start3A_59, %dma_start3A_60, %dma_start3A_61] : memref<2x16x160x128xi32, #tpu.memory_space<hbm>> -> memref<1x16x160x128xi32, #tpu.memory_space<hbm>>
        %dma_start3A_63 = tpu.memref_squeeze %dma_start3A_62 : memref<1x16x160x128xi32, #tpu.memory_space<hbm>> -> memref<16x160x128xi32, #tpu.memory_space<hbm>>
        %dma_start3A_64 = arith.constant 0 : i32
        %dma_start3A_65 = arith.constant 0 : i32
        %dma_start3A_66 = tpu.memref_slice %dma_start3A_63[%arg1, %dma_start3A_64, %dma_start3A_65] : memref<16x160x128xi32, #tpu.memory_space<hbm>> -> memref<1x160x128xi32, #tpu.memory_space<hbm>>
        %dma_start3A_67 = tpu.memref_squeeze %dma_start3A_66 : memref<1x160x128xi32, #tpu.memory_space<hbm>> -> memref<160x128xi32, #tpu.memory_space<hbm>>
        %dma_start3A_68 = arith.constant 0 : i32
        %dma_start3A_69 = tpu.memref_slice %dma_start3A_67[%mul3A_19, %dma_start3A_68] : memref<160x128xi32, #tpu.memory_space<hbm>> -> memref<40x128xi32, #tpu.memory_space<hbm>>
        tpu.enqueue_dma source(%dma_start3A_69 : memref<40x128xi32, #tpu.memory_space<hbm>>) target(%arg7 : memref<40x128xi32, #tpu.memory_space<vmem>>) target_semaphore(%run_scoped3A : memref<!tpu.dma_semaphore, #tpu.memory_space<semaphore_mem>>)
        %dma_wait3A = arith.constant 0 : i32
        %dma_wait3A_70 = arith.constant 0 : i32
        %dma_wait3A_71 = arith.constant 0 : i32
        %dma_wait3A_72 = tpu.memref_slice %arg3[%arg0, %dma_wait3A, %dma_wait3A_70, %dma_wait3A_71] : memref<2x16x160x128xi32, #tpu.memory_space<hbm>> -> memref<1x16x160x128xi32, #tpu.memory_space<hbm>>
        %dma_wait3A_73 = tpu.memref_squeeze %dma_wait3A_72 : memref<1x16x160x128xi32, #tpu.memory_space<hbm>> -> memref<16x160x128xi32, #tpu.memory_space<hbm>>
        %dma_wait3A_74 = arith.constant 0 : i32
        %dma_wait3A_75 = arith.constant 0 : i32
        %dma_wait3A_76 = tpu.memref_slice %dma_wait3A_73[%arg1, %dma_wait3A_74, %dma_wait3A_75] : memref<16x160x128xi32, #tpu.memory_space<hbm>> -> memref<1x160x128xi32, #tpu.memory_space<hbm>>
        %dma_wait3A_77 = tpu.memref_squeeze %dma_wait3A_76 : memref<1x160x128xi32, #tpu.memory_space<hbm>> -> memref<160x128xi32, #tpu.memory_space<hbm>>
        %dma_wait3A_78 = arith.constant 0 : i32
        %dma_wait3A_79 = tpu.memref_slice %dma_wait3A_77[%mul3A_19, %dma_wait3A_78] : memref<160x128xi32, #tpu.memory_space<hbm>> -> memref<40x128xi32, #tpu.memory_space<hbm>>
        %dma_wait3A_80 = arith.constant 0 : i32
        %dma_wait3A_81 = arith.constant 0 : i32
        %dma_wait3A_82 = arith.constant 0 : i32
        %dma_wait3A_83 = tpu.memref_slice %arg3[%arg0, %dma_wait3A_80, %dma_wait3A_81, %dma_wait3A_82] : memref<2x16x160x128xi32, #tpu.memory_space<hbm>> -> memref<1x16x160x128xi32, #tpu.memory_space<hbm>>
        %dma_wait3A_84 = tpu.memref_squeeze %dma_wait3A_83 : memref<1x16x160x128xi32, #tpu.memory_space<hbm>> -> memref<16x160x128xi32, #tpu.memory_space<hbm>>
        %dma_wait3A_85 = arith.constant 0 : i32
        %dma_wait3A_86 = arith.constant 0 : i32
        %dma_wait3A_87 = tpu.memref_slice %dma_wait3A_84[%arg1, %dma_wait3A_85, %dma_wait3A_86] : memref<16x160x128xi32, #tpu.memory_space<hbm>> -> memref<1x160x128xi32, #tpu.memory_space<hbm>>
        %dma_wait3A_88 = tpu.memref_squeeze %dma_wait3A_87 : memref<1x160x128xi32, #tpu.memory_space<hbm>> -> memref<160x128xi32, #tpu.memory_space<hbm>>
        %dma_wait3A_89 = arith.constant 0 : i32
        %dma_wait3A_90 = tpu.memref_slice %dma_wait3A_88[%mul3A_19, %dma_wait3A_89] : memref<160x128xi32, #tpu.memory_space<hbm>> -> memref<40x128xi32, #tpu.memory_space<hbm>>
        tpu.wait_dma2 semaphore(%run_scoped3A : memref<!tpu.dma_semaphore, #tpu.memory_space<semaphore_mem>>) src(%dma_wait3A_90 : memref<40x128xi32, #tpu.memory_space<hbm>>) dst(%arg7 : memref<40x128xi32, #tpu.memory_space<vmem>>)
        tpu.yield
      }) : () -> ()
      %mul3A_20 = arith.constant 40 : i32
      %mul3A_21 = arith.muli %add3A_17, %mul3A_20 : i32
      "tpu.region"() ({
        %run_scoped3A = tpu.sem_alloc : memref<!tpu.dma_semaphore, #tpu.memory_space<semaphore_mem>>
        %dma_start3A_48 = arith.constant 0 : i32
        %dma_start3A_49 = arith.constant 0 : i32
        %dma_start3A_50 = arith.constant 0 : i32
        %dma_start3A_51 = tpu.memref_slice %arg4[%arg0, %dma_start3A_48, %dma_start3A_49, %dma_start3A_50] : memref<2x16x160x128xi32, #tpu.memory_space<hbm>> -> memref<1x16x160x128xi32, #tpu.memory_space<hbm>>
        %dma_start3A_52 = tpu.memref_squeeze %dma_start3A_51 : memref<1x16x160x128xi32, #tpu.memory_space<hbm>> -> memref<16x160x128xi32, #tpu.memory_space<hbm>>
        %dma_start3A_53 = arith.constant 0 : i32
        %dma_start3A_54 = arith.constant 0 : i32
        %dma_start3A_55 = tpu.memref_slice %dma_start3A_52[%arg1, %dma_start3A_53, %dma_start3A_54] : memref<16x160x128xi32, #tpu.memory_space<hbm>> -> memref<1x160x128xi32, #tpu.memory_space<hbm>>
        %dma_start3A_56 = tpu.memref_squeeze %dma_start3A_55 : memref<1x160x128xi32, #tpu.memory_space<hbm>> -> memref<160x128xi32, #tpu.memory_space<hbm>>
        %dma_start3A_57 = arith.constant 0 : i32
        %dma_start3A_58 = tpu.memref_slice %dma_start3A_56[%mul3A_21, %dma_start3A_57] : memref<160x128xi32, #tpu.memory_space<hbm>> -> memref<40x128xi32, #tpu.memory_space<hbm>>
        %dma_start3A_59 = arith.constant 0 : i32
        %dma_start3A_60 = arith.constant 0 : i32
        %dma_start3A_61 = arith.constant 0 : i32
        %dma_start3A_62 = tpu.memref_slice %arg4[%arg0, %dma_start3A_59, %dma_start3A_60, %dma_start3A_61] : memref<2x16x160x128xi32, #tpu.memory_space<hbm>> -> memref<1x16x160x128xi32, #tpu.memory_space<hbm>>
        %dma_start3A_63 = tpu.memref_squeeze %dma_start3A_62 : memref<1x16x160x128xi32, #tpu.memory_space<hbm>> -> memref<16x160x128xi32, #tpu.memory_space<hbm>>
        %dma_start3A_64 = arith.constant 0 : i32
        %dma_start3A_65 = arith.constant 0 : i32
        %dma_start3A_66 = tpu.memref_slice %dma_start3A_63[%arg1, %dma_start3A_64, %dma_start3A_65] : memref<16x160x128xi32, #tpu.memory_space<hbm>> -> memref<1x160x128xi32, #tpu.memory_space<hbm>>
        %dma_start3A_67 = tpu.memref_squeeze %dma_start3A_66 : memref<1x160x128xi32, #tpu.memory_space<hbm>> -> memref<160x128xi32, #tpu.memory_space<hbm>>
        %dma_start3A_68 = arith.constant 0 : i32
        %dma_start3A_69 = tpu.memref_slice %dma_start3A_67[%mul3A_21, %dma_start3A_68] : memref<160x128xi32, #tpu.memory_space<hbm>> -> memref<40x128xi32, #tpu.memory_space<hbm>>
        tpu.enqueue_dma source(%dma_start3A_69 : memref<40x128xi32, #tpu.memory_space<hbm>>) target(%arg8 : memref<40x128xi32, #tpu.memory_space<vmem>>) target_semaphore(%run_scoped3A : memref<!tpu.dma_semaphore, #tpu.memory_space<semaphore_mem>>)
        %dma_wait3A = arith.constant 0 : i32
        %dma_wait3A_70 = arith.constant 0 : i32
        %dma_wait3A_71 = arith.constant 0 : i32
        %dma_wait3A_72 = tpu.memref_slice %arg4[%arg0, %dma_wait3A, %dma_wait3A_70, %dma_wait3A_71] : memref<2x16x160x128xi32, #tpu.memory_space<hbm>> -> memref<1x16x160x128xi32, #tpu.memory_space<hbm>>
        %dma_wait3A_73 = tpu.memref_squeeze %dma_wait3A_72 : memref<1x16x160x128xi32, #tpu.memory_space<hbm>> -> memref<16x160x128xi32, #tpu.memory_space<hbm>>
        %dma_wait3A_74 = arith.constant 0 : i32
        %dma_wait3A_75 = arith.constant 0 : i32
        %dma_wait3A_76 = tpu.memref_slice %dma_wait3A_73[%arg1, %dma_wait3A_74, %dma_wait3A_75] : memref<16x160x128xi32, #tpu.memory_space<hbm>> -> memref<1x160x128xi32, #tpu.memory_space<hbm>>
        %dma_wait3A_77 = tpu.memref_squeeze %dma_wait3A_76 : memref<1x160x128xi32, #tpu.memory_space<hbm>> -> memref<160x128xi32, #tpu.memory_space<hbm>>
        %dma_wait3A_78 = arith.constant 0 : i32
        %dma_wait3A_79 = tpu.memref_slice %dma_wait3A_77[%mul3A_21, %dma_wait3A_78] : memref<160x128xi32, #tpu.memory_space<hbm>> -> memref<40x128xi32, #tpu.memory_space<hbm>>
        %dma_wait3A_80 = arith.constant 0 : i32
        %dma_wait3A_81 = arith.constant 0 : i32
        %dma_wait3A_82 = arith.constant 0 : i32
        %dma_wait3A_83 = tpu.memref_slice %arg4[%arg0, %dma_wait3A_80, %dma_wait3A_81, %dma_wait3A_82] : memref<2x16x160x128xi32, #tpu.memory_space<hbm>> -> memref<1x16x160x128xi32, #tpu.memory_space<hbm>>
        %dma_wait3A_84 = tpu.memref_squeeze %dma_wait3A_83 : memref<1x16x160x128xi32, #tpu.memory_space<hbm>> -> memref<16x160x128xi32, #tpu.memory_space<hbm>>
        %dma_wait3A_85 = arith.constant 0 : i32
        %dma_wait3A_86 = arith.constant 0 : i32
        %dma_wait3A_87 = tpu.memref_slice %dma_wait3A_84[%arg1, %dma_wait3A_85, %dma_wait3A_86] : memref<16x160x128xi32, #tpu.memory_space<hbm>> -> memref<1x160x128xi32, #tpu.memory_space<hbm>>
        %dma_wait3A_88 = tpu.memref_squeeze %dma_wait3A_87 : memref<1x160x128xi32, #tpu.memory_space<hbm>> -> memref<160x128xi32, #tpu.memory_space<hbm>>
        %dma_wait3A_89 = arith.constant 0 : i32
        %dma_wait3A_90 = tpu.memref_slice %dma_wait3A_88[%mul3A_21, %dma_wait3A_89] : memref<160x128xi32, #tpu.memory_space<hbm>> -> memref<40x128xi32, #tpu.memory_space<hbm>>
        tpu.wait_dma2 semaphore(%run_scoped3A : memref<!tpu.dma_semaphore, #tpu.memory_space<semaphore_mem>>) src(%dma_wait3A_90 : memref<40x128xi32, #tpu.memory_space<hbm>>) dst(%arg8 : memref<40x128xi32, #tpu.memory_space<vmem>>)
        tpu.yield
      }) : () -> ()
      %dma_start3A = arith.constant 0 : i32
      %dma_start3A_22 = arith.constant 0 : i32
      %dma_start3A_23 = tpu.memref_slice %arg7[%dma_start3A, %dma_start3A_22] : memref<40x128xi32, #tpu.memory_space<vmem>> -> memref<1x128xi32, #tpu.memory_space<vmem>>
      %dma_start3A_24 = tpu.memref_squeeze %dma_start3A_23 : memref<1x128xi32, #tpu.memory_space<vmem>> -> memref<128xi32, #tpu.memory_space<vmem>>
      %dma_start3A_25 = arith.constant 0 : i32
      %dma_start3A_26 = arith.constant 0 : i32
      %dma_start3A_27 = tpu.memref_slice %arg2[%arg0, %dma_start3A_25, %dma_start3A_26] : memref<2x10240x128xf32, #tpu.memory_space<hbm>> -> memref<1x10240x128xf32, #tpu.memory_space<hbm>>
      %dma_start3A_28 = tpu.memref_squeeze %dma_start3A_27 : memref<1x10240x128xf32, #tpu.memory_space<hbm>> -> memref<10240x128xf32, #tpu.memory_space<hbm>>
      %dma_start3A_29 = arith.constant 0 : i32
      %dma_start3A_30 = arith.constant 0 : i32
      %dma_start3A_31 = tpu.memref_slice %dma_start3A_28[%dma_start3A_29, %dma_start3A_30] : memref<10240x128xf32, #tpu.memory_space<hbm>> -> memref<10240x128xf32, #tpu.memory_space<hbm>>
      tpu.enqueue_indirect_dma source(%dma_start3A_31 : memref<10240x128xf32, #tpu.memory_space<hbm>>) target(%arg9 : memref<128x128xf32, #tpu.memory_space<vmem>>) offsets(%dma_start3A_24 : memref<128xi32, #tpu.memory_space<vmem>>) semaphore(%arg12 : memref<!tpu.dma_semaphore, #tpu.memory_space<semaphore_mem>>)
      %dma_start3A_32 = arith.constant 1 : i32
      %dma_start3A_33 = arith.constant 0 : i32
      %dma_start3A_34 = tpu.memref_slice %arg7[%dma_start3A_32, %dma_start3A_33] : memref<40x128xi32, #tpu.memory_space<vmem>> -> memref<1x128xi32, #tpu.memory_space<vmem>>
      %dma_start3A_35 = tpu.memref_squeeze %dma_start3A_34 : memref<1x128xi32, #tpu.memory_space<vmem>> -> memref<128xi32, #tpu.memory_space<vmem>>
      %dma_start3A_36 = arith.constant 0 : i32
      %dma_start3A_37 = arith.constant 0 : i32
      %dma_start3A_38 = tpu.memref_slice %arg2[%arg0, %dma_start3A_36, %dma_start3A_37] : memref<2x10240x128xf32, #tpu.memory_space<hbm>> -> memref<1x10240x128xf32, #tpu.memory_space<hbm>>
      %dma_start3A_39 = tpu.memref_squeeze %dma_start3A_38 : memref<1x10240x128xf32, #tpu.memory_space<hbm>> -> memref<10240x128xf32, #tpu.memory_space<hbm>>
      %dma_start3A_40 = arith.constant 0 : i32
      %dma_start3A_41 = arith.constant 0 : i32
      %dma_start3A_42 = tpu.memref_slice %dma_start3A_39[%dma_start3A_40, %dma_start3A_41] : memref<10240x128xf32, #tpu.memory_space<hbm>> -> memref<10240x128xf32, #tpu.memory_space<hbm>>
      tpu.enqueue_indirect_dma source(%dma_start3A_42 : memref<10240x128xf32, #tpu.memory_space<hbm>>) target(%arg10 : memref<128x128xf32, #tpu.memory_space<vmem>>) offsets(%dma_start3A_35 : memref<128xi32, #tpu.memory_space<vmem>>) semaphore(%arg13 : memref<!tpu.dma_semaphore, #tpu.memory_space<semaphore_mem>>)
      %scan3A_43 = arith.constant 0 : i32
      %scan3A_44 = arith.constant 20 : i32
      %scan3A_45 = arith.addi %scan3A_43, %scan3A_44 : i32
      %scan3A_46 = arith.constant 1 : i32
      scf.for %scan3A_48 = %scan3A_43 to %scan3A_45 step %scan3A_46  : i32 {
        %mul3A_49 = arith.constant 1 : i32
        %mul3A_50 = arith.muli %scan3A_48, %mul3A_49 : i32
        %add3A_51 = arith.constant 0 : i32
        %add3A_52 = arith.addi %add3A_51, %mul3A_50 : i32
        %mul3A_53 = arith.constant 2 : i32
        %mul3A_54 = arith.muli %mul3A_53, %add3A_52 : i32
        %add3A_55 = arith.constant 0 : i32
        %add3A_56 = arith.addi %mul3A_54, %add3A_55 : i32
        %dma_wait3A = arith.constant 0 : i32
        %dma_wait3A_57 = tpu.memref_slice %arg7[%add3A_56, %dma_wait3A] : memref<40x128xi32, #tpu.memory_space<vmem>> -> memref<1x128xi32, #tpu.memory_space<vmem>>
        %dma_wait3A_58 = tpu.memref_squeeze %dma_wait3A_57 : memref<1x128xi32, #tpu.memory_space<vmem>> -> memref<128xi32, #tpu.memory_space<vmem>>
        %dma_wait3A_59 = arith.constant 0 : i32
        %dma_wait3A_60 = arith.constant 0 : i32
        %dma_wait3A_61 = tpu.memref_slice %arg2[%arg0, %dma_wait3A_59, %dma_wait3A_60] : memref<2x10240x128xf32, #tpu.memory_space<hbm>> -> memref<1x10240x128xf32, #tpu.memory_space<hbm>>
        %dma_wait3A_62 = tpu.memref_squeeze %dma_wait3A_61 : memref<1x10240x128xf32, #tpu.memory_space<hbm>> -> memref<10240x128xf32, #tpu.memory_space<hbm>>
        %dma_wait3A_63 = arith.constant 0 : i32
        %dma_wait3A_64 = arith.constant 0 : i32
        %dma_wait3A_65 = tpu.memref_slice %dma_wait3A_62[%dma_wait3A_63, %dma_wait3A_64] : memref<10240x128xf32, #tpu.memory_space<hbm>> -> memref<10240x128xf32, #tpu.memory_space<hbm>>
        tpu.wait_indirect_dma semaphore(%arg12 : memref<!tpu.dma_semaphore, #tpu.memory_space<semaphore_mem>>) src(%dma_wait3A_65 : memref<10240x128xf32, #tpu.memory_space<hbm>>) dst(%arg9 : memref<128x128xf32, #tpu.memory_space<vmem>>)
        "tpu.region"() ({
          %run_scoped3A = tpu.sem_alloc : memref<!tpu.dma_semaphore, #tpu.memory_space<semaphore_mem>>
          %dma_start3A_89 = arith.constant 0 : i32
          %dma_start3A_90 = tpu.memref_slice %arg8[%add3A_56, %dma_start3A_89] : memref<40x128xi32, #tpu.memory_space<vmem>> -> memref<1x128xi32, #tpu.memory_space<vmem>>
          %dma_start3A_91 = tpu.memref_squeeze %dma_start3A_90 : memref<1x128xi32, #tpu.memory_space<vmem>> -> memref<128xi32, #tpu.memory_space<vmem>>
          %dma_start3A_92 = arith.constant 0 : i32
          %dma_start3A_93 = arith.constant 0 : i32
          %dma_start3A_94 = tpu.memref_slice %arg11[%dma_start3A_92, %dma_start3A_93] : memref<10240x128xf32, #tpu.memory_space<vmem_shared>> -> memref<10240x128xf32, #tpu.memory_space<vmem_shared>>
          tpu.enqueue_indirect_dma source(%arg9 : memref<128x128xf32, #tpu.memory_space<vmem>>) target(%dma_start3A_94 : memref<10240x128xf32, #tpu.memory_space<vmem_shared>>) offsets(%dma_start3A_91 : memref<128xi32, #tpu.memory_space<vmem>>) semaphore(%run_scoped3A : memref<!tpu.dma_semaphore, #tpu.memory_space<semaphore_mem>>) {add = true}
          %dma_wait3A_95 = arith.constant 0 : i32
          %dma_wait3A_96 = tpu.memref_slice %arg8[%add3A_56, %dma_wait3A_95] : memref<40x128xi32, #tpu.memory_space<vmem>> -> memref<1x128xi32, #tpu.memory_space<vmem>>
          %dma_wait3A_97 = tpu.memref_squeeze %dma_wait3A_96 : memref<1x128xi32, #tpu.memory_space<vmem>> -> memref<128xi32, #tpu.memory_space<vmem>>
          %dma_wait3A_98 = arith.constant 0 : i32
          %dma_wait3A_99 = arith.constant 0 : i32
          %dma_wait3A_100 = tpu.memref_slice %arg11[%dma_wait3A_98, %dma_wait3A_99] : memref<10240x128xf32, #tpu.memory_space<vmem_shared>> -> memref<10240x128xf32, #tpu.memory_space<vmem_shared>>
          tpu.wait_indirect_dma semaphore(%run_scoped3A : memref<!tpu.dma_semaphore, #tpu.memory_space<semaphore_mem>>) src(%arg9 : memref<128x128xf32, #tpu.memory_space<vmem>>) dst(%dma_wait3A_100 : memref<10240x128xf32, #tpu.memory_space<vmem_shared>>)
          tpu.yield
        }) : () -> ()
        %add3A_66 = arith.constant 2 : i32
        %add3A_67 = arith.addi %add3A_56, %add3A_66 : i32
        %lt3A = arith.constant 40 : i32
        %lt3A_68 = arith.cmpi slt, %add3A_67, %lt3A : i32
        %convert_element_type3A = arith.extui %lt3A_68 : i1 to i32
        %cond3A = arith.constant 0 : i32
        %cond3A_69 = arith.cmpi ne, %convert_element_type3A, %cond3A : i32
        scf.if %cond3A_69 {
          %add3A_89 = arith.constant 2 : i32
          %add3A_90 = arith.addi %add3A_56, %add3A_89 : i32
          %dma_start3A_91 = arith.constant 0 : i32
          %dma_start3A_92 = tpu.memref_slice %arg7[%add3A_90, %dma_start3A_91] : memref<40x128xi32, #tpu.memory_space<vmem>> -> memref<1x128xi32, #tpu.memory_space<vmem>>
          %dma_start3A_93 = tpu.memref_squeeze %dma_start3A_92 : memref<1x128xi32, #tpu.memory_space<vmem>> -> memref<128xi32, #tpu.memory_space<vmem>>
          %dma_start3A_94 = arith.constant 0 : i32
          %dma_start3A_95 = arith.constant 0 : i32
          %dma_start3A_96 = tpu.memref_slice %arg2[%arg0, %dma_start3A_94, %dma_start3A_95] : memref<2x10240x128xf32, #tpu.memory_space<hbm>> -> memref<1x10240x128xf32, #tpu.memory_space<hbm>>
          %dma_start3A_97 = tpu.memref_squeeze %dma_start3A_96 : memref<1x10240x128xf32, #tpu.memory_space<hbm>> -> memref<10240x128xf32, #tpu.memory_space<hbm>>
          %dma_start3A_98 = arith.constant 0 : i32
          %dma_start3A_99 = arith.constant 0 : i32
          %dma_start3A_100 = tpu.memref_slice %dma_start3A_97[%dma_start3A_98, %dma_start3A_99] : memref<10240x128xf32, #tpu.memory_space<hbm>> -> memref<10240x128xf32, #tpu.memory_space<hbm>>
          tpu.enqueue_indirect_dma source(%dma_start3A_100 : memref<10240x128xf32, #tpu.memory_space<hbm>>) target(%arg9 : memref<128x128xf32, #tpu.memory_space<vmem>>) offsets(%dma_start3A_93 : memref<128xi32, #tpu.memory_space<vmem>>) semaphore(%arg12 : memref<!tpu.dma_semaphore, #tpu.memory_space<semaphore_mem>>)
        } else {
        }
        %add3A_70 = arith.constant 1 : i32
        %add3A_71 = arith.addi %mul3A_54, %add3A_70 : i32
        %dma_wait3A_72 = arith.constant 0 : i32
        %dma_wait3A_73 = tpu.memref_slice %arg7[%add3A_71, %dma_wait3A_72] : memref<40x128xi32, #tpu.memory_space<vmem>> -> memref<1x128xi32, #tpu.memory_space<vmem>>
        %dma_wait3A_74 = tpu.memref_squeeze %dma_wait3A_73 : memref<1x128xi32, #tpu.memory_space<vmem>> -> memref<128xi32, #tpu.memory_space<vmem>>
        %dma_wait3A_75 = arith.constant 0 : i32
        %dma_wait3A_76 = arith.constant 0 : i32
        %dma_wait3A_77 = tpu.memref_slice %arg2[%arg0, %dma_wait3A_75, %dma_wait3A_76] : memref<2x10240x128xf32, #tpu.memory_space<hbm>> -> memref<1x10240x128xf32, #tpu.memory_space<hbm>>
        %dma_wait3A_78 = tpu.memref_squeeze %dma_wait3A_77 : memref<1x10240x128xf32, #tpu.memory_space<hbm>> -> memref<10240x128xf32, #tpu.memory_space<hbm>>
        %dma_wait3A_79 = arith.constant 0 : i32
        %dma_wait3A_80 = arith.constant 0 : i32
        %dma_wait3A_81 = tpu.memref_slice %dma_wait3A_78[%dma_wait3A_79, %dma_wait3A_80] : memref<10240x128xf32, #tpu.memory_space<hbm>> -> memref<10240x128xf32, #tpu.memory_space<hbm>>
        tpu.wait_indirect_dma semaphore(%arg13 : memref<!tpu.dma_semaphore, #tpu.memory_space<semaphore_mem>>) src(%dma_wait3A_81 : memref<10240x128xf32, #tpu.memory_space<hbm>>) dst(%arg10 : memref<128x128xf32, #tpu.memory_space<vmem>>)
        "tpu.region"() ({
          %run_scoped3A = tpu.sem_alloc : memref<!tpu.dma_semaphore, #tpu.memory_space<semaphore_mem>>
          %dma_start3A_89 = arith.constant 0 : i32
          %dma_start3A_90 = tpu.memref_slice %arg8[%add3A_71, %dma_start3A_89] : memref<40x128xi32, #tpu.memory_space<vmem>> -> memref<1x128xi32, #tpu.memory_space<vmem>>
          %dma_start3A_91 = tpu.memref_squeeze %dma_start3A_90 : memref<1x128xi32, #tpu.memory_space<vmem>> -> memref<128xi32, #tpu.memory_space<vmem>>
          %dma_start3A_92 = arith.constant 0 : i32
          %dma_start3A_93 = arith.constant 0 : i32
          %dma_start3A_94 = tpu.memref_slice %arg11[%dma_start3A_92, %dma_start3A_93] : memref<10240x128xf32, #tpu.memory_space<vmem_shared>> -> memref<10240x128xf32, #tpu.memory_space<vmem_shared>>
          tpu.enqueue_indirect_dma source(%arg10 : memref<128x128xf32, #tpu.memory_space<vmem>>) target(%dma_start3A_94 : memref<10240x128xf32, #tpu.memory_space<vmem_shared>>) offsets(%dma_start3A_91 : memref<128xi32, #tpu.memory_space<vmem>>) semaphore(%run_scoped3A : memref<!tpu.dma_semaphore, #tpu.memory_space<semaphore_mem>>) {add = true}
          %dma_wait3A_95 = arith.constant 0 : i32
          %dma_wait3A_96 = tpu.memref_slice %arg8[%add3A_71, %dma_wait3A_95] : memref<40x128xi32, #tpu.memory_space<vmem>> -> memref<1x128xi32, #tpu.memory_space<vmem>>
          %dma_wait3A_97 = tpu.memref_squeeze %dma_wait3A_96 : memref<1x128xi32, #tpu.memory_space<vmem>> -> memref<128xi32, #tpu.memory_space<vmem>>
          %dma_wait3A_98 = arith.constant 0 : i32
          %dma_wait3A_99 = arith.constant 0 : i32
          %dma_wait3A_100 = tpu.memref_slice %arg11[%dma_wait3A_98, %dma_wait3A_99] : memref<10240x128xf32, #tpu.memory_space<vmem_shared>> -> memref<10240x128xf32, #tpu.memory_space<vmem_shared>>
          tpu.wait_indirect_dma semaphore(%run_scoped3A : memref<!tpu.dma_semaphore, #tpu.memory_space<semaphore_mem>>) src(%arg10 : memref<128x128xf32, #tpu.memory_space<vmem>>) dst(%dma_wait3A_100 : memref<10240x128xf32, #tpu.memory_space<vmem_shared>>)
          tpu.yield
        }) : () -> ()
        %add3A_82 = arith.constant 2 : i32
        %add3A_83 = arith.addi %add3A_71, %add3A_82 : i32
        %lt3A_84 = arith.constant 40 : i32
        %lt3A_85 = arith.cmpi slt, %add3A_83, %lt3A_84 : i32
        %convert_element_type3A_86 = arith.extui %lt3A_85 : i1 to i32
        %cond3A_87 = arith.constant 0 : i32
        %cond3A_88 = arith.cmpi ne, %convert_element_type3A_86, %cond3A_87 : i32
        scf.if %cond3A_88 {
          %add3A_89 = arith.constant 2 : i32
          %add3A_90 = arith.addi %add3A_71, %add3A_89 : i32
          %dma_start3A_91 = arith.constant 0 : i32
          %dma_start3A_92 = tpu.memref_slice %arg7[%add3A_90, %dma_start3A_91] : memref<40x128xi32, #tpu.memory_space<vmem>> -> memref<1x128xi32, #tpu.memory_space<vmem>>
          %dma_start3A_93 = tpu.memref_squeeze %dma_start3A_92 : memref<1x128xi32, #tpu.memory_space<vmem>> -> memref<128xi32, #tpu.memory_space<vmem>>
          %dma_start3A_94 = arith.constant 0 : i32
          %dma_start3A_95 = arith.constant 0 : i32
          %dma_start3A_96 = tpu.memref_slice %arg2[%arg0, %dma_start3A_94, %dma_start3A_95] : memref<2x10240x128xf32, #tpu.memory_space<hbm>> -> memref<1x10240x128xf32, #tpu.memory_space<hbm>>
          %dma_start3A_97 = tpu.memref_squeeze %dma_start3A_96 : memref<1x10240x128xf32, #tpu.memory_space<hbm>> -> memref<10240x128xf32, #tpu.memory_space<hbm>>
          %dma_start3A_98 = arith.constant 0 : i32
          %dma_start3A_99 = arith.constant 0 : i32
          %dma_start3A_100 = tpu.memref_slice %dma_start3A_97[%dma_start3A_98, %dma_start3A_99] : memref<10240x128xf32, #tpu.memory_space<hbm>> -> memref<10240x128xf32, #tpu.memory_space<hbm>>
          tpu.enqueue_indirect_dma source(%dma_start3A_100 : memref<10240x128xf32, #tpu.memory_space<hbm>>) target(%arg10 : memref<128x128xf32, #tpu.memory_space<vmem>>) offsets(%dma_start3A_93 : memref<128xi32, #tpu.memory_space<vmem>>) semaphore(%arg13 : memref<!tpu.dma_semaphore, #tpu.memory_space<semaphore_mem>>)
        } else {
        }
      }
      %scan3A_47 = arith.constant 20 : i32
    }
    %scan3A_7 = arith.constant 4 : i32
    %barrier3A_8 = arith.constant 0 : index
    tpu.barrier barrier_id(%barrier3A_8)
    %mul3A_9 = arith.constant 640 : i32
    %mul3A_10 = arith.muli %arg1, %mul3A_9 : i32
    %mul3A_11 = arith.constant 640 : i32
    %mul3A_12 = arith.muli %arg1, %mul3A_11 : i32
    "tpu.region"() ({
      %run_scoped3A = tpu.sem_alloc : memref<!tpu.dma_semaphore, #tpu.memory_space<semaphore_mem>>
      %dma_start3A = arith.constant 0 : i32
      %dma_start3A_13 = arith.constant 0 : i32
      %dma_start3A_14 = tpu.memref_slice %arg6[%arg0, %dma_start3A, %dma_start3A_13] : memref<2x10240x128xf32, #tpu.memory_space<hbm>> -> memref<1x10240x128xf32, #tpu.memory_space<hbm>>
      %dma_start3A_15 = tpu.memref_squeeze %dma_start3A_14 : memref<1x10240x128xf32, #tpu.memory_space<hbm>> -> memref<10240x128xf32, #tpu.memory_space<hbm>>
      %dma_start3A_16 = arith.constant 0 : i32
      %dma_start3A_17 = tpu.memref_slice %dma_start3A_15[%mul3A_12, %dma_start3A_16] : memref<10240x128xf32, #tpu.memory_space<hbm>> -> memref<640x128xf32, #tpu.memory_space<hbm>>
      %dma_start3A_18 = arith.constant 0 : i32
      %dma_start3A_19 = tpu.memref_slice %arg11[%mul3A_10, %dma_start3A_18] : memref<10240x128xf32, #tpu.memory_space<vmem_shared>> -> memref<640x128xf32, #tpu.memory_space<vmem_shared>>
      tpu.enqueue_dma source(%dma_start3A_19 : memref<640x128xf32, #tpu.memory_space<vmem_shared>>) target(%dma_start3A_17 : memref<640x128xf32, #tpu.memory_space<hbm>>) target_semaphore(%run_scoped3A : memref<!tpu.dma_semaphore, #tpu.memory_space<semaphore_mem>>)
      %dma_wait3A = arith.constant 0 : i32
      %dma_wait3A_20 = arith.constant 0 : i32
      %dma_wait3A_21 = tpu.memref_slice %arg6[%arg0, %dma_wait3A, %dma_wait3A_20] : memref<2x10240x128xf32, #tpu.memory_space<hbm>> -> memref<1x10240x128xf32, #tpu.memory_space<hbm>>
      %dma_wait3A_22 = tpu.memref_squeeze %dma_wait3A_21 : memref<1x10240x128xf32, #tpu.memory_space<hbm>> -> memref<10240x128xf32, #tpu.memory_space<hbm>>
      %dma_wait3A_23 = arith.constant 0 : i32
      %dma_wait3A_24 = tpu.memref_slice %dma_wait3A_22[%mul3A_12, %dma_wait3A_23] : memref<10240x128xf32, #tpu.memory_space<hbm>> -> memref<640x128xf32, #tpu.memory_space<hbm>>
      %dma_wait3A_25 = arith.constant 0 : i32
      %dma_wait3A_26 = tpu.memref_slice %arg11[%mul3A_10, %dma_wait3A_25] : memref<10240x128xf32, #tpu.memory_space<vmem_shared>> -> memref<640x128xf32, #tpu.memory_space<vmem_shared>>
      tpu.wait_dma2 semaphore(%run_scoped3A : memref<!tpu.dma_semaphore, #tpu.memory_space<semaphore_mem>>) src(%dma_wait3A_26 : memref<640x128xf32, #tpu.memory_space<vmem_shared>>) dst(%dma_wait3A_24 : memref<640x128xf32, #tpu.memory_space<hbm>>)
      tpu.yield
    }) : () -> ()
    return
  }
}

module attributes {stable_mosaic.version = 14 : i64} {
  func.func @body(%arg0: i32, %arg1: memref<2x2x16x1024xf32, #tpu.memory_space<vmem>>, %arg2: memref<2x1024x128xf32, #tpu.memory_space<vmem>>, %arg3: memref<2x1024x1xf32, #tpu.memory_space<vmem>>, %arg4: memref<2x1024x1xf32, #tpu.memory_space<vmem>>, %arg5: memref<2x1024x128xf32, #tpu.memory_space<vmem>>) attributes {dimension_semantics = [#tpu.dimension_semantics<arbitrary>], iteration_bounds = array<i64: 10>, scalar_prefetch = 0 : i64, scratch_operands = 0 : i64, tpu.core_type = #tpu.core_type<tc>, window_params = [{transform_indices = @transform_0, window_bounds = array<i64: 2, 2, 16, 1024>}, {transform_indices = @transform_1, window_bounds = array<i64: 2, 1024, 128>}, {transform_indices = @transform_2, window_bounds = array<i64: 2, 1024, 1>}, {transform_indices = @transform_3, window_bounds = array<i64: 2, 1024, 1>}, {transform_indices = @transform_4, window_bounds = array<i64: 2, 1024, 128>}]} {
    %broadcast_in_dim3A = arith.constant 1.000000e+00 : f32
    %broadcast_in_dim3A_0 = vector.broadcast %broadcast_in_dim3A : f32 to vector<16x1xf32>
    %get3A = arith.constant 0 : index
    %get3A_1 = arith.constant 0 : index
    %get3A_2 = arith.constant 0 : index
    %get3A_3 = arith.constant 0 : index
    %get3A_4 = vector.load %arg1[%get3A, %get3A_1, %get3A_2, %get3A_3] : memref<2x2x16x1024xf32, #tpu.memory_space<vmem>>, vector<1x1x16x1024xf32>
    %get3A_5 = vector.shape_cast %get3A_4 : vector<1x1x16x1024xf32> to vector<16x1024xf32>
    %dot_general3A = arith.constant dense<0.000000e+00> : vector<1024x1xf32>
    %dot_general3A_6 = tpu.matmul %get3A_5, %broadcast_in_dim3A_0, %dot_general3A {dimension_numbers = #tpu.dot_dimension_numbers<[0], [0], [1], [1], [0, 1, 1, 1], [], []>, precision = #tpu.contract_precision<fp32>, transpose_lhs_hint = false} : vector<16x1024xf32>, vector<16x1xf32>, vector<1024x1xf32> -> vector<1024x1xf32>
    %get3A_7 = arith.constant 1 : index
    %get3A_8 = arith.constant 0 : index
    %get3A_9 = arith.constant 0 : index
    %get3A_10 = arith.constant 0 : index
    %get3A_11 = vector.load %arg1[%get3A_7, %get3A_8, %get3A_9, %get3A_10] : memref<2x2x16x1024xf32, #tpu.memory_space<vmem>>, vector<1x1x16x1024xf32>
    %get3A_12 = vector.shape_cast %get3A_11 : vector<1x1x16x1024xf32> to vector<16x1024xf32>
    %dot_general3A_13 = arith.constant dense<0.000000e+00> : vector<1024x1xf32>
    %dot_general3A_14 = tpu.matmul %get3A_12, %broadcast_in_dim3A_0, %dot_general3A_13 {dimension_numbers = #tpu.dot_dimension_numbers<[0], [0], [1], [1], [0, 1, 1, 1], [], []>, precision = #tpu.contract_precision<fp32>, transpose_lhs_hint = false} : vector<16x1024xf32>, vector<16x1xf32>, vector<1024x1xf32> -> vector<1024x1xf32>
    %gt3A = arith.constant 0.000000e+00 : f32
    %gt3A_15 = vector.broadcast %gt3A : f32 to vector<1024x1xf32>
    %gt3A_16 = arith.cmpf ogt, %dot_general3A_6, %gt3A_15 : vector<1024x1xf32>
    %rsqrt3A = math.rsqrt %dot_general3A_6 : vector<1024x1xf32>
    %jit3A = arith.constant 0.000000e+00 : f32
    %broadcast_in_dim3A_17 = vector.broadcast %jit3A : f32 to vector<1024x1xf32>
    %select_n3A = arith.select %gt3A_16, %rsqrt3A, %broadcast_in_dim3A_17 : vector<1024x1xi1>, vector<1024x1xf32>
    %gt3A_18 = arith.constant 0.000000e+00 : f32
    %gt3A_19 = vector.broadcast %gt3A_18 : f32 to vector<1024x1xf32>
    %gt3A_20 = arith.cmpf ogt, %dot_general3A_14, %gt3A_19 : vector<1024x1xf32>
    %rsqrt3A_21 = math.rsqrt %dot_general3A_14 : vector<1024x1xf32>
    %jit3A_22 = arith.constant 0.000000e+00 : f32
    %broadcast_in_dim3A_23 = vector.broadcast %jit3A_22 : f32 to vector<1024x1xf32>
    %select_n3A_24 = arith.select %gt3A_20, %rsqrt3A_21, %broadcast_in_dim3A_23 : vector<1024x1xi1>, vector<1024x1xf32>
    %swap3A = arith.constant 0 : index
    %swap3A_25 = arith.constant 0 : index
    %swap3A_26 = arith.constant 0 : index
    %swap3A_27 = vector.load %arg3[%swap3A, %swap3A_25, %swap3A_26] : memref<2x1024x1xf32, #tpu.memory_space<vmem>>, vector<1x1024x1xf32>
    %swap3A_28 = vector.shape_cast %swap3A_27 : vector<1x1024x1xf32> to vector<1024x1xf32>
    %swap3A_29 = vector.shape_cast %select_n3A : vector<1024x1xf32> to vector<1x1024x1xf32>
    tpu.vector_store %arg3[%swap3A, %swap3A_25, %swap3A_26], %swap3A_29 {strides = array<i32>} : memref<2x1024x1xf32, #tpu.memory_space<vmem>>, vector<1x1024x1xf32>,
    %swap3A_30 = arith.constant 0 : index
    %swap3A_31 = arith.constant 0 : index
    %swap3A_32 = arith.constant 0 : index
    %swap3A_33 = vector.load %arg4[%swap3A_30, %swap3A_31, %swap3A_32] : memref<2x1024x1xf32, #tpu.memory_space<vmem>>, vector<1x1024x1xf32>
    %swap3A_34 = vector.shape_cast %swap3A_33 : vector<1x1024x1xf32> to vector<1024x1xf32>
    %swap3A_35 = vector.shape_cast %select_n3A_24 : vector<1024x1xf32> to vector<1x1024x1xf32>
    tpu.vector_store %arg4[%swap3A_30, %swap3A_31, %swap3A_32], %swap3A_35 {strides = array<i32>} : memref<2x1024x1xf32, #tpu.memory_space<vmem>>, vector<1x1024x1xf32>,
    %get3A_36 = arith.constant 0 : index
    %get3A_37 = arith.constant 0 : index
    %get3A_38 = arith.constant 0 : index
    %get3A_39 = vector.load %arg2[%get3A_36, %get3A_37, %get3A_38] : memref<2x1024x128xf32, #tpu.memory_space<vmem>>, vector<1x1024x128xf32>
    %get3A_40 = vector.shape_cast %get3A_39 : vector<1x1024x128xf32> to vector<1024x128xf32>
    %mul3A = vector.broadcast %select_n3A : vector<1024x1xf32> to vector<1024x128xf32>
    %mul3A_41 = arith.mulf %get3A_40, %mul3A : vector<1024x128xf32>
    %swap3A_42 = arith.constant 0 : index
    %swap3A_43 = arith.constant 0 : index
    %swap3A_44 = arith.constant 0 : index
    %swap3A_45 = vector.load %arg5[%swap3A_42, %swap3A_43, %swap3A_44] : memref<2x1024x128xf32, #tpu.memory_space<vmem>>, vector<1x1024x128xf32>
    %swap3A_46 = vector.shape_cast %swap3A_45 : vector<1x1024x128xf32> to vector<1024x128xf32>
    %swap3A_47 = vector.shape_cast %mul3A_41 : vector<1024x128xf32> to vector<1x1024x128xf32>
    tpu.vector_store %arg5[%swap3A_42, %swap3A_43, %swap3A_44], %swap3A_47 {strides = array<i32>} : memref<2x1024x128xf32, #tpu.memory_space<vmem>>, vector<1x1024x128xf32>,
    %get3A_48 = arith.constant 0 : index
    %get3A_49 = arith.constant 1 : index
    %get3A_50 = arith.constant 0 : index
    %get3A_51 = arith.constant 0 : index
    %get3A_52 = vector.load %arg1[%get3A_48, %get3A_49, %get3A_50, %get3A_51] : memref<2x2x16x1024xf32, #tpu.memory_space<vmem>>, vector<1x1x16x1024xf32>
    %get3A_53 = vector.shape_cast %get3A_52 : vector<1x1x16x1024xf32> to vector<16x1024xf32>
    %dot_general3A_54 = arith.constant dense<0.000000e+00> : vector<1024x1xf32>
    %dot_general3A_55 = tpu.matmul %get3A_53, %broadcast_in_dim3A_0, %dot_general3A_54 {dimension_numbers = #tpu.dot_dimension_numbers<[0], [0], [1], [1], [0, 1, 1, 1], [], []>, precision = #tpu.contract_precision<fp32>, transpose_lhs_hint = false} : vector<16x1024xf32>, vector<16x1xf32>, vector<1024x1xf32> -> vector<1024x1xf32>
    %get3A_56 = arith.constant 1 : index
    %get3A_57 = arith.constant 1 : index
    %get3A_58 = arith.constant 0 : index
    %get3A_59 = arith.constant 0 : index
    %get3A_60 = vector.load %arg1[%get3A_56, %get3A_57, %get3A_58, %get3A_59] : memref<2x2x16x1024xf32, #tpu.memory_space<vmem>>, vector<1x1x16x1024xf32>
    %get3A_61 = vector.shape_cast %get3A_60 : vector<1x1x16x1024xf32> to vector<16x1024xf32>
    %dot_general3A_62 = arith.constant dense<0.000000e+00> : vector<1024x1xf32>
    %dot_general3A_63 = tpu.matmul %get3A_61, %broadcast_in_dim3A_0, %dot_general3A_62 {dimension_numbers = #tpu.dot_dimension_numbers<[0], [0], [1], [1], [0, 1, 1, 1], [], []>, precision = #tpu.contract_precision<fp32>, transpose_lhs_hint = false} : vector<16x1024xf32>, vector<16x1xf32>, vector<1024x1xf32> -> vector<1024x1xf32>
    %gt3A_64 = arith.constant 0.000000e+00 : f32
    %gt3A_65 = vector.broadcast %gt3A_64 : f32 to vector<1024x1xf32>
    %gt3A_66 = arith.cmpf ogt, %dot_general3A_55, %gt3A_65 : vector<1024x1xf32>
    %rsqrt3A_67 = math.rsqrt %dot_general3A_55 : vector<1024x1xf32>
    %jit3A_68 = arith.constant 0.000000e+00 : f32
    %broadcast_in_dim3A_69 = vector.broadcast %jit3A_68 : f32 to vector<1024x1xf32>
    %select_n3A_70 = arith.select %gt3A_66, %rsqrt3A_67, %broadcast_in_dim3A_69 : vector<1024x1xi1>, vector<1024x1xf32>
    %gt3A_71 = arith.constant 0.000000e+00 : f32
    %gt3A_72 = vector.broadcast %gt3A_71 : f32 to vector<1024x1xf32>
    %gt3A_73 = arith.cmpf ogt, %dot_general3A_63, %gt3A_72 : vector<1024x1xf32>
    %rsqrt3A_74 = math.rsqrt %dot_general3A_63 : vector<1024x1xf32>
    %jit3A_75 = arith.constant 0.000000e+00 : f32
    %broadcast_in_dim3A_76 = vector.broadcast %jit3A_75 : f32 to vector<1024x1xf32>
    %select_n3A_77 = arith.select %gt3A_73, %rsqrt3A_74, %broadcast_in_dim3A_76 : vector<1024x1xi1>, vector<1024x1xf32>
    %swap3A_78 = arith.constant 1 : index
    %swap3A_79 = arith.constant 0 : index
    %swap3A_80 = arith.constant 0 : index
    %swap3A_81 = vector.load %arg3[%swap3A_78, %swap3A_79, %swap3A_80] : memref<2x1024x1xf32, #tpu.memory_space<vmem>>, vector<1x1024x1xf32>
    %swap3A_82 = vector.shape_cast %swap3A_81 : vector<1x1024x1xf32> to vector<1024x1xf32>
    %swap3A_83 = vector.shape_cast %select_n3A_70 : vector<1024x1xf32> to vector<1x1024x1xf32>
    tpu.vector_store %arg3[%swap3A_78, %swap3A_79, %swap3A_80], %swap3A_83 {strides = array<i32>} : memref<2x1024x1xf32, #tpu.memory_space<vmem>>, vector<1x1024x1xf32>,
    %swap3A_84 = arith.constant 1 : index
    %swap3A_85 = arith.constant 0 : index
    %swap3A_86 = arith.constant 0 : index
    %swap3A_87 = vector.load %arg4[%swap3A_84, %swap3A_85, %swap3A_86] : memref<2x1024x1xf32, #tpu.memory_space<vmem>>, vector<1x1024x1xf32>
    %swap3A_88 = vector.shape_cast %swap3A_87 : vector<1x1024x1xf32> to vector<1024x1xf32>
    %swap3A_89 = vector.shape_cast %select_n3A_77 : vector<1024x1xf32> to vector<1x1024x1xf32>
    tpu.vector_store %arg4[%swap3A_84, %swap3A_85, %swap3A_86], %swap3A_89 {strides = array<i32>} : memref<2x1024x1xf32, #tpu.memory_space<vmem>>, vector<1x1024x1xf32>,
    %get3A_90 = arith.constant 1 : index
    %get3A_91 = arith.constant 0 : index
    %get3A_92 = arith.constant 0 : index
    %get3A_93 = vector.load %arg2[%get3A_90, %get3A_91, %get3A_92] : memref<2x1024x128xf32, #tpu.memory_space<vmem>>, vector<1x1024x128xf32>
    %get3A_94 = vector.shape_cast %get3A_93 : vector<1x1024x128xf32> to vector<1024x128xf32>
    %mul3A_95 = vector.broadcast %select_n3A_70 : vector<1024x1xf32> to vector<1024x128xf32>
    %mul3A_96 = arith.mulf %get3A_94, %mul3A_95 : vector<1024x128xf32>
    %swap3A_97 = arith.constant 1 : index
    %swap3A_98 = arith.constant 0 : index
    %swap3A_99 = arith.constant 0 : index
    %swap3A_100 = vector.load %arg5[%swap3A_97, %swap3A_98, %swap3A_99] : memref<2x1024x128xf32, #tpu.memory_space<vmem>>, vector<1x1024x128xf32>
    %swap3A_101 = vector.shape_cast %swap3A_100 : vector<1x1024x128xf32> to vector<1024x128xf32>
    %swap3A_102 = vector.shape_cast %mul3A_96 : vector<1024x128xf32> to vector<1x1024x128xf32>
    tpu.vector_store %arg5[%swap3A_97, %swap3A_98, %swap3A_99], %swap3A_102 {strides = array<i32>} : memref<2x1024x128xf32, #tpu.memory_space<vmem>>, vector<1x1024x128xf32>,
    return
  }
  func.func @transform_0(%arg0: i32) -> (i32, i32, i32, i32) {
    %c0_i32 = arith.constant 0 : i32
    %c0_i32_0 = arith.constant 0 : i32
    %c0_i32_1 = arith.constant 0 : i32
    %c0_i32_2 = arith.constant 0 : i32
    return %c0_i32, %c0_i32_0, %c0_i32_1, %arg0 : i32, i32, i32, i32
  }
  func.func @transform_1(%arg0: i32) -> (i32, i32, i32) {
    %c0_i32 = arith.constant 0 : i32
    %c0_i32_0 = arith.constant 0 : i32
    %c0_i32_1 = arith.constant 0 : i32
    return %c0_i32, %arg0, %c0_i32_0 : i32, i32, i32
  }
  func.func @transform_2(%arg0: i32) -> (i32, i32, i32) {
    %c0_i32 = arith.constant 0 : i32
    %c0_i32_0 = arith.constant 0 : i32
    %c0_i32_1 = arith.constant 0 : i32
    return %c0_i32, %arg0, %c0_i32_0 : i32, i32, i32
  }
  func.func @transform_3(%arg0: i32) -> (i32, i32, i32) {
    %c0_i32 = arith.constant 0 : i32
    %c0_i32_0 = arith.constant 0 : i32
    %c0_i32_1 = arith.constant 0 : i32
    return %c0_i32, %arg0, %c0_i32_0 : i32, i32, i32
  }
  func.func @transform_4(%arg0: i32) -> (i32, i32, i32) {
    %c0_i32 = arith.constant 0 : i32
    %c0_i32_0 = arith.constant 0 : i32
    %c0_i32_1 = arith.constant 0 : i32
    return %c0_i32, %arg0, %c0_i32_0 : i32, i32, i32
  }
}

module attributes {stable_mosaic.version = 14 : i64} {
  func.func @body(%arg0: i32, %arg1: memref<2x1024x128xf32, #tpu.memory_space<vmem>>, %arg2: memref<2x1024x1xf32, #tpu.memory_space<vmem>>, %arg3: memref<2x1024x1xf32, #tpu.memory_space<vmem>>, %arg4: memref<2x1024x128xf32, #tpu.memory_space<vmem>>, %arg5: memref<128x128xf32, #tpu.memory_space<vmem>>, %arg6: memref<2x1024x128xf32, #tpu.memory_space<vmem>>, %arg7: memref<2x1024x128xf32, #tpu.memory_space<vmem>>) attributes {dimension_semantics = [#tpu.dimension_semantics<arbitrary>], iteration_bounds = array<i64: 10>, scalar_prefetch = 0 : i64, scratch_operands = 0 : i64, tpu.core_type = #tpu.core_type<tc>, window_params = [{transform_indices = @transform_0, window_bounds = array<i64: 2, 1024, 128>}, {transform_indices = @transform_1, window_bounds = array<i64: 2, 1024, 1>}, {transform_indices = @transform_2, window_bounds = array<i64: 2, 1024, 1>}, {transform_indices = @transform_3, window_bounds = array<i64: 2, 1024, 128>}, {pipeline_mode = #tpu.pipeline_mode<synchronous>, transform_indices = @transform_4, window_bounds = array<i64: 128, 128>}, {transform_indices = @transform_5, window_bounds = array<i64: 2, 1024, 128>}, {transform_indices = @transform_6, window_bounds = array<i64: 2, 1024, 128>}]} {
    %get3A = arith.constant 0 : index
    %get3A_0 = arith.constant 0 : index
    %get3A_1 = arith.constant 0 : index
    %get3A_2 = vector.load %arg1[%get3A, %get3A_0, %get3A_1] : memref<2x1024x128xf32, #tpu.memory_space<vmem>>, vector<1x1024x128xf32>
    %get3A_3 = vector.shape_cast %get3A_2 : vector<1x1024x128xf32> to vector<1024x128xf32>
    %get3A_4 = arith.constant 0 : index
    %get3A_5 = arith.constant 0 : index
    %get3A_6 = arith.constant 0 : index
    %get3A_7 = vector.load %arg2[%get3A_4, %get3A_5, %get3A_6] : memref<2x1024x1xf32, #tpu.memory_space<vmem>>, vector<1x1024x1xf32>
    %get3A_8 = vector.shape_cast %get3A_7 : vector<1x1024x1xf32> to vector<1024x1xf32>
    %mul3A = vector.broadcast %get3A_8 : vector<1024x1xf32> to vector<1024x128xf32>
    %mul3A_9 = arith.mulf %get3A_3, %mul3A : vector<1024x128xf32>
    %mul3A_10 = arith.constant 0.899999976 : f32
    %mul3A_11 = vector.broadcast %mul3A_10 : f32 to vector<1024x128xf32>
    %mul3A_12 = arith.mulf %mul3A_11, %mul3A_9 : vector<1024x128xf32>
    %get3A_13 = arith.constant 0 : index
    %get3A_14 = arith.constant 0 : index
    %get3A_15 = arith.constant 0 : index
    %get3A_16 = vector.load %arg4[%get3A_13, %get3A_14, %get3A_15] : memref<2x1024x128xf32, #tpu.memory_space<vmem>>, vector<1x1024x128xf32>
    %get3A_17 = vector.shape_cast %get3A_16 : vector<1x1024x128xf32> to vector<1024x128xf32>
    %mul3A_18 = arith.constant 1.000000e-01 : f32
    %mul3A_19 = vector.broadcast %mul3A_18 : f32 to vector<1024x128xf32>
    %mul3A_20 = arith.mulf %mul3A_19, %get3A_17 : vector<1024x128xf32>
    %add3A = arith.addf %mul3A_12, %mul3A_20 : vector<1024x128xf32>
    %mul3A_21 = arith.constant 0.306852818 : f32
    %mul3A_22 = vector.broadcast %mul3A_21 : f32 to vector<1024x128xf32>
    %mul3A_23 = arith.mulf %mul3A_22, %add3A : vector<1024x128xf32>
    %get3A_24 = arith.constant 0 : index
    %get3A_25 = arith.constant 0 : index
    %get3A_26 = vector.load %arg5[%get3A_24, %get3A_25] : memref<128x128xf32, #tpu.memory_space<vmem>>, vector<128x128xf32>
    %dot_general3A = arith.constant dense<0.000000e+00> : vector<1024x128xf32>
    %dot_general3A_27 = tpu.matmul %add3A, %get3A_26, %dot_general3A {dimension_numbers = #tpu.dot_dimension_numbers<[1], [0], [0], [1], [0, 0, 1, 1], [], []>, precision = #tpu.contract_precision<fp32>, transpose_lhs_hint = false} : vector<1024x128xf32>, vector<128x128xf32>, vector<1024x128xf32> -> vector<1024x128xf32>
    %mul3A_28 = arith.constant 0.693147182 : f32
    %mul3A_29 = vector.broadcast %mul3A_28 : f32 to vector<1024x128xf32>
    %mul3A_30 = arith.mulf %mul3A_29, %dot_general3A_27 : vector<1024x128xf32>
    %add3A_31 = arith.addf %mul3A_23, %mul3A_30 : vector<1024x128xf32>
    %max3A = arith.constant 0.000000e+00 : f32
    %max3A_32 = vector.broadcast %max3A : f32 to vector<1024x128xf32>
    %max3A_33 = arith.maximumf %add3A_31, %max3A_32 : vector<1024x128xf32>
    %swap3A = arith.constant 0 : index
    %swap3A_34 = arith.constant 0 : index
    %swap3A_35 = arith.constant 0 : index
    %swap3A_36 = vector.load %arg6[%swap3A, %swap3A_34, %swap3A_35] : memref<2x1024x128xf32, #tpu.memory_space<vmem>>, vector<1x1024x128xf32>
    %swap3A_37 = vector.shape_cast %swap3A_36 : vector<1x1024x128xf32> to vector<1024x128xf32>
    %swap3A_38 = vector.shape_cast %max3A_33 : vector<1024x128xf32> to vector<1x1024x128xf32>
    tpu.vector_store %arg6[%swap3A, %swap3A_34, %swap3A_35], %swap3A_38 {strides = array<i32>} : memref<2x1024x128xf32, #tpu.memory_space<vmem>>, vector<1x1024x128xf32>,
    %get3A_39 = arith.constant 0 : index
    %get3A_40 = arith.constant 0 : index
    %get3A_41 = arith.constant 0 : index
    %get3A_42 = vector.load %arg3[%get3A_39, %get3A_40, %get3A_41] : memref<2x1024x1xf32, #tpu.memory_space<vmem>>, vector<1x1024x1xf32>
    %get3A_43 = vector.shape_cast %get3A_42 : vector<1x1024x1xf32> to vector<1024x1xf32>
    %mul3A_44 = vector.broadcast %get3A_43 : vector<1024x1xf32> to vector<1024x128xf32>
    %mul3A_45 = arith.mulf %max3A_33, %mul3A_44 : vector<1024x128xf32>
    %swap3A_46 = arith.constant 0 : index
    %swap3A_47 = arith.constant 0 : index
    %swap3A_48 = arith.constant 0 : index
    %swap3A_49 = vector.load %arg7[%swap3A_46, %swap3A_47, %swap3A_48] : memref<2x1024x128xf32, #tpu.memory_space<vmem>>, vector<1x1024x128xf32>
    %swap3A_50 = vector.shape_cast %swap3A_49 : vector<1x1024x128xf32> to vector<1024x128xf32>
    %swap3A_51 = vector.shape_cast %mul3A_45 : vector<1024x128xf32> to vector<1x1024x128xf32>
    tpu.vector_store %arg7[%swap3A_46, %swap3A_47, %swap3A_48], %swap3A_51 {strides = array<i32>} : memref<2x1024x128xf32, #tpu.memory_space<vmem>>, vector<1x1024x128xf32>,
    %get3A_52 = arith.constant 1 : index
    %get3A_53 = arith.constant 0 : index
    %get3A_54 = arith.constant 0 : index
    %get3A_55 = vector.load %arg1[%get3A_52, %get3A_53, %get3A_54] : memref<2x1024x128xf32, #tpu.memory_space<vmem>>, vector<1x1024x128xf32>
    %get3A_56 = vector.shape_cast %get3A_55 : vector<1x1024x128xf32> to vector<1024x128xf32>
    %get3A_57 = arith.constant 1 : index
    %get3A_58 = arith.constant 0 : index
    %get3A_59 = arith.constant 0 : index
    %get3A_60 = vector.load %arg2[%get3A_57, %get3A_58, %get3A_59] : memref<2x1024x1xf32, #tpu.memory_space<vmem>>, vector<1x1024x1xf32>
    %get3A_61 = vector.shape_cast %get3A_60 : vector<1x1024x1xf32> to vector<1024x1xf32>
    %mul3A_62 = vector.broadcast %get3A_61 : vector<1024x1xf32> to vector<1024x128xf32>
    %mul3A_63 = arith.mulf %get3A_56, %mul3A_62 : vector<1024x128xf32>
    %mul3A_64 = arith.constant 0.899999976 : f32
    %mul3A_65 = vector.broadcast %mul3A_64 : f32 to vector<1024x128xf32>
    %mul3A_66 = arith.mulf %mul3A_65, %mul3A_63 : vector<1024x128xf32>
    %get3A_67 = arith.constant 1 : index
    %get3A_68 = arith.constant 0 : index
    %get3A_69 = arith.constant 0 : index
    %get3A_70 = vector.load %arg4[%get3A_67, %get3A_68, %get3A_69] : memref<2x1024x128xf32, #tpu.memory_space<vmem>>, vector<1x1024x128xf32>
    %get3A_71 = vector.shape_cast %get3A_70 : vector<1x1024x128xf32> to vector<1024x128xf32>
    %mul3A_72 = arith.constant 1.000000e-01 : f32
    %mul3A_73 = vector.broadcast %mul3A_72 : f32 to vector<1024x128xf32>
    %mul3A_74 = arith.mulf %mul3A_73, %get3A_71 : vector<1024x128xf32>
    %add3A_75 = arith.addf %mul3A_66, %mul3A_74 : vector<1024x128xf32>
    %mul3A_76 = arith.constant 0.306852818 : f32
    %mul3A_77 = vector.broadcast %mul3A_76 : f32 to vector<1024x128xf32>
    %mul3A_78 = arith.mulf %mul3A_77, %add3A_75 : vector<1024x128xf32>
    %get3A_79 = arith.constant 0 : index
    %get3A_80 = arith.constant 0 : index
    %get3A_81 = vector.load %arg5[%get3A_79, %get3A_80] : memref<128x128xf32, #tpu.memory_space<vmem>>, vector<128x128xf32>
    %dot_general3A_82 = arith.constant dense<0.000000e+00> : vector<1024x128xf32>
    %dot_general3A_83 = tpu.matmul %add3A_75, %get3A_81, %dot_general3A_82 {dimension_numbers = #tpu.dot_dimension_numbers<[1], [0], [0], [1], [0, 0, 1, 1], [], []>, precision = #tpu.contract_precision<fp32>, transpose_lhs_hint = false} : vector<1024x128xf32>, vector<128x128xf32>, vector<1024x128xf32> -> vector<1024x128xf32>
    %mul3A_84 = arith.constant 0.693147182 : f32
    %mul3A_85 = vector.broadcast %mul3A_84 : f32 to vector<1024x128xf32>
    %mul3A_86 = arith.mulf %mul3A_85, %dot_general3A_83 : vector<1024x128xf32>
    %add3A_87 = arith.addf %mul3A_78, %mul3A_86 : vector<1024x128xf32>
    %max3A_88 = arith.constant 0.000000e+00 : f32
    %max3A_89 = vector.broadcast %max3A_88 : f32 to vector<1024x128xf32>
    %max3A_90 = arith.maximumf %add3A_87, %max3A_89 : vector<1024x128xf32>
    %swap3A_91 = arith.constant 1 : index
    %swap3A_92 = arith.constant 0 : index
    %swap3A_93 = arith.constant 0 : index
    %swap3A_94 = vector.load %arg6[%swap3A_91, %swap3A_92, %swap3A_93] : memref<2x1024x128xf32, #tpu.memory_space<vmem>>, vector<1x1024x128xf32>
    %swap3A_95 = vector.shape_cast %swap3A_94 : vector<1x1024x128xf32> to vector<1024x128xf32>
    %swap3A_96 = vector.shape_cast %max3A_90 : vector<1024x128xf32> to vector<1x1024x128xf32>
    tpu.vector_store %arg6[%swap3A_91, %swap3A_92, %swap3A_93], %swap3A_96 {strides = array<i32>} : memref<2x1024x128xf32, #tpu.memory_space<vmem>>, vector<1x1024x128xf32>,
    %get3A_97 = arith.constant 1 : index
    %get3A_98 = arith.constant 0 : index
    %get3A_99 = arith.constant 0 : index
    %get3A_100 = vector.load %arg3[%get3A_97, %get3A_98, %get3A_99] : memref<2x1024x1xf32, #tpu.memory_space<vmem>>, vector<1x1024x1xf32>
    %get3A_101 = vector.shape_cast %get3A_100 : vector<1x1024x1xf32> to vector<1024x1xf32>
    %mul3A_102 = vector.broadcast %get3A_101 : vector<1024x1xf32> to vector<1024x128xf32>
    %mul3A_103 = arith.mulf %max3A_90, %mul3A_102 : vector<1024x128xf32>
    %swap3A_104 = arith.constant 1 : index
    %swap3A_105 = arith.constant 0 : index
    %swap3A_106 = arith.constant 0 : index
    %swap3A_107 = vector.load %arg7[%swap3A_104, %swap3A_105, %swap3A_106] : memref<2x1024x128xf32, #tpu.memory_space<vmem>>, vector<1x1024x128xf32>
    %swap3A_108 = vector.shape_cast %swap3A_107 : vector<1x1024x128xf32> to vector<1024x128xf32>
    %swap3A_109 = vector.shape_cast %mul3A_103 : vector<1024x128xf32> to vector<1x1024x128xf32>
    tpu.vector_store %arg7[%swap3A_104, %swap3A_105, %swap3A_106], %swap3A_109 {strides = array<i32>} : memref<2x1024x128xf32, #tpu.memory_space<vmem>>, vector<1x1024x128xf32>,
    return
  }
  func.func @transform_0(%arg0: i32) -> (i32, i32, i32) {
    %c0_i32 = arith.constant 0 : i32
    %c0_i32_0 = arith.constant 0 : i32
    %c0_i32_1 = arith.constant 0 : i32
    return %c0_i32, %arg0, %c0_i32_0 : i32, i32, i32
  }
  func.func @transform_1(%arg0: i32) -> (i32, i32, i32) {
    %c0_i32 = arith.constant 0 : i32
    %c0_i32_0 = arith.constant 0 : i32
    %c0_i32_1 = arith.constant 0 : i32
    return %c0_i32, %arg0, %c0_i32_0 : i32, i32, i32
  }
  func.func @transform_2(%arg0: i32) -> (i32, i32, i32) {
    %c0_i32 = arith.constant 0 : i32
    %c0_i32_0 = arith.constant 0 : i32
    %c0_i32_1 = arith.constant 0 : i32
    return %c0_i32, %arg0, %c0_i32_0 : i32, i32, i32
  }
  func.func @transform_3(%arg0: i32) -> (i32, i32, i32) {
    %c0_i32 = arith.constant 0 : i32
    %c0_i32_0 = arith.constant 0 : i32
    %c0_i32_1 = arith.constant 0 : i32
    return %c0_i32, %arg0, %c0_i32_0 : i32, i32, i32
  }
  func.func @transform_4(%arg0: i32) -> (i32, i32) {
    %c0_i32 = arith.constant 0 : i32
    %c0_i32_0 = arith.constant 0 : i32
    %c0_i32_1 = arith.constant 0 : i32
    return %c0_i32, %c0_i32_0 : i32, i32
  }
  func.func @transform_5(%arg0: i32) -> (i32, i32, i32) {
    %c0_i32 = arith.constant 0 : i32
    %c0_i32_0 = arith.constant 0 : i32
    %c0_i32_1 = arith.constant 0 : i32
    return %c0_i32, %arg0, %c0_i32_0 : i32, i32, i32
  }
  func.func @transform_6(%arg0: i32) -> (i32, i32, i32) {
    %c0_i32 = arith.constant 0 : i32
    %c0_i32_0 = arith.constant 0 : i32
    %c0_i32_1 = arith.constant 0 : i32
    return %c0_i32, %arg0, %c0_i32_0 : i32, i32, i32
  }
}

module attributes {stable_mosaic.version = 14 : i64} {
  func.func @body(%arg0: i32, %arg1: memref<2x1024x128xf32, #tpu.memory_space<vmem>>, %arg2: memref<2x1024x1xf32, #tpu.memory_space<vmem>>, %arg3: memref<2x1024x128xf32, #tpu.memory_space<vmem>>, %arg4: memref<128x128xf32, #tpu.memory_space<vmem>>, %arg5: memref<2x1024x128xf32, #tpu.memory_space<vmem>>, %arg6: memref<2x8x128xf32, #tpu.memory_space<vmem>>) attributes {dimension_semantics = [#tpu.dimension_semantics<arbitrary>], iteration_bounds = array<i64: 10>, scalar_prefetch = 0 : i64, scratch_operands = 0 : i64, tpu.core_type = #tpu.core_type<tc>, window_params = [{transform_indices = @transform_0, window_bounds = array<i64: 2, 1024, 128>}, {transform_indices = @transform_1, window_bounds = array<i64: 2, 1024, 1>}, {transform_indices = @transform_2, window_bounds = array<i64: 2, 1024, 128>}, {pipeline_mode = #tpu.pipeline_mode<synchronous>, transform_indices = @transform_3, window_bounds = array<i64: 128, 128>}, {transform_indices = @transform_4, window_bounds = array<i64: 2, 1024, 128>}, {pipeline_mode = #tpu.pipeline_mode<synchronous>, transform_indices = @transform_5, window_bounds = array<i64: 2, 8, 128>}]} {
    %eq3A = arith.constant 0 : i32
    %eq3A_0 = arith.cmpi eq, %arg0, %eq3A : i32
    %convert_element_type3A = arith.extui %eq3A_0 : i1 to i32
    %cond3A = arith.constant 0 : i32
    %cond3A_1 = arith.cmpi ne, %convert_element_type3A, %cond3A : i32
    scf.if %cond3A_1 {
      %broadcast_in_dim3A_154 = arith.constant 0.000000e+00 : f32
      %broadcast_in_dim3A_155 = vector.broadcast %broadcast_in_dim3A_154 : f32 to vector<2x8x128xf32>
      %swap3A_156 = arith.constant 0 : index
      %swap3A_157 = arith.constant 0 : index
      %swap3A_158 = arith.constant 0 : index
      %swap3A_159 = vector.load %arg6[%swap3A_156, %swap3A_157, %swap3A_158] : memref<2x8x128xf32, #tpu.memory_space<vmem>>, vector<2x8x128xf32>
      tpu.vector_store %arg6[%swap3A_156, %swap3A_157, %swap3A_158], %broadcast_in_dim3A_155 {strides = array<i32>} : memref<2x8x128xf32, #tpu.memory_space<vmem>>, vector<2x8x128xf32>,
    } else {
    }
    %iota3A = tpu.iota {dimensions = array<i32: 0>} : vector<8x128xi32>
    %get3A = arith.constant 0 : index
    %get3A_2 = arith.constant 0 : index
    %get3A_3 = arith.constant 0 : index
    %get3A_4 = vector.load %arg1[%get3A, %get3A_2, %get3A_3] : memref<2x1024x128xf32, #tpu.memory_space<vmem>>, vector<1x1024x128xf32>
    %get3A_5 = vector.shape_cast %get3A_4 : vector<1x1024x128xf32> to vector<1024x128xf32>
    %get3A_6 = arith.constant 0 : index
    %get3A_7 = arith.constant 0 : index
    %get3A_8 = arith.constant 0 : index
    %get3A_9 = vector.load %arg2[%get3A_6, %get3A_7, %get3A_8] : memref<2x1024x1xf32, #tpu.memory_space<vmem>>, vector<1x1024x1xf32>
    %get3A_10 = vector.shape_cast %get3A_9 : vector<1x1024x1xf32> to vector<1024x1xf32>
    %mul3A = vector.broadcast %get3A_10 : vector<1024x1xf32> to vector<1024x128xf32>
    %mul3A_11 = arith.mulf %get3A_5, %mul3A : vector<1024x128xf32>
    %mul3A_12 = arith.constant 0.899999976 : f32
    %mul3A_13 = vector.broadcast %mul3A_12 : f32 to vector<1024x128xf32>
    %mul3A_14 = arith.mulf %mul3A_13, %mul3A_11 : vector<1024x128xf32>
    %get3A_15 = arith.constant 0 : index
    %get3A_16 = arith.constant 0 : index
    %get3A_17 = arith.constant 0 : index
    %get3A_18 = vector.load %arg3[%get3A_15, %get3A_16, %get3A_17] : memref<2x1024x128xf32, #tpu.memory_space<vmem>>, vector<1x1024x128xf32>
    %get3A_19 = vector.shape_cast %get3A_18 : vector<1x1024x128xf32> to vector<1024x128xf32>
    %mul3A_20 = arith.constant 1.000000e-01 : f32
    %mul3A_21 = vector.broadcast %mul3A_20 : f32 to vector<1024x128xf32>
    %mul3A_22 = arith.mulf %mul3A_21, %get3A_19 : vector<1024x128xf32>
    %add3A = arith.addf %mul3A_14, %mul3A_22 : vector<1024x128xf32>
    %mul3A_23 = arith.constant 0.594534874 : f32
    %mul3A_24 = vector.broadcast %mul3A_23 : f32 to vector<1024x128xf32>
    %mul3A_25 = arith.mulf %mul3A_24, %add3A : vector<1024x128xf32>
    %get3A_26 = arith.constant 0 : index
    %get3A_27 = arith.constant 0 : index
    %get3A_28 = vector.load %arg4[%get3A_26, %get3A_27] : memref<128x128xf32, #tpu.memory_space<vmem>>, vector<128x128xf32>
    %dot_general3A = arith.constant dense<0.000000e+00> : vector<1024x128xf32>
    %dot_general3A_29 = tpu.matmul %add3A, %get3A_28, %dot_general3A {dimension_numbers = #tpu.dot_dimension_numbers<[1], [0], [0], [1], [0, 0, 1, 1], [], []>, precision = #tpu.contract_precision<fp32>, transpose_lhs_hint = false} : vector<1024x128xf32>, vector<128x128xf32>, vector<1024x128xf32> -> vector<1024x128xf32>
    %mul3A_30 = arith.constant 0.405465096 : f32
    %mul3A_31 = vector.broadcast %mul3A_30 : f32 to vector<1024x128xf32>
    %mul3A_32 = arith.mulf %mul3A_31, %dot_general3A_29 : vector<1024x128xf32>
    %add3A_33 = arith.addf %mul3A_25, %mul3A_32 : vector<1024x128xf32>
    %max3A = arith.constant 0.000000e+00 : f32
    %max3A_34 = vector.broadcast %max3A : f32 to vector<1024x128xf32>
    %max3A_35 = arith.maximumf %add3A_33, %max3A_34 : vector<1024x128xf32>
    %swap3A = arith.constant 0 : index
    %swap3A_36 = arith.constant 0 : index
    %swap3A_37 = arith.constant 0 : index
    %swap3A_38 = vector.load %arg5[%swap3A, %swap3A_36, %swap3A_37] : memref<2x1024x128xf32, #tpu.memory_space<vmem>>, vector<1x1024x128xf32>
    %swap3A_39 = vector.shape_cast %swap3A_38 : vector<1x1024x128xf32> to vector<1024x128xf32>
    %swap3A_40 = vector.shape_cast %max3A_35 : vector<1024x128xf32> to vector<1x1024x128xf32>
    tpu.vector_store %arg5[%swap3A, %swap3A_36, %swap3A_37], %swap3A_40 {strides = array<i32>} : memref<2x1024x128xf32, #tpu.memory_space<vmem>>, vector<1x1024x128xf32>,
    %reduce_sum3A = arith.constant dense<0.000000e+00> : vector<128xf32>
    %reduce_sum3A_41 = vector.multi_reduction <add>, %max3A_35, %reduce_sum3A [0] : vector<1024x128xf32> to vector<128xf32>
    %broadcast_in_dim3A = vector.shape_cast %reduce_sum3A_41 : vector<128xf32> to vector<1x128xf32>
    %mul3A_42 = arith.mulf %max3A_35, %max3A_35 : vector<1024x128xf32>
    %reduce_sum3A_43 = arith.constant dense<0.000000e+00> : vector<128xf32>
    %reduce_sum3A_44 = vector.multi_reduction <add>, %mul3A_42, %reduce_sum3A_43 [0] : vector<1024x128xf32> to vector<128xf32>
    %broadcast_in_dim3A_45 = vector.shape_cast %reduce_sum3A_44 : vector<128xf32> to vector<1x128xf32>
    %get3A_46 = arith.constant 0 : index
    %get3A_47 = arith.constant 0 : index
    %get3A_48 = arith.constant 0 : index
    %get3A_49 = vector.load %arg6[%get3A_46, %get3A_47, %get3A_48] : memref<2x8x128xf32, #tpu.memory_space<vmem>>, vector<1x8x128xf32>
    %get3A_50 = vector.shape_cast %get3A_49 : vector<1x8x128xf32> to vector<8x128xf32>
    %eq3A_51 = arith.constant 0 : i32
    %eq3A_52 = vector.broadcast %eq3A_51 : i32 to vector<8x128xi32>
    %eq3A_53 = arith.cmpi eq, %iota3A, %eq3A_52 : vector<8x128xi32>
    %jit3A = arith.constant 0.000000e+00 : f32
    %broadcast_in_dim3A_54 = vector.shape_cast %broadcast_in_dim3A : vector<1x128xf32> to vector<1x128xf32>
    %broadcast_in_dim3A_55 = vector.broadcast %broadcast_in_dim3A_54 : vector<1x128xf32> to vector<8x128xf32>
    %broadcast_in_dim3A_56 = vector.broadcast %jit3A : f32 to vector<8x128xf32>
    %select_n3A = arith.select %eq3A_53, %broadcast_in_dim3A_55, %broadcast_in_dim3A_56 : vector<8x128xi1>, vector<8x128xf32>
    %eq3A_57 = arith.constant 1 : i32
    %eq3A_58 = vector.broadcast %eq3A_57 : i32 to vector<8x128xi32>
    %eq3A_59 = arith.cmpi eq, %iota3A, %eq3A_58 : vector<8x128xi32>
    %jit3A_60 = arith.constant 0.000000e+00 : f32
    %broadcast_in_dim3A_61 = vector.shape_cast %broadcast_in_dim3A_45 : vector<1x128xf32> to vector<1x128xf32>
    %broadcast_in_dim3A_62 = vector.broadcast %broadcast_in_dim3A_61 : vector<1x128xf32> to vector<8x128xf32>
    %broadcast_in_dim3A_63 = vector.broadcast %jit3A_60 : f32 to vector<8x128xf32>
    %select_n3A_64 = arith.select %eq3A_59, %broadcast_in_dim3A_62, %broadcast_in_dim3A_63 : vector<8x128xi1>, vector<8x128xf32>
    %add3A_65 = arith.addf %select_n3A, %select_n3A_64 : vector<8x128xf32>
    %add3A_66 = arith.addf %get3A_50, %add3A_65 : vector<8x128xf32>
    %swap3A_67 = arith.constant 0 : index
    %swap3A_68 = arith.constant 0 : index
    %swap3A_69 = arith.constant 0 : index
    %swap3A_70 = vector.load %arg6[%swap3A_67, %swap3A_68, %swap3A_69] : memref<2x8x128xf32, #tpu.memory_space<vmem>>, vector<1x8x128xf32>
    %swap3A_71 = vector.shape_cast %swap3A_70 : vector<1x8x128xf32> to vector<8x128xf32>
    %swap3A_72 = vector.shape_cast %add3A_66 : vector<8x128xf32> to vector<1x8x128xf32>
    tpu.vector_store %arg6[%swap3A_67, %swap3A_68, %swap3A_69], %swap3A_72 {strides = array<i32>} : memref<2x8x128xf32, #tpu.memory_space<vmem>>, vector<1x8x128xf32>,
    %get3A_73 = arith.constant 1 : index
    %get3A_74 = arith.constant 0 : index
    %get3A_75 = arith.constant 0 : index
    %get3A_76 = vector.load %arg1[%get3A_73, %get3A_74, %get3A_75] : memref<2x1024x128xf32, #tpu.memory_space<vmem>>, vector<1x1024x128xf32>
    %get3A_77 = vector.shape_cast %get3A_76 : vector<1x1024x128xf32> to vector<1024x128xf32>
    %get3A_78 = arith.constant 1 : index
    %get3A_79 = arith.constant 0 : index
    %get3A_80 = arith.constant 0 : index
    %get3A_81 = vector.load %arg2[%get3A_78, %get3A_79, %get3A_80] : memref<2x1024x1xf32, #tpu.memory_space<vmem>>, vector<1x1024x1xf32>
    %get3A_82 = vector.shape_cast %get3A_81 : vector<1x1024x1xf32> to vector<1024x1xf32>
    %mul3A_83 = vector.broadcast %get3A_82 : vector<1024x1xf32> to vector<1024x128xf32>
    %mul3A_84 = arith.mulf %get3A_77, %mul3A_83 : vector<1024x128xf32>
    %mul3A_85 = arith.constant 0.899999976 : f32
    %mul3A_86 = vector.broadcast %mul3A_85 : f32 to vector<1024x128xf32>
    %mul3A_87 = arith.mulf %mul3A_86, %mul3A_84 : vector<1024x128xf32>
    %get3A_88 = arith.constant 1 : index
    %get3A_89 = arith.constant 0 : index
    %get3A_90 = arith.constant 0 : index
    %get3A_91 = vector.load %arg3[%get3A_88, %get3A_89, %get3A_90] : memref<2x1024x128xf32, #tpu.memory_space<vmem>>, vector<1x1024x128xf32>
    %get3A_92 = vector.shape_cast %get3A_91 : vector<1x1024x128xf32> to vector<1024x128xf32>
    %mul3A_93 = arith.constant 1.000000e-01 : f32
    %mul3A_94 = vector.broadcast %mul3A_93 : f32 to vector<1024x128xf32>
    %mul3A_95 = arith.mulf %mul3A_94, %get3A_92 : vector<1024x128xf32>
    %add3A_96 = arith.addf %mul3A_87, %mul3A_95 : vector<1024x128xf32>
    %mul3A_97 = arith.constant 0.594534874 : f32
    %mul3A_98 = vector.broadcast %mul3A_97 : f32 to vector<1024x128xf32>
    %mul3A_99 = arith.mulf %mul3A_98, %add3A_96 : vector<1024x128xf32>
    %get3A_100 = arith.constant 0 : index
    %get3A_101 = arith.constant 0 : index
    %get3A_102 = vector.load %arg4[%get3A_100, %get3A_101] : memref<128x128xf32, #tpu.memory_space<vmem>>, vector<128x128xf32>
    %dot_general3A_103 = arith.constant dense<0.000000e+00> : vector<1024x128xf32>
    %dot_general3A_104 = tpu.matmul %add3A_96, %get3A_102, %dot_general3A_103 {dimension_numbers = #tpu.dot_dimension_numbers<[1], [0], [0], [1], [0, 0, 1, 1], [], []>, precision = #tpu.contract_precision<fp32>, transpose_lhs_hint = false} : vector<1024x128xf32>, vector<128x128xf32>, vector<1024x128xf32> -> vector<1024x128xf32>
    %mul3A_105 = arith.constant 0.405465096 : f32
    %mul3A_106 = vector.broadcast %mul3A_105 : f32 to vector<1024x128xf32>
    %mul3A_107 = arith.mulf %mul3A_106, %dot_general3A_104 : vector<1024x128xf32>
    %add3A_108 = arith.addf %mul3A_99, %mul3A_107 : vector<1024x128xf32>
    %max3A_109 = arith.constant 0.000000e+00 : f32
    %max3A_110 = vector.broadcast %max3A_109 : f32 to vector<1024x128xf32>
    %max3A_111 = arith.maximumf %add3A_108, %max3A_110 : vector<1024x128xf32>
    %swap3A_112 = arith.constant 1 : index
    %swap3A_113 = arith.constant 0 : index
    %swap3A_114 = arith.constant 0 : index
    %swap3A_115 = vector.load %arg5[%swap3A_112, %swap3A_113, %swap3A_114] : memref<2x1024x128xf32, #tpu.memory_space<vmem>>, vector<1x1024x128xf32>
    %swap3A_116 = vector.shape_cast %swap3A_115 : vector<1x1024x128xf32> to vector<1024x128xf32>
    %swap3A_117 = vector.shape_cast %max3A_111 : vector<1024x128xf32> to vector<1x1024x128xf32>
    tpu.vector_store %arg5[%swap3A_112, %swap3A_113, %swap3A_114], %swap3A_117 {strides = array<i32>} : memref<2x1024x128xf32, #tpu.memory_space<vmem>>, vector<1x1024x128xf32>,
    %reduce_sum3A_118 = arith.constant dense<0.000000e+00> : vector<128xf32>
    %reduce_sum3A_119 = vector.multi_reduction <add>, %max3A_111, %reduce_sum3A_118 [0] : vector<1024x128xf32> to vector<128xf32>
    %broadcast_in_dim3A_120 = vector.shape_cast %reduce_sum3A_119 : vector<128xf32> to vector<1x128xf32>
    %mul3A_121 = arith.mulf %max3A_111, %max3A_111 : vector<1024x128xf32>
    %reduce_sum3A_122 = arith.constant dense<0.000000e+00> : vector<128xf32>
    %reduce_sum3A_123 = vector.multi_reduction <add>, %mul3A_121, %reduce_sum3A_122 [0] : vector<1024x128xf32> to vector<128xf32>
    %broadcast_in_dim3A_124 = vector.shape_cast %reduce_sum3A_123 : vector<128xf32> to vector<1x128xf32>
    %get3A_125 = arith.constant 1 : index
    %get3A_126 = arith.constant 0 : index
    %get3A_127 = arith.constant 0 : index
    %get3A_128 = vector.load %arg6[%get3A_125, %get3A_126, %get3A_127] : memref<2x8x128xf32, #tpu.memory_space<vmem>>, vector<1x8x128xf32>
    %get3A_129 = vector.shape_cast %get3A_128 : vector<1x8x128xf32> to vector<8x128xf32>
    %eq3A_130 = arith.constant 0 : i32
    %eq3A_131 = vector.broadcast %eq3A_130 : i32 to vector<8x128xi32>
    %eq3A_132 = arith.cmpi eq, %iota3A, %eq3A_131 : vector<8x128xi32>
    %jit3A_133 = arith.constant 0.000000e+00 : f32
    %broadcast_in_dim3A_134 = vector.shape_cast %broadcast_in_dim3A_120 : vector<1x128xf32> to vector<1x128xf32>
    %broadcast_in_dim3A_135 = vector.broadcast %broadcast_in_dim3A_134 : vector<1x128xf32> to vector<8x128xf32>
    %broadcast_in_dim3A_136 = vector.broadcast %jit3A_133 : f32 to vector<8x128xf32>
    %select_n3A_137 = arith.select %eq3A_132, %broadcast_in_dim3A_135, %broadcast_in_dim3A_136 : vector<8x128xi1>, vector<8x128xf32>
    %eq3A_138 = arith.constant 1 : i32
    %eq3A_139 = vector.broadcast %eq3A_138 : i32 to vector<8x128xi32>
    %eq3A_140 = arith.cmpi eq, %iota3A, %eq3A_139 : vector<8x128xi32>
    %jit3A_141 = arith.constant 0.000000e+00 : f32
    %broadcast_in_dim3A_142 = vector.shape_cast %broadcast_in_dim3A_124 : vector<1x128xf32> to vector<1x128xf32>
    %broadcast_in_dim3A_143 = vector.broadcast %broadcast_in_dim3A_142 : vector<1x128xf32> to vector<8x128xf32>
    %broadcast_in_dim3A_144 = vector.broadcast %jit3A_141 : f32 to vector<8x128xf32>
    %select_n3A_145 = arith.select %eq3A_140, %broadcast_in_dim3A_143, %broadcast_in_dim3A_144 : vector<8x128xi1>, vector<8x128xf32>
    %add3A_146 = arith.addf %select_n3A_137, %select_n3A_145 : vector<8x128xf32>
    %add3A_147 = arith.addf %get3A_129, %add3A_146 : vector<8x128xf32>
    %swap3A_148 = arith.constant 1 : index
    %swap3A_149 = arith.constant 0 : index
    %swap3A_150 = arith.constant 0 : index
    %swap3A_151 = vector.load %arg6[%swap3A_148, %swap3A_149, %swap3A_150] : memref<2x8x128xf32, #tpu.memory_space<vmem>>, vector<1x8x128xf32>
    %swap3A_152 = vector.shape_cast %swap3A_151 : vector<1x8x128xf32> to vector<8x128xf32>
    %swap3A_153 = vector.shape_cast %add3A_147 : vector<8x128xf32> to vector<1x8x128xf32>
    tpu.vector_store %arg6[%swap3A_148, %swap3A_149, %swap3A_150], %swap3A_153 {strides = array<i32>} : memref<2x8x128xf32, #tpu.memory_space<vmem>>, vector<1x8x128xf32>,
    return
  }
  func.func @transform_0(%arg0: i32) -> (i32, i32, i32) {
    %c0_i32 = arith.constant 0 : i32
    %c0_i32_0 = arith.constant 0 : i32
    %c0_i32_1 = arith.constant 0 : i32
    return %c0_i32, %arg0, %c0_i32_0 : i32, i32, i32
  }
  func.func @transform_1(%arg0: i32) -> (i32, i32, i32) {
    %c0_i32 = arith.constant 0 : i32
    %c0_i32_0 = arith.constant 0 : i32
    %c0_i32_1 = arith.constant 0 : i32
    return %c0_i32, %arg0, %c0_i32_0 : i32, i32, i32
  }
  func.func @transform_2(%arg0: i32) -> (i32, i32, i32) {
    %c0_i32 = arith.constant 0 : i32
    %c0_i32_0 = arith.constant 0 : i32
    %c0_i32_1 = arith.constant 0 : i32
    return %c0_i32, %arg0, %c0_i32_0 : i32, i32, i32
  }
  func.func @transform_3(%arg0: i32) -> (i32, i32) {
    %c0_i32 = arith.constant 0 : i32
    %c0_i32_0 = arith.constant 0 : i32
    %c0_i32_1 = arith.constant 0 : i32
    return %c0_i32, %c0_i32_0 : i32, i32
  }
  func.func @transform_4(%arg0: i32) -> (i32, i32, i32) {
    %c0_i32 = arith.constant 0 : i32
    %c0_i32_0 = arith.constant 0 : i32
    %c0_i32_1 = arith.constant 0 : i32
    return %c0_i32, %arg0, %c0_i32_0 : i32, i32, i32
  }
  func.func @transform_5(%arg0: i32) -> (i32, i32, i32) {
    %c0_i32 = arith.constant 0 : i32
    %c0_i32_0 = arith.constant 0 : i32
    %c0_i32_1 = arith.constant 0 : i32
    %c0_i32_2 = arith.constant 0 : i32
    return %c0_i32, %c0_i32_0, %c0_i32_1 : i32, i32, i32
  }
}

module attributes {stable_mosaic.version = 14 : i64} {
  func.func @body(%arg0: i32, %arg1: memref<2x1024x128xf32, #tpu.memory_space<vmem>>, %arg2: memref<2x8x128xf32, #tpu.memory_space<vmem>>, %arg3: memref<2x1024x128xf32, #tpu.memory_space<vmem>>) attributes {dimension_semantics = [#tpu.dimension_semantics<arbitrary>], iteration_bounds = array<i64: 10>, scalar_prefetch = 0 : i64, scratch_operands = 0 : i64, tpu.core_type = #tpu.core_type<tc>, window_params = [{transform_indices = @transform_0, window_bounds = array<i64: 2, 1024, 128>}, {pipeline_mode = #tpu.pipeline_mode<synchronous>, transform_indices = @transform_1, window_bounds = array<i64: 2, 8, 128>}, {transform_indices = @transform_2, window_bounds = array<i64: 2, 1024, 128>}]} {
    %get3A = arith.constant 0 : index
    %get3A_0 = arith.constant 0 : index
    %get3A_1 = arith.constant 0 : index
    %get3A_2 = vector.load %arg2[%get3A, %get3A_0, %get3A_1] : memref<2x8x128xf32, #tpu.memory_space<vmem>>, vector<1x1x128xf32>
    %get3A_3 = vector.shape_cast %get3A_2 : vector<1x1x128xf32> to vector<1x128xf32>
    %get3A_4 = arith.constant 0 : index
    %get3A_5 = arith.constant 1 : index
    %get3A_6 = arith.constant 0 : index
    %get3A_7 = vector.load %arg2[%get3A_4, %get3A_5, %get3A_6] : memref<2x8x128xf32, #tpu.memory_space<vmem>>, vector<1x1x128xf32>
    %get3A_8 = vector.shape_cast %get3A_7 : vector<1x1x128xf32> to vector<1x128xf32>
    %mul3A = arith.constant 9.99999974E-5 : f32
    %mul3A_9 = vector.broadcast %mul3A : f32 to vector<1x128xf32>
    %mul3A_10 = arith.mulf %get3A_3, %mul3A_9 : vector<1x128xf32>
    %mul3A_11 = arith.mulf %mul3A_10, %mul3A_10 : vector<1x128xf32>
    %mul3A_12 = arith.constant 1.000000e+04 : f32
    %mul3A_13 = vector.broadcast %mul3A_12 : f32 to vector<1x128xf32>
    %mul3A_14 = arith.mulf %mul3A_11, %mul3A_13 : vector<1x128xf32>
    %sub3A = arith.subf %get3A_8, %mul3A_14 : vector<1x128xf32>
    %mul3A_15 = arith.constant 1.000100e-04 : f32
    %mul3A_16 = vector.broadcast %mul3A_15 : f32 to vector<1x128xf32>
    %mul3A_17 = arith.mulf %sub3A, %mul3A_16 : vector<1x128xf32>
    %max3A = arith.constant 0.000000e+00 : f32
    %max3A_18 = vector.broadcast %max3A : f32 to vector<1x128xf32>
    %max3A_19 = arith.maximumf %mul3A_17, %max3A_18 : vector<1x128xf32>
    %sqrt3A = math.sqrt %max3A_19 : vector<1x128xf32>
    %max3A_20 = arith.constant 9.99999996E-13 : f32
    %max3A_21 = vector.broadcast %max3A_20 : f32 to vector<1x128xf32>
    %max3A_22 = arith.maximumf %sqrt3A, %max3A_21 : vector<1x128xf32>
    %div3A = arith.constant 1.000000e+00 : f32
    %div3A_23 = vector.broadcast %div3A : f32 to vector<1x128xf32>
    %div3A_24 = arith.divf %div3A_23, %max3A_22 : vector<1x128xf32>
    %get3A_25 = arith.constant 0 : index
    %get3A_26 = arith.constant 0 : index
    %get3A_27 = arith.constant 0 : index
    %get3A_28 = vector.load %arg1[%get3A_25, %get3A_26, %get3A_27] : memref<2x1024x128xf32, #tpu.memory_space<vmem>>, vector<1x1024x128xf32>
    %get3A_29 = vector.shape_cast %get3A_28 : vector<1x1024x128xf32> to vector<1024x128xf32>
    %sub3A_30 = vector.broadcast %mul3A_10 : vector<1x128xf32> to vector<1024x128xf32>
    %sub3A_31 = arith.subf %get3A_29, %sub3A_30 : vector<1024x128xf32>
    %mul3A_32 = vector.broadcast %div3A_24 : vector<1x128xf32> to vector<1024x128xf32>
    %mul3A_33 = arith.mulf %sub3A_31, %mul3A_32 : vector<1024x128xf32>
    %swap3A = arith.constant 0 : index
    %swap3A_34 = arith.constant 0 : index
    %swap3A_35 = arith.constant 0 : index
    %swap3A_36 = vector.load %arg3[%swap3A, %swap3A_34, %swap3A_35] : memref<2x1024x128xf32, #tpu.memory_space<vmem>>, vector<1x1024x128xf32>
    %swap3A_37 = vector.shape_cast %swap3A_36 : vector<1x1024x128xf32> to vector<1024x128xf32>
    %swap3A_38 = vector.shape_cast %mul3A_33 : vector<1024x128xf32> to vector<1x1024x128xf32>
    tpu.vector_store %arg3[%swap3A, %swap3A_34, %swap3A_35], %swap3A_38 {strides = array<i32>} : memref<2x1024x128xf32, #tpu.memory_space<vmem>>, vector<1x1024x128xf32>,
    %get3A_39 = arith.constant 1 : index
    %get3A_40 = arith.constant 0 : index
    %get3A_41 = arith.constant 0 : index
    %get3A_42 = vector.load %arg2[%get3A_39, %get3A_40, %get3A_41] : memref<2x8x128xf32, #tpu.memory_space<vmem>>, vector<1x1x128xf32>
    %get3A_43 = vector.shape_cast %get3A_42 : vector<1x1x128xf32> to vector<1x128xf32>
    %get3A_44 = arith.constant 1 : index
    %get3A_45 = arith.constant 1 : index
    %get3A_46 = arith.constant 0 : index
    %get3A_47 = vector.load %arg2[%get3A_44, %get3A_45, %get3A_46] : memref<2x8x128xf32, #tpu.memory_space<vmem>>, vector<1x1x128xf32>
    %get3A_48 = vector.shape_cast %get3A_47 : vector<1x1x128xf32> to vector<1x128xf32>
    %mul3A_49 = arith.constant 9.99999974E-5 : f32
    %mul3A_50 = vector.broadcast %mul3A_49 : f32 to vector<1x128xf32>
    %mul3A_51 = arith.mulf %get3A_43, %mul3A_50 : vector<1x128xf32>
    %mul3A_52 = arith.mulf %mul3A_51, %mul3A_51 : vector<1x128xf32>
    %mul3A_53 = arith.constant 1.000000e+04 : f32
    %mul3A_54 = vector.broadcast %mul3A_53 : f32 to vector<1x128xf32>
    %mul3A_55 = arith.mulf %mul3A_52, %mul3A_54 : vector<1x128xf32>
    %sub3A_56 = arith.subf %get3A_48, %mul3A_55 : vector<1x128xf32>
    %mul3A_57 = arith.constant 1.000100e-04 : f32
    %mul3A_58 = vector.broadcast %mul3A_57 : f32 to vector<1x128xf32>
    %mul3A_59 = arith.mulf %sub3A_56, %mul3A_58 : vector<1x128xf32>
    %max3A_60 = arith.constant 0.000000e+00 : f32
    %max3A_61 = vector.broadcast %max3A_60 : f32 to vector<1x128xf32>
    %max3A_62 = arith.maximumf %mul3A_59, %max3A_61 : vector<1x128xf32>
    %sqrt3A_63 = math.sqrt %max3A_62 : vector<1x128xf32>
    %max3A_64 = arith.constant 9.99999996E-13 : f32
    %max3A_65 = vector.broadcast %max3A_64 : f32 to vector<1x128xf32>
    %max3A_66 = arith.maximumf %sqrt3A_63, %max3A_65 : vector<1x128xf32>
    %div3A_67 = arith.constant 1.000000e+00 : f32
    %div3A_68 = vector.broadcast %div3A_67 : f32 to vector<1x128xf32>
    %div3A_69 = arith.divf %div3A_68, %max3A_66 : vector<1x128xf32>
    %get3A_70 = arith.constant 1 : index
    %get3A_71 = arith.constant 0 : index
    %get3A_72 = arith.constant 0 : index
    %get3A_73 = vector.load %arg1[%get3A_70, %get3A_71, %get3A_72] : memref<2x1024x128xf32, #tpu.memory_space<vmem>>, vector<1x1024x128xf32>
    %get3A_74 = vector.shape_cast %get3A_73 : vector<1x1024x128xf32> to vector<1024x128xf32>
    %sub3A_75 = vector.broadcast %mul3A_51 : vector<1x128xf32> to vector<1024x128xf32>
    %sub3A_76 = arith.subf %get3A_74, %sub3A_75 : vector<1024x128xf32>
    %mul3A_77 = vector.broadcast %div3A_69 : vector<1x128xf32> to vector<1024x128xf32>
    %mul3A_78 = arith.mulf %sub3A_76, %mul3A_77 : vector<1024x128xf32>
    %swap3A_79 = arith.constant 1 : index
    %swap3A_80 = arith.constant 0 : index
    %swap3A_81 = arith.constant 0 : index
    %swap3A_82 = vector.load %arg3[%swap3A_79, %swap3A_80, %swap3A_81] : memref<2x1024x128xf32, #tpu.memory_space<vmem>>, vector<1x1024x128xf32>
    %swap3A_83 = vector.shape_cast %swap3A_82 : vector<1x1024x128xf32> to vector<1024x128xf32>
    %swap3A_84 = vector.shape_cast %mul3A_78 : vector<1024x128xf32> to vector<1x1024x128xf32>
    tpu.vector_store %arg3[%swap3A_79, %swap3A_80, %swap3A_81], %swap3A_84 {strides = array<i32>} : memref<2x1024x128xf32, #tpu.memory_space<vmem>>, vector<1x1024x128xf32>,
    return
  }
  func.func @transform_0(%arg0: i32) -> (i32, i32, i32) {
    %c0_i32 = arith.constant 0 : i32
    %c0_i32_0 = arith.constant 0 : i32
    %c0_i32_1 = arith.constant 0 : i32
    return %c0_i32, %arg0, %c0_i32_0 : i32, i32, i32
  }
  func.func @transform_1(%arg0: i32) -> (i32, i32, i32) {
    %c0_i32 = arith.constant 0 : i32
    %c0_i32_0 = arith.constant 0 : i32
    %c0_i32_1 = arith.constant 0 : i32
    %c0_i32_2 = arith.constant 0 : i32
    return %c0_i32, %c0_i32_0, %c0_i32_1 : i32, i32, i32
  }
  func.func @transform_2(%arg0: i32) -> (i32, i32, i32) {
    %c0_i32 = arith.constant 0 : i32
    %c0_i32_0 = arith.constant 0 : i32
    %c0_i32_1 = arith.constant 0 : i32
    return %c0_i32, %arg0, %c0_i32_0 : i32, i32, i32
  }
}

</mosaic_0001>

<sc_bundles>
// kernel: kernel.12.cloned.1.call-start
scs
__scs_entry_jumppad:
0x0: {  	(pc) =	sbr.rel $0x88, $3  }
0x1: {  	(tag) =	ssettag $0x0;
	lr =	simm.s32 $0x1  }
0x2: {  	[smem:$0x3F9B] =	sst lr;
	_ =	strace $0xD0000000  }
0x3: {  	_ = 	snop  }
0x4: {  	_ = 	snop  }
0x5: {  	_ = 	snop  }
0x6: {  	_ = 	snop  }
0x7: {  	_ = 	snop  }
__scs_overlays_trampoline_lowered:
0x8: {  	[smem:$0x3FAA] =	sst s0  }
0x9: {  	[smem:$0x3FAB] =	sst s1  }
0xa: {  	[smem:$0x3FAC] =	sst s2  }
0xb: {  	[smem:$0x3FAD] =	sst s3  }
0xc: {  	[smem:$0x3FAE] =	sst s4  }
0xd: {  	[smem:$0x3FAF] =	sst s5  }
0xe: {  	[smem:$0x3FB0] =	sst s6  }
0xf: {  	[smem:$0x3FB1] =	sst s7  }
0x10: {  	[smem:$0x3FB2] =	sst s8  }
0x11: {  	[smem:$0x3FB3] =	sst s9;
	s0 =	simm.s32 @!p0 $0x0  }
0x12: {  	s1 =	sld [smem:$0x3F99];
	s0 =	simm.s32 @p0 $0x1  }
0x13: {  	[smem:$0x3FB4] =	sst s0;
	s0 =	simm.s32 @!p1 $0x0  }
0x14: {  	s2 =	sld [smem:$0x3F98];
	s0 =	simm.s32 @p1 $0x1  }
0x15: {  	[smem:$0x3FB5] =	sst s0;
	s0 =	simm.s32 @!p2 $0x0  }
0x16: {  	s3 =	sld [smem:$0x3FDB];
	s0 =	simm.s32 @p2 $0x1  }
0x17: {  	s4 =	simm.s32 $0x1BF5;
	[smem:$0x3FB7] =	sst s0  }
0x18: {  	s0 =	sld [smem:$0x3F9A];
	_ =	swait.ge [sflag:s4], $0x0  }
0x19: {  	s7 =	sld [smem:$0x3F9B]  }
0x1a: {  	s8 =	sadd.s32 $0xFFFFE003, lr  }
0x1b: {  	s9 =	sadd.s32 $0xFFFFFEF7, lr;
	s5 =	simm.s32 $0xFFFFFFFF;
	p2 =	slt.u32 s8, $0xFFFFF086  }
0x1c: {  	p1 =	slt.u32 s9, $0xF7A;
	s5 =	simm.s32 @!p2 $0x0  }
0x1d: {  	s5 =	simm.s32 @p1 $0x1;
	p0 =	seq.s32 s7, s2  }
0x1e: {  	s7 =	smul.u32 @!p0 $0xF7A, s2;
	p2 =	seq.s32 @!p0 s5, $0x0  }
0x1f: {  	s9 =	smul.u32 $0xF7A, s1;
	s8 =	simm.s32 @!p0 $0x1BF5;
	p2 =	por !p2, p0  }
0x20: {  	[sflag:s8] =	ssyncset.s32 @!p0 $0xFFFFF086;
	s6 =	sadd.s32 @!p0 s3, s7;
	s7 =	simm.s32 @!p0 $0x108  }
0x21: {  	s3 =	sadd.s32 s3, s9;
	s6 =	sadd.s32 @!p0 $0x88, s6;
	s7 =	simm.s32 @p2 $0x1082  }
0x22: {  	[simem:s7], [sflag:s8] =	dma.local @!p0 [hbm:s6], $0xF7A  }
0x23: {  	s9 =	sor.u32 $0xD0000000, s2;
	s6 =	simm.s32 $0x108;
	_ =	swait.ge @!p0 [sflag:s8], $0x0  }
0x24: {  	s3 =	sadd.s32 $0x88, s3;
	s6 =	simm.s32 @!p1 $0x1082;
	[sflag:s4] =	ssyncset.s32 $0xFFFFF086  }
0x25: {  	[simem:s6], [sflag:s4] =	dma.local [hbm:s3], $0xF7A  }
0x26: {  	[smem:$0x3F9B] =	sst s1;
	(tag) =	ssettag s2;
	_ =	strace s9  }
0x27: {  	s1 =	sld [smem:$0x3FAB]  }
0x28: {  	s2 =	sld [smem:$0x3FAC]  }
0x29: {  	s4 =	sld [smem:$0x3FAE]  }
0x2a: {  	p0 =	seq.s32 s5, $0x0;
	s5 =	sld [smem:$0x3FAF]  }
0x2b: {  	s6 =	sld [smem:$0x3FB0]  }
0x2c: {  	s7 =	sld [smem:$0x3FB1]  }
0x2d: {  	s3 =	simm.s32 $0x108;
	s8 =	sld [smem:$0x3FB2]  }
0x2e: {  	s3 =	simm.s32 @!p0 $0x1082;
	s9 =	sld [smem:$0x3FB3]  }
0x2f: {  	lr =	sadd.s32 s0, s3;
	s0 =	sld [smem:$0x3FAA]  }
0x30: {  	s3 =	sld [smem:$0x3FAD]  }
0x31: {  	[smem:$0x3FB6] =	sst s10  }
0x32: {  	s10 =	sld [smem:$0x3FB4];
	_ =	sdelay $0x3  }
0x33: {  	p0 =	seq.s32 s10, $0x1;
	s10 =	sld [smem:$0x3FB6];
	_ =	sdelay $0x3  }
0x34: {  	[smem:$0x3FB6] =	sst s10  }
0x35: {  	s10 =	sld [smem:$0x3FB5];
	_ =	sdelay $0x3  }
0x36: {  	p1 =	seq.s32 s10, $0x1;
	s10 =	sld [smem:$0x3FB6];
	_ =	sdelay $0x3  }
0x37: {  	[smem:$0x3FB6] =	sst s10  }
0x38: {  	s10 =	sld [smem:$0x3FB7]  }
0x39: {  	_ = 	snop;
	(pc) =	sbr.ind lr, $3  }
0x3a: {  	_ = 	snop  }
0x3b: {  	_ = 	snop  }
0x3c: {  	p2 =	seq.s32 s10, $0x1;
	s10 =	sld [smem:$0x3FB6]  }
0x3d: {  	_ =	shalt  }
0x3e: {  	_ =	shalt  }
0x3f: {  	_ =	shalt  }
0x40: {  	_ =	shalt  }
0x41: {  	_ =	shalt  }
0x42: {  	_ =	shalt  }
0x43: {  	_ =	shalt  }
0x44: {  	_ =	shalt  }
0x45: {  	_ =	shalt  }
0x46: {  	_ =	shalt  }
0x47: {  	_ =	shalt  }
0x48: {  	_ =	shalt  }
0x49: {  	_ =	shalt  }
0x4a: {  	_ =	shalt  }
0x4b: {  	_ =	shalt  }
0x4c: {  	_ =	shalt  }
0x4d: {  	_ =	shalt  }
0x4e: {  	_ =	shalt  }
0x4f: {  	_ =	shalt  }
0x50: {  	_ =	shalt  }
0x51: {  	_ =	shalt  }
0x52: {  	_ =	shalt  }
0x53: {  	_ =	shalt  }
0x54: {  	_ =	shalt  }
0x55: {  	_ =	shalt  }
0x56: {  	_ =	shalt  }
0x57: {  	_ =	shalt  }
0x58: {  	_ =	shalt  }
0x59: {  	_ =	shalt  }
0x5a: {  	_ =	shalt  }
0x5b: {  	_ =	shalt  }
0x5c: {  	_ =	shalt  }
0x5d: {  	_ =	shalt  }
0x5e: {  	_ =	shalt  }
0x5f: {  	_ =	shalt  }
0x60: {  	_ =	shalt  }
0x61: {  	_ =	shalt  }
0x62: {  	_ =	shalt  }
0x63: {  	_ =	shalt  }
0x64: {  	_ =	shalt  }
0x65: {  	_ =	shalt  }
0x66: {  	_ =	shalt  }
0x67: {  	_ =	shalt  }
0x68: {  	_ =	shalt  }
0x69: {  	_ =	shalt  }
0x6a: {  	_ =	shalt  }
0x6b: {  	_ =	shalt  }
0x6c: {  	_ =	shalt  }
0x6d: {  	_ =	shalt  }
0x6e: {  	_ =	shalt  }
0x6f: {  	_ =	shalt  }
0x70: {  	_ =	shalt  }
0x71: {  	_ =	shalt  }
0x72: {  	_ =	shalt  }
0x73: {  	_ =	shalt  }
0x74: {  	_ =	shalt  }
0x75: {  	_ =	shalt  }
0x76: {  	_ =	shalt  }
0x77: {  	_ =	shalt  }
0x78: {  	_ =	shalt  }
0x79: {  	_ =	shalt  }
0x7a: {  	_ =	shalt  }
0x7b: {  	_ =	shalt  }
0x7c: {  	_ =	shalt  }
0x7d: {  	_ =	shalt  }
0x7e: {  	_ =	shalt  }
0x7f: {  	_ =	shalt  }
0x80: {  	_ =	shalt  }
0x81: {  	_ =	shalt  }
0x82: {  	_ =	shalt  }
0x83: {  	_ =	shalt  }
0x84: {  	_ =	shalt  }
0x85: {  	_ =	shalt  }
0x86: {  	_ =	shalt  }
0x87: {  	_ =	shalt  }
.Lfunc_end0:
.L_simem_size_0:
called_computation.1_lowered:
.L_overlay_start_0:
0x88: {  	s2 =	sld [smem:$0x3FD9]  }
0x89: {  	s3 =	sld [smem:$0x3FFE];
	_ =	sdelay $0x1  }
0x8a: {  	s1 =	srdreg.scid  }
0x8b: {  	s0 =	sand.u32 $0x1, s1  }
0x8c: {  	s14 =	sshll.u32 s0, $0xA;
	s2 =	sadd.s32 s3, s2  }
0x8d: {  	s2 =	sadd.s32 s2, s14  }
0x8e: {  	[smem:$0x3FC2] =	sst s2  }
0x8f: {  	_ = 	snop  }
0x90: {  	s2 =	sld [smem:$0x3FD0];
	_ =	sdelay $0x2  }
0x91: {  	s15 =	simm.s32 $0xA;
	s4 =	simm.s32 $0x10  }
0x92: {  	[smem:s4], [sflag:s15] =	dma.local [hbm:s2], $0x1  }
0x93: {  	_ =	swait.eq [sflag:s15], $0x1  }
0x94: {  	[sflag:s15] =	ssyncset.done $0x0  }
0x95: {  	s16 =	sld [smem:$0x10];
	[sflag:s15] =	ssyncadd.s32 $0xFFFFFFFF  }
0x96: {  	s17 =	sld [smem:$0x11];
	(tm) =	ssettm $0x1  }
0x97: {  	s18 =	sld [smem:$0x3FFB];
	_ =	sdelay $0x3  }
0x98: {  	_ =	strace s18  }
0x99: {  	s4 =	sld [smem:$0x3FFC];
	_ =	sdelay $0x3  }
0x9a: {  	_ =	strace s4  }
0x9b: {  	s4 =	sld [smem:$0x3FFD];
	_ =	sdelay $0x3  }
0x9c: {  	_ =	strace s4  }
0x9d: {  	_ =	strace $0x8FFFFFFF  }
0x9e: {  	s19 =	sld [smem:$0x3FDB];
	_ =	sdelay $0x1  }
0x9f: {  	s5 =	simm.s32 $_scs_section_size  }
0xa0: {  	s6 =	simm.s32 $_size__tile_overlayer_lowered;
	s7 =	simm.s32 $_tile_overlayer_lowered  }
0xa1: {  	s22 =	simm.s32 $0x1BFF;
	s21 =	sshll.u32 s7, $0x1;
	s4 =	sadd.s32 s5, s19  }
0xa2: {  	s8 =	simm.s32 $0x0;
	s20 =	sshll.u32 s6, $0x1;
	s6 =	sadd.s32 s21, s4  }
0xa3: {  	[timem:s8], [sflag:s22] =	dma.local [hbm:s6], s20  }
0xa4: {  	_ =	swait.ge [sflag:s22], s20  }
0xa5: {  	s5 =	ssub.s32 $0x0, s20;
	[sflag:s22] =	ssyncset.done $0x0  }
0xa6: {  	[sflag:s22] =	ssyncadd.s32 s5;
	_ =	sdelay $0x1  }
0xa7: {  	s23 =	simm.s32 $0x1B8B  }
0xa8: {  	_ =	swait.ge [sflag:s23], $0x1  }
0xa9: {  	[sflag:s23] =	ssyncset.done $0x0  }
0xaa: {  	s25 =	simm.s32 $0x1B8E;
	s24 =	sld [smem:$0x3FFE];
	[sflag:s23] =	ssyncadd.s32 $0xFFFFFFFF  }
0xab: {  	s26 =	simm.s32 $execute0_lowered;
	[smem:$0x3FD2] =	sst s25  }
0xac: {  	s6 =	sshll.u32 s26, $0x1;
	_ =	strace $0x80000049;
	[dreg:$0x1] =	wrdreg $0xFFFFFFFF  }
0xad: {  	s28 =	simm.s32 $_size_execute0_lowered;
	s4 =	sadd.s32 s4, s6;
	[dreg:$0x0] =	wrdreg $0x0  }
0xae: {  	s6 =	sshll.u32 s28, $0x1;
	[dreg:$0x2] =	wrdreg s4  }
0xaf: {  	[dreg:$0x3] =	wrdreg s6  }
0xb0: {  	[dreg:$0x4] =	wrdreg $0xC0  }
0xb1: {  	_ =	task [dreg:s8], $0x5FFFF  }
0xb2: {  	[dreg:$0x1] =	wrdreg $0xFFFFFFFF  }
0xb3: {  	[dreg:$0x0] =	wrdreg $0x60  }
0xb4: {  	[dreg:$0x2] =	wrdreg s24  }
0xb5: {  	[dreg:$0x3] =	wrdreg s16  }
0xb6: {  	[dreg:$0x4] =	wrdreg s17  }
0xb7: {  	[dreg:$0x5] =	wrdreg $0xA8000  }
0xb8: {  	[dreg:$0x6] =	wrdreg $0x9  }
0xb9: {  	_ =	task.clear_ibuf [dreg:s8], $0x7FFFF;
	_ =	strace $0x90000049  }
0xba: {  	s29 =	simm.s32 $0x9;
	_ =	strace $0x8000004B  }
0xbb: {  	_ =	swait.ge [sflag:s29], $0x1  }
0xbc: {  	[sflag:s29] =	ssyncadd.s32 $0xFFFFFFFF  }
0xbd: {  	_ =	strace $0x9000004B  }
0xbe: {  	_ =	sfence  }
0xbf: {  	s30 =	sld [smem:$0x0];
	_ =	sdelay $0x2  }
0xc0: {  	s31 =	sshll.u32 s1, $0xD;
	s1 =	sshrl.u32 s1, $0x2  }
0xc1: {  	s3 =	sand.u32 $0x4000, s31;
	s1 =	sadd.s32 s1, s30  }
0xc2: {  	s0 =	sor.u32 s3, s0;
	s1 =	sshll.u32 s1, $0x11  }
0xc3: {  	s0 =	sor.u32 s1, s0  }
0xc4: {  	s0 =	sadd.s32 $0x8F2B, s0  }
0xc5: {  	[sflag:s0] =	ssyncadd.remote.s32 $0x1  }
0xc6: {  	_ =	sfence.sel $0xFFFF  }
0xc7: {  	[dreg:$0x0] =	wrdreg $0xFFFFFFFF;
	(pc) =	sbr.abs _section_cstart, $3  }
0xc8: {  	[dreg:$0x1] =	wrdreg $0xFFFFFFFF  }
0xc9: {  	_ =	task.clear_ibuf [dreg:s8], $0x2FFFF;
	_ =	strace $0x9FFFFFFF  }
0xca: {  	(tm) =	ssettm $0x7FFFFFFF  }
0xcb: {  	_ =	shalt  }
tec
execute0_lowered:
.L_overlay_start_1:
0x0: {  	(tag) =	ssettag $0x1  }
0x1: {  	s5 =	rddreg [dreg:$0x0]  }
0x2: {  	s6 =	rddreg [dreg:$0x1]  }
0x3: {  	s7 =	rddreg [dreg:$0x2]  }
0x4: {  	s1 =	rddreg [dreg:$0x3]  }
0x5: {  	s2 =	srdreg.scid;
	s0 =	rddreg [dreg:$0x4]  }
0x6: {  	s3 =	simm.s32 $0x0;
	s16 =	simm.s32 $0x6800;
	s8 =	sand.u32 $0x1, s2  }
0x7: {  	s17 =	simm.s32 $0x1;
	s2 =	stileid.u32;
	s9 =	smul.u32 $0x28000, s8  }
0x8: {  	s18 =	simm.s32 $0x2;
	s19 =	simm.s32 $0x2700;
	s10 =	smul.u32 $0x50000, s2  }
0x9: {  	s20 =	simm.s32 $0x2780;
	s11 =	ssub.s32 $0x2, s8;
	s8 =	smul.u32 $0xA000, s8  }
0xa: {  	[smem:$0x7FF] =	sst s3;
	s4 =	sadd.s32 $0x2400, s5;
	s14 =	smul.u32 $0xA00, s2  }
0xb: {  	_ =	strace $0x8000004A;
	s12 =	sshll.u32 s2, $0x6;
	s22 =	smul.u32 $0x2800, s2  }
0xc: {  	s30 =	sshrl.u32 s11, $0x1;
	s9 =	sadd.s32 s9, s5;
	s10 =	sshrl.u32 s10, $0x2  }
0xd: {  	s11 =	ssub.s32 s11, s30;
	s5 =	sor.u32 $0x1C03, s12;
	s13 =	sadd.s32 s6, s8  }
0xe: {  	s15 =	sadd.s32 s7, s8;
	s10 =	sadd.s32 s10, s1;
	s6 =	sadd.s32 $0x8EA00, s9  }
0xf: {  	s21 =	sadd.s32 $0x17EA00, s9;
	s7 =	smax.u32 s11, $0x1;
	s9 =	simm.s32 $0x3  }
0x10: {  	s11 =	sadd.s32 s14, s13;
	s12 =	sadd.s32 s14, s15;
	s13 =	simm.s32 $0x1400  }
0x11: {  	s14 =	simm.s32 $0x80;
	s15 =	simm.s32 $0x2800;
	s31 =	sadd.s32 $0xA000, s10  }
0x12: {  	s8 =	sshrl.u32 s10, $0x3;
	s21 =	sadd.s32 s22, s21;
	s10 =	sshrl.u32 s31, $0x3  }
.LBB2_1:
0x13: {  	[spmem:s8], [sflag:s5] =	dma.local [hbm:s4], $0x1400  }
0x14: {  	_ =	swait.ge [sflag:s9], $0x1400  }
0x15: {  	[sflag:s9] =	ssyncset.done $0x0  }
0x16: {  	[sflag:s9] =	ssyncadd.s32 $0xFFFFEC00  }
0x17: {  	[spmem:s10], [sflag:s5] =	dma.local [hbm:s4], $0x1400  }
0x18: {  	_ =	swait.ge [sflag:s9], $0x1400  }
0x19: {  	[sflag:s9] =	ssyncset.done $0x0  }
0x1a: {  	[sflag:s9] =	ssyncadd.s32 $0xFFFFEC00  }
0x1b: {  	s22 =	simm.s32 $0x0;
	[bflag:$0x0] =	sbarrier.arrive $0xFFFF  }
.LBB2_2:
0x1c: {  	s23 =	smul.u32 $0x280, s22;
	_ =	sdelay $0x1  }
0x1d: {  	s25 =	simm.s32 $0x0;
	s24 =	sadd.s32 s23, s11  }
0x1e: {  	[tilespmem:s25], [sflag:$0x3] =	stream.linear.gather [hbm4b:s24+s25], $0x1400, $0x38;
	[tilespmem:$0x1E800] =	vst v63  }
0x1f: {  	_ =	swait.ge [sflag:s9], $0x1400  }
0x20: {  	[sflag:s9] =	ssyncset.done $0x0  }
0x21: {  	s23 =	sadd.s32 s23, s12;
	[sflag:s9] =	ssyncadd.s32 $0xFFFFEC00  }
0x22: {  	[tilespmem:s13], [sflag:$0x3] =	stream.linear.gather [hbm4b:s23+s25], $0x1400, $0x38;
	[tilespmem:$0x1E800] =	vst v63  }
0x23: {  	_ =	swait.ge [sflag:s9], $0x1400  }
0x24: {  	[sflag:s9] =	ssyncset.done $0x0  }
0x25: {  	[sflag:s9] =	ssyncadd.s32 $0xFFFFEC00  }
0x26: {  	[tilespmem:s15], [sflag:$0x1] =	stream.indirect.gather [hbm4b:s6+s14], $0x80, s25, s14, $0xb8;
	[tilespmem:$0x1E800] =	vst v63  }
0x27: {  	_ = 	snop  }
0x28: {  	[tilespmem:s16], [sflag:$0x2] =	stream.indirect.gather [hbm4b:s6+s14], $0x80, s14, s14, $0xb8;
	[tilespmem:$0x1E800] =	vst v63  }
0x29: {  	_ =	swait.ge [sflag:s17], $0x4000  }
0x2a: {  	[sflag:s17] =	ssyncset.done $0x0  }
0x2b: {  	s29 =	simm.s32 $0x1400;
	[sflag:s17] =	ssyncadd.s32 $0xFFFFC000  }
0x2c: {  	[spmem:s1] =	stream.indirect.scatter.add.f32 [tilespmem:s15], [sflag:$0x3], $0x80, s29, s14, $0xb8;
	[tilespmem:$0x1E800] =	vst v63  }
0x2d: {  	_ =	swait.ge [sflag:s9], $0x4000  }
0x2e: {  	[sflag:s9] =	ssyncset.done $0x0  }
0x2f: {  	s30 =	simm.s32 $0x100;
	[sflag:s9] =	ssyncadd.s32 $0xFFFFC000  }
0x30: {  	[tilespmem:s15], [sflag:$0x1] =	stream.indirect.gather [hbm4b:s6+s14], $0x80, s30, s14, $0xb8;
	[tilespmem:$0x1E800] =	vst v63  }
0x31: {  	_ =	swait.ge [sflag:s18], $0x4000  }
0x32: {  	[sflag:s18] =	ssyncset.done $0x0  }
0x33: {  	s31 =	simm.s32 $0x1480;
	[sflag:s18] =	ssyncadd.s32 $0xFFFFC000  }
0x34: {  	[spmem:s1] =	stream.indirect.scatter.add.f32 [tilespmem:s16], [sflag:$0x3], $0x80, s31, s14, $0xb8;
	[tilespmem:$0x1E800] =	vst v63  }
0x35: {  	_ =	swait.ge [sflag:s9], $0x4000  }
0x36: {  	[sflag:s9] =	ssyncset.done $0x0  }
0x37: {  	s24 =	simm.s32 $0x180;
	s23 =	simm.s32 $0x400;
	[sflag:s9] =	ssyncadd.s32 $0xFFFFC000  }
.LBB2_3:
0x38: {  	[tilespmem:s16], [sflag:$0x2] =	stream.indirect.gather [hbm4b:s6+s14], $0x80, s24, s14, $0xb8;
	[tilespmem:$0x1E800] =	vst v63  }
0x39: {  	s24 =	smov.u32 s23  }
0x3a: {  	p0 =	sne.s32 s23, $0x4800;
	s23 =	sadd.s32 $0x400, s23;
	_ =	swait.ge [sflag:s17], $0x4000  }
0x3b: {  	s24 =	sshra.s32 s24, $0x2;
	[sflag:s17] =	ssyncset.done $0x0  }
0x3c: {  	s25 =	sadd.s32 $0x1400, s24;
	[sflag:s17] =	ssyncadd.s32 $0xFFFFC000  }
0x3d: {  	[spmem:s1] =	stream.indirect.scatter.add.f32 [tilespmem:s15], [sflag:$0x3], $0x80, s25, s14, $0xb8;
	[tilespmem:$0x1E800] =	vst v63  }
0x3e: {  	_ =	swait.ge [sflag:s9], $0x4000  }
0x3f: {  	[sflag:s9] =	ssyncset.done $0x0  }
0x40: {  	s25 =	sadd.s32 $0x100, s24;
	[sflag:s9] =	ssyncadd.s32 $0xFFFFC000  }
0x41: {  	[tilespmem:s15], [sflag:$0x1] =	stream.indirect.gather [hbm4b:s6+s14], $0x80, s25, s14, $0xb8;
	[tilespmem:$0x1E800] =	vst v63  }
0x42: {  	_ =	swait.ge [sflag:s18], $0x4000  }
0x43: {  	[sflag:s18] =	ssyncset.done $0x0  }
.Ltmp0:
0x44: {  	s25 =	sadd.s32 $0x1480, s24;
	[sflag:s18] =	ssyncadd.s32 $0xFFFFC000;
	(pc) =	sbr.rel @p0 .LBB2_3-.Ltmp0, $4  }
0x45: {  	[spmem:s1] =	stream.indirect.scatter.add.f32 [tilespmem:s16], [sflag:$0x3], $0x80, s25, s14, $0xb8;
	[tilespmem:$0x1E800] =	vst v63  }
0x46: {  	_ =	swait.ge [sflag:s9], $0x4000  }
0x47: {  	[sflag:s9] =	ssyncset.done $0x0  }
0x48: {  	s24 =	sadd.s32 $0x180, s24;
	[sflag:s9] =	ssyncadd.s32 $0xFFFFC000  }
0x49: {  	[tilespmem:s16], [sflag:$0x2] =	stream.indirect.gather [hbm4b:s6+s14], $0x80, s24, s14, $0xb8;
	[tilespmem:$0x1E800] =	vst v63  }
0x4a: {  	_ =	swait.ge [sflag:s17], $0x4000  }
0x4b: {  	[sflag:s17] =	ssyncset.done $0x0  }
0x4c: {  	[sflag:s17] =	ssyncadd.s32 $0xFFFFC000  }
0x4d: {  	[spmem:s1] =	stream.indirect.scatter.add.f32 [tilespmem:s15], [sflag:$0x3], $0x80, s19, s14, $0xb8;
	[tilespmem:$0x1E800] =	vst v63  }
0x4e: {  	_ =	swait.ge [sflag:s9], $0x4000  }
0x4f: {  	[sflag:s9] =	ssyncset.done $0x0  }
0x50: {  	[sflag:s9] =	ssyncadd.s32 $0xFFFFC000  }
0x51: {  	s22 =	sadd.s32 $0x1, s22;
	_ =	swait.ge [sflag:s18], $0x4000  }
0x52: {  	p0 =	sne.s32 s22, $0x4;
	[sflag:s18] =	ssyncset.done $0x0  }
.Ltmp1:
0x53: {  	[sflag:s18] =	ssyncadd.s32 $0xFFFFC000;
	(pc) =	sbr.rel @p0 .LBB2_2-.Ltmp1, $4  }
0x54: {  	[spmem:s1] =	stream.indirect.scatter.add.f32 [tilespmem:s16], [sflag:$0x3], $0x80, s20, s14, $0xb8;
	[tilespmem:$0x1E800] =	vst v63  }
0x55: {  	_ =	swait.ge [sflag:s9], $0x4000  }
0x56: {  	[sflag:s9] =	ssyncset.done $0x0  }
0x57: {  	[sflag:s9] =	ssyncadd.s32 $0xFFFFC000  }
0x58: {  	s3 =	sadd.s32 $0x1, s3  }
0x59: {  	p0 =	sne.s32 s3, s7  }
.Ltmp2:
0x5a: {  	[bflag:$0x0] =	sbarrier.arrive $0xFFFF;
	(pc) =	sbr.rel @p0 .LBB2_1-.Ltmp2, $4  }
0x5b: {  	[hbm:s21], [sflag:s5] =	dma.local [spmem:s8], $0x2800  }
0x5c: {  	_ =	swait.ge [sflag:s9], $0x2800  }
0x5d: {  	[sflag:s9] =	ssyncset.done $0x0  }
0x5e: {  	[sflag:s9] =	ssyncadd.s32 $0xFFFFD800  }
0x5f: {  	_ =	sfence.sel $0x180000  }
0x60: {  	[bflag:$0x0] =	sbarrier.arrive $0xFFFF  }
0x61: {  	p0 =	sne.s32 s2, $0x0;
	_ =	strace $0x9000004A  }
0x62: {  	s0 =	sadd.s32 @!p0 $0x100000, s0;
	[bflag:$0x2] =	sbarrier.arrive $0xFFFF  }
0x63: {  	[sflag:s0] =	ssyncadd.tile.s32 @!p0 $0x1;
	_ =	shalt  }
.Lfunc_end2:
_tile_overlayer_lowered:
.L_overlay_start_2:
0x64: {  	(tag) =	ssettag $0x2  }
0x65: {  	s0 =	rddreg [dreg:$0x0];
	s2 =	stileid.u32  }
0x66: {  	s1 =	rddreg [dreg:$0x1];
	p0 =	sne.s32 s2, $0x0  }
0x67: {  	s3 =	rddreg [dreg:$0x2];
	[bflag:$0x3] =	sbarrier.arrive $0xFFFF;
	s2 =	simm.s32 @!p0 $0x1C03  }
0x68: {  	[timem:s3], [sflag:s2] =	dma.local @!p0 [hbm:s0], s1  }
0x69: {  	s0 =	simm.s32 @!p0 $0x3  }
0x6a: {  	_ =	swait.ge @!p0 [sflag:s0], s1  }
0x6b: {  	s1 =	ssub.s32 @!p0 $0x0, s1;
	[sflag:s0] =	ssyncset.done @!p0 $0x0  }
0x6c: {  	[sflag:s0] =	ssyncadd.s32 @!p0 s1  }
0x6d: {  	[bflag:$0x3] =	sbarrier.arrive $0xFFFF  }
0x6e: {  	_ =	shalt  }

// kernel: kernel.15.cloned.1.call-start
scs
__scs_entry_jumppad:
0x0: {  	(pc) =	sbr.rel $0x88, $3  }
0x1: {  	(tag) =	ssettag $0x0;
	lr =	simm.s32 $0x1  }
0x2: {  	[smem:$0x3F9B] =	sst lr;
	_ =	strace $0xD0000000  }
0x3: {  	_ = 	snop  }
0x4: {  	_ = 	snop  }
0x5: {  	_ = 	snop  }
0x6: {  	_ = 	snop  }
0x7: {  	_ = 	snop  }
__scs_overlays_trampoline_lowered:
0x8: {  	[smem:$0x3FAA] =	sst s0  }
0x9: {  	[smem:$0x3FAB] =	sst s1  }
0xa: {  	[smem:$0x3FAC] =	sst s2  }
0xb: {  	[smem:$0x3FAD] =	sst s3  }
0xc: {  	[smem:$0x3FAE] =	sst s4  }
0xd: {  	[smem:$0x3FAF] =	sst s5  }
0xe: {  	[smem:$0x3FB0] =	sst s6  }
0xf: {  	[smem:$0x3FB1] =	sst s7  }
0x10: {  	[smem:$0x3FB2] =	sst s8  }
0x11: {  	[smem:$0x3FB3] =	sst s9;
	s0 =	simm.s32 @!p0 $0x0  }
0x12: {  	s1 =	sld [smem:$0x3F99];
	s0 =	simm.s32 @p0 $0x1  }
0x13: {  	[smem:$0x3FB4] =	sst s0;
	s0 =	simm.s32 @!p1 $0x0  }
0x14: {  	s2 =	sld [smem:$0x3F98];
	s0 =	simm.s32 @p1 $0x1  }
0x15: {  	[smem:$0x3FB5] =	sst s0;
	s0 =	simm.s32 @!p2 $0x0  }
0x16: {  	s3 =	sld [smem:$0x3FDB];
	s0 =	simm.s32 @p2 $0x1  }
0x17: {  	s4 =	simm.s32 $0x1BF5;
	[smem:$0x3FB7] =	sst s0  }
0x18: {  	s0 =	sld [smem:$0x3F9A];
	_ =	swait.ge [sflag:s4], $0x0  }
0x19: {  	s7 =	sld [smem:$0x3F9B]  }
0x1a: {  	s8 =	sadd.s32 $0xFFFFE003, lr  }
0x1b: {  	s9 =	sadd.s32 $0xFFFFFEF7, lr;
	s5 =	simm.s32 $0xFFFFFFFF;
	p2 =	slt.u32 s8, $0xFFFFF086  }
0x1c: {  	p1 =	slt.u32 s9, $0xF7A;
	s5 =	simm.s32 @!p2 $0x0  }
0x1d: {  	s5 =	simm.s32 @p1 $0x1;
	p0 =	seq.s32 s7, s2  }
0x1e: {  	s7 =	smul.u32 @!p0 $0xF7A, s2;
	p2 =	seq.s32 @!p0 s5, $0x0  }
0x1f: {  	s9 =	smul.u32 $0xF7A, s1;
	s8 =	simm.s32 @!p0 $0x1BF5;
	p2 =	por !p2, p0  }
0x20: {  	[sflag:s8] =	ssyncset.s32 @!p0 $0xFFFFF086;
	s6 =	sadd.s32 @!p0 s3, s7;
	s7 =	simm.s32 @!p0 $0x108  }
0x21: {  	s3 =	sadd.s32 s3, s9;
	s6 =	sadd.s32 @!p0 $0x88, s6;
	s7 =	simm.s32 @p2 $0x1082  }
0x22: {  	[simem:s7], [sflag:s8] =	dma.local @!p0 [hbm:s6], $0xF7A  }
0x23: {  	s9 =	sor.u32 $0xD0000000, s2;
	s6 =	simm.s32 $0x108;
	_ =	swait.ge @!p0 [sflag:s8], $0x0  }
0x24: {  	s3 =	sadd.s32 $0x88, s3;
	s6 =	simm.s32 @!p1 $0x1082;
	[sflag:s4] =	ssyncset.s32 $0xFFFFF086  }
0x25: {  	[simem:s6], [sflag:s4] =	dma.local [hbm:s3], $0xF7A  }
0x26: {  	[smem:$0x3F9B] =	sst s1;
	(tag) =	ssettag s2;
	_ =	strace s9  }
0x27: {  	s1 =	sld [smem:$0x3FAB]  }
0x28: {  	s2 =	sld [smem:$0x3FAC]  }
0x29: {  	s4 =	sld [smem:$0x3FAE]  }
0x2a: {  	p0 =	seq.s32 s5, $0x0;
	s5 =	sld [smem:$0x3FAF]  }
0x2b: {  	s6 =	sld [smem:$0x3FB0]  }
0x2c: {  	s7 =	sld [smem:$0x3FB1]  }
0x2d: {  	s3 =	simm.s32 $0x108;
	s8 =	sld [smem:$0x3FB2]  }
0x2e: {  	s3 =	simm.s32 @!p0 $0x1082;
	s9 =	sld [smem:$0x3FB3]  }
0x2f: {  	lr =	sadd.s32 s0, s3;
	s0 =	sld [smem:$0x3FAA]  }
0x30: {  	s3 =	sld [smem:$0x3FAD]  }
0x31: {  	[smem:$0x3FB6] =	sst s10  }
0x32: {  	s10 =	sld [smem:$0x3FB4];
	_ =	sdelay $0x3  }
0x33: {  	p0 =	seq.s32 s10, $0x1;
	s10 =	sld [smem:$0x3FB6];
	_ =	sdelay $0x3  }
0x34: {  	[smem:$0x3FB6] =	sst s10  }
0x35: {  	s10 =	sld [smem:$0x3FB5];
	_ =	sdelay $0x3  }
0x36: {  	p1 =	seq.s32 s10, $0x1;
	s10 =	sld [smem:$0x3FB6];
	_ =	sdelay $0x3  }
0x37: {  	[smem:$0x3FB6] =	sst s10  }
0x38: {  	s10 =	sld [smem:$0x3FB7]  }
0x39: {  	_ = 	snop;
	(pc) =	sbr.ind lr, $3  }
0x3a: {  	_ = 	snop  }
0x3b: {  	_ = 	snop  }
0x3c: {  	p2 =	seq.s32 s10, $0x1;
	s10 =	sld [smem:$0x3FB6]  }
0x3d: {  	_ =	shalt  }
0x3e: {  	_ =	shalt  }
0x3f: {  	_ =	shalt  }
0x40: {  	_ =	shalt  }
0x41: {  	_ =	shalt  }
0x42: {  	_ =	shalt  }
0x43: {  	_ =	shalt  }
0x44: {  	_ =	shalt  }
0x45: {  	_ =	shalt  }
0x46: {  	_ =	shalt  }
0x47: {  	_ =	shalt  }
0x48: {  	_ =	shalt  }
0x49: {  	_ =	shalt  }
0x4a: {  	_ =	shalt  }
0x4b: {  	_ =	shalt  }
0x4c: {  	_ =	shalt  }
0x4d: {  	_ =	shalt  }
0x4e: {  	_ =	shalt  }
0x4f: {  	_ =	shalt  }
0x50: {  	_ =	shalt  }
0x51: {  	_ =	shalt  }
0x52: {  	_ =	shalt  }
0x53: {  	_ =	shalt  }
0x54: {  	_ =	shalt  }
0x55: {  	_ =	shalt  }
0x56: {  	_ =	shalt  }
0x57: {  	_ =	shalt  }
0x58: {  	_ =	shalt  }
0x59: {  	_ =	shalt  }
0x5a: {  	_ =	shalt  }
0x5b: {  	_ =	shalt  }
0x5c: {  	_ =	shalt  }
0x5d: {  	_ =	shalt  }
0x5e: {  	_ =	shalt  }
0x5f: {  	_ =	shalt  }
0x60: {  	_ =	shalt  }
0x61: {  	_ =	shalt  }
0x62: {  	_ =	shalt  }
0x63: {  	_ =	shalt  }
0x64: {  	_ =	shalt  }
0x65: {  	_ =	shalt  }
0x66: {  	_ =	shalt  }
0x67: {  	_ =	shalt  }
0x68: {  	_ =	shalt  }
0x69: {  	_ =	shalt  }
0x6a: {  	_ =	shalt  }
0x6b: {  	_ =	shalt  }
0x6c: {  	_ =	shalt  }
0x6d: {  	_ =	shalt  }
0x6e: {  	_ =	shalt  }
0x6f: {  	_ =	shalt  }
0x70: {  	_ =	shalt  }
0x71: {  	_ =	shalt  }
0x72: {  	_ =	shalt  }
0x73: {  	_ =	shalt  }
0x74: {  	_ =	shalt  }
0x75: {  	_ =	shalt  }
0x76: {  	_ =	shalt  }
0x77: {  	_ =	shalt  }
0x78: {  	_ =	shalt  }
0x79: {  	_ =	shalt  }
0x7a: {  	_ =	shalt  }
0x7b: {  	_ =	shalt  }
0x7c: {  	_ =	shalt  }
0x7d: {  	_ =	shalt  }
0x7e: {  	_ =	shalt  }
0x7f: {  	_ =	shalt  }
0x80: {  	_ =	shalt  }
0x81: {  	_ =	shalt  }
0x82: {  	_ =	shalt  }
0x83: {  	_ =	shalt  }
0x84: {  	_ =	shalt  }
0x85: {  	_ =	shalt  }
0x86: {  	_ =	shalt  }
0x87: {  	_ =	shalt  }
.Lfunc_end0:
.L_simem_size_0:
called_computation.2_lowered:
.L_overlay_start_0:
0x88: {  	s2 =	sld [smem:$0x3FD9]  }
0x89: {  	s3 =	sld [smem:$0x3FFE];
	_ =	sdelay $0x1  }
0x8a: {  	s1 =	srdreg.scid  }
0x8b: {  	s0 =	sand.u32 $0x1, s1  }
0x8c: {  	s14 =	sshll.u32 s0, $0xA;
	s2 =	sadd.s32 s3, s2  }
0x8d: {  	s2 =	sadd.s32 s2, s14  }
0x8e: {  	[smem:$0x3FC2] =	sst s2  }
0x8f: {  	_ = 	snop  }
0x90: {  	s2 =	sld [smem:$0x3FD0];
	_ =	sdelay $0x2  }
0x91: {  	s15 =	simm.s32 $0xA;
	s4 =	simm.s32 $0x10  }
0x92: {  	[smem:s4], [sflag:s15] =	dma.local [hbm:s2], $0x1  }
0x93: {  	_ =	swait.eq [sflag:s15], $0x1  }
0x94: {  	[sflag:s15] =	ssyncset.done $0x0  }
0x95: {  	s16 =	sld [smem:$0x10];
	[sflag:s15] =	ssyncadd.s32 $0xFFFFFFFF  }
0x96: {  	s17 =	sld [smem:$0x11];
	(tm) =	ssettm $0x1  }
0x97: {  	s18 =	sld [smem:$0x3FFB];
	_ =	sdelay $0x3  }
0x98: {  	_ =	strace s18  }
0x99: {  	s4 =	sld [smem:$0x3FFC];
	_ =	sdelay $0x3  }
0x9a: {  	_ =	strace s4  }
0x9b: {  	s4 =	sld [smem:$0x3FFD];
	_ =	sdelay $0x3  }
0x9c: {  	_ =	strace s4  }
0x9d: {  	_ =	strace $0x8FFFFFFF  }
0x9e: {  	s19 =	sld [smem:$0x3FDB];
	_ =	sdelay $0x1  }
0x9f: {  	s5 =	simm.s32 $_scs_section_size  }
0xa0: {  	s6 =	simm.s32 $_size__tile_overlayer_lowered;
	s7 =	simm.s32 $_tile_overlayer_lowered  }
0xa1: {  	s22 =	simm.s32 $0x1BFF;
	s21 =	sshll.u32 s7, $0x1;
	s4 =	sadd.s32 s5, s19  }
0xa2: {  	s8 =	simm.s32 $0x0;
	s20 =	sshll.u32 s6, $0x1;
	s6 =	sadd.s32 s21, s4  }
0xa3: {  	[timem:s8], [sflag:s22] =	dma.local [hbm:s6], s20  }
0xa4: {  	_ =	swait.ge [sflag:s22], s20  }
0xa5: {  	s5 =	ssub.s32 $0x0, s20;
	[sflag:s22] =	ssyncset.done $0x0  }
0xa6: {  	[sflag:s22] =	ssyncadd.s32 s5;
	_ =	sdelay $0x1  }
0xa7: {  	s23 =	simm.s32 $0x1B8B  }
0xa8: {  	_ =	swait.ge [sflag:s23], $0x1  }
0xa9: {  	[sflag:s23] =	ssyncset.done $0x0  }
0xaa: {  	s25 =	simm.s32 $0x1B8E;
	s24 =	sld [smem:$0x3FFE];
	[sflag:s23] =	ssyncadd.s32 $0xFFFFFFFF  }
0xab: {  	s26 =	simm.s32 $execute0_lowered;
	[smem:$0x3FD2] =	sst s25  }
0xac: {  	s6 =	sshll.u32 s26, $0x1;
	_ =	strace $0x8000004C;
	[dreg:$0x1] =	wrdreg $0xFFFFFFFF  }
0xad: {  	s28 =	simm.s32 $_size_execute0_lowered;
	s4 =	sadd.s32 s4, s6;
	[dreg:$0x0] =	wrdreg $0x0  }
0xae: {  	s6 =	sshll.u32 s28, $0x1;
	[dreg:$0x2] =	wrdreg s4  }
0xaf: {  	[dreg:$0x3] =	wrdreg s6  }
0xb0: {  	[dreg:$0x4] =	wrdreg $0xC0  }
0xb1: {  	_ =	task [dreg:s8], $0x5FFFF  }
0xb2: {  	[dreg:$0x1] =	wrdreg $0xFFFFFFFF  }
0xb3: {  	[dreg:$0x0] =	wrdreg $0x60  }
0xb4: {  	[dreg:$0x2] =	wrdreg s24  }
0xb5: {  	[dreg:$0x3] =	wrdreg s16  }
0xb6: {  	[dreg:$0x4] =	wrdreg s17  }
0xb7: {  	[dreg:$0x5] =	wrdreg $0xA8000  }
0xb8: {  	[dreg:$0x6] =	wrdreg $0x9  }
0xb9: {  	_ =	task.clear_ibuf [dreg:s8], $0x7FFFF;
	_ =	strace $0x9000004C  }
0xba: {  	s29 =	simm.s32 $0x9;
	_ =	strace $0x8000004E  }
0xbb: {  	_ =	swait.ge [sflag:s29], $0x1  }
0xbc: {  	[sflag:s29] =	ssyncadd.s32 $0xFFFFFFFF  }
0xbd: {  	_ =	strace $0x9000004E  }
0xbe: {  	_ =	sfence  }
0xbf: {  	s30 =	sld [smem:$0x0];
	_ =	sdelay $0x2  }
0xc0: {  	s31 =	sshll.u32 s1, $0xD;
	s1 =	sshrl.u32 s1, $0x2  }
0xc1: {  	s3 =	sand.u32 $0x4000, s31;
	s1 =	sadd.s32 s1, s30  }
0xc2: {  	s0 =	sor.u32 s3, s0;
	s1 =	sshll.u32 s1, $0x11  }
0xc3: {  	s0 =	sor.u32 s1, s0  }
0xc4: {  	s0 =	sadd.s32 $0x8F2B, s0  }
0xc5: {  	[sflag:s0] =	ssyncadd.remote.s32 $0x1  }
0xc6: {  	_ =	sfence.sel $0xFFFF  }
0xc7: {  	[dreg:$0x0] =	wrdreg $0xFFFFFFFF;
	(pc) =	sbr.abs _section_cstart, $3  }
0xc8: {  	[dreg:$0x1] =	wrdreg $0xFFFFFFFF  }
0xc9: {  	_ =	task.clear_ibuf [dreg:s8], $0x2FFFF;
	_ =	strace $0x9FFFFFFF  }
0xca: {  	(tm) =	ssettm $0x7FFFFFFF  }
0xcb: {  	_ =	shalt  }
tec
execute0_lowered:
.L_overlay_start_1:
0x0: {  	(tag) =	ssettag $0x1  }
0x1: {  	s5 =	rddreg [dreg:$0x0]  }
0x2: {  	s6 =	rddreg [dreg:$0x1]  }
0x3: {  	s7 =	rddreg [dreg:$0x2]  }
0x4: {  	s1 =	rddreg [dreg:$0x3]  }
0x5: {  	s2 =	srdreg.scid;
	s0 =	rddreg [dreg:$0x4]  }
0x6: {  	s3 =	simm.s32 $0x0;
	s16 =	simm.s32 $0x6800;
	s8 =	sand.u32 $0x1, s2  }
0x7: {  	s17 =	simm.s32 $0x1;
	s2 =	stileid.u32;
	s9 =	smul.u32 $0x28000, s8  }
0x8: {  	s18 =	simm.s32 $0x2;
	s19 =	simm.s32 $0x2700;
	s10 =	smul.u32 $0x50000, s2  }
0x9: {  	s20 =	simm.s32 $0x2780;
	s11 =	ssub.s32 $0x2, s8;
	s8 =	smul.u32 $0xA000, s8  }
0xa: {  	[smem:$0x7FF] =	sst s3;
	s4 =	sadd.s32 $0x2400, s5;
	s14 =	smul.u32 $0xA00, s2  }
0xb: {  	_ =	strace $0x8000004D;
	s12 =	sshll.u32 s2, $0x6;
	s22 =	smul.u32 $0x2800, s2  }
0xc: {  	s30 =	sshrl.u32 s11, $0x1;
	s9 =	sadd.s32 s9, s5;
	s10 =	sshrl.u32 s10, $0x2  }
0xd: {  	s11 =	ssub.s32 s11, s30;
	s5 =	sor.u32 $0x1C03, s12;
	s13 =	sadd.s32 s6, s8  }
0xe: {  	s15 =	sadd.s32 s7, s8;
	s10 =	sadd.s32 s10, s1;
	s6 =	sadd.s32 $0x8EA00, s9  }
0xf: {  	s21 =	sadd.s32 $0x12EA00, s9;
	s7 =	smax.u32 s11, $0x1;
	s9 =	simm.s32 $0x3  }
0x10: {  	s11 =	sadd.s32 s14, s13;
	s12 =	sadd.s32 s14, s15;
	s13 =	simm.s32 $0x1400  }
0x11: {  	s14 =	simm.s32 $0x80;
	s15 =	simm.s32 $0x2800;
	s31 =	sadd.s32 $0xA000, s10  }
0x12: {  	s8 =	sshrl.u32 s10, $0x3;
	s21 =	sadd.s32 s22, s21;
	s10 =	sshrl.u32 s31, $0x3  }
.LBB2_1:
0x13: {  	[spmem:s8], [sflag:s5] =	dma.local [hbm:s4], $0x1400  }
0x14: {  	_ =	swait.ge [sflag:s9], $0x1400  }
0x15: {  	[sflag:s9] =	ssyncset.done $0x0  }
0x16: {  	[sflag:s9] =	ssyncadd.s32 $0xFFFFEC00  }
0x17: {  	[spmem:s10], [sflag:s5] =	dma.local [hbm:s4], $0x1400  }
0x18: {  	_ =	swait.ge [sflag:s9], $0x1400  }
0x19: {  	[sflag:s9] =	ssyncset.done $0x0  }
0x1a: {  	[sflag:s9] =	ssyncadd.s32 $0xFFFFEC00  }
0x1b: {  	s22 =	simm.s32 $0x0;
	[bflag:$0x0] =	sbarrier.arrive $0xFFFF  }
.LBB2_2:
0x1c: {  	s23 =	smul.u32 $0x280, s22;
	_ =	sdelay $0x1  }
0x1d: {  	s25 =	simm.s32 $0x0;
	s24 =	sadd.s32 s23, s11  }
0x1e: {  	[tilespmem:s25], [sflag:$0x3] =	stream.linear.gather [hbm4b:s24+s25], $0x1400, $0x38;
	[tilespmem:$0x1E800] =	vst v63  }
0x1f: {  	_ =	swait.ge [sflag:s9], $0x1400  }
0x20: {  	[sflag:s9] =	ssyncset.done $0x0  }
0x21: {  	s23 =	sadd.s32 s23, s12;
	[sflag:s9] =	ssyncadd.s32 $0xFFFFEC00  }
0x22: {  	[tilespmem:s13], [sflag:$0x3] =	stream.linear.gather [hbm4b:s23+s25], $0x1400, $0x38;
	[tilespmem:$0x1E800] =	vst v63  }
0x23: {  	_ =	swait.ge [sflag:s9], $0x1400  }
0x24: {  	[sflag:s9] =	ssyncset.done $0x0  }
0x25: {  	[sflag:s9] =	ssyncadd.s32 $0xFFFFEC00  }
0x26: {  	[tilespmem:s15], [sflag:$0x1] =	stream.indirect.gather [hbm4b:s6+s14], $0x80, s25, s14, $0xb8;
	[tilespmem:$0x1E800] =	vst v63  }
0x27: {  	_ = 	snop  }
0x28: {  	[tilespmem:s16], [sflag:$0x2] =	stream.indirect.gather [hbm4b:s6+s14], $0x80, s14, s14, $0xb8;
	[tilespmem:$0x1E800] =	vst v63  }
0x29: {  	_ =	swait.ge [sflag:s17], $0x4000  }
0x2a: {  	[sflag:s17] =	ssyncset.done $0x0  }
0x2b: {  	s29 =	simm.s32 $0x1400;
	[sflag:s17] =	ssyncadd.s32 $0xFFFFC000  }
0x2c: {  	[spmem:s1] =	stream.indirect.scatter.add.f32 [tilespmem:s15], [sflag:$0x3], $0x80, s29, s14, $0xb8;
	[tilespmem:$0x1E800] =	vst v63  }
0x2d: {  	_ =	swait.ge [sflag:s9], $0x4000  }
0x2e: {  	[sflag:s9] =	ssyncset.done $0x0  }
0x2f: {  	s30 =	simm.s32 $0x100;
	[sflag:s9] =	ssyncadd.s32 $0xFFFFC000  }
0x30: {  	[tilespmem:s15], [sflag:$0x1] =	stream.indirect.gather [hbm4b:s6+s14], $0x80, s30, s14, $0xb8;
	[tilespmem:$0x1E800] =	vst v63  }
0x31: {  	_ =	swait.ge [sflag:s18], $0x4000  }
0x32: {  	[sflag:s18] =	ssyncset.done $0x0  }
0x33: {  	s31 =	simm.s32 $0x1480;
	[sflag:s18] =	ssyncadd.s32 $0xFFFFC000  }
0x34: {  	[spmem:s1] =	stream.indirect.scatter.add.f32 [tilespmem:s16], [sflag:$0x3], $0x80, s31, s14, $0xb8;
	[tilespmem:$0x1E800] =	vst v63  }
0x35: {  	_ =	swait.ge [sflag:s9], $0x4000  }
0x36: {  	[sflag:s9] =	ssyncset.done $0x0  }
0x37: {  	s24 =	simm.s32 $0x180;
	s23 =	simm.s32 $0x400;
	[sflag:s9] =	ssyncadd.s32 $0xFFFFC000  }
.LBB2_3:
0x38: {  	[tilespmem:s16], [sflag:$0x2] =	stream.indirect.gather [hbm4b:s6+s14], $0x80, s24, s14, $0xb8;
	[tilespmem:$0x1E800] =	vst v63  }
0x39: {  	s24 =	smov.u32 s23  }
0x3a: {  	p0 =	sne.s32 s23, $0x4800;
	s23 =	sadd.s32 $0x400, s23;
	_ =	swait.ge [sflag:s17], $0x4000  }
0x3b: {  	s24 =	sshra.s32 s24, $0x2;
	[sflag:s17] =	ssyncset.done $0x0  }
0x3c: {  	s25 =	sadd.s32 $0x1400, s24;
	[sflag:s17] =	ssyncadd.s32 $0xFFFFC000  }
0x3d: {  	[spmem:s1] =	stream.indirect.scatter.add.f32 [tilespmem:s15], [sflag:$0x3], $0x80, s25, s14, $0xb8;
	[tilespmem:$0x1E800] =	vst v63  }
0x3e: {  	_ =	swait.ge [sflag:s9], $0x4000  }
0x3f: {  	[sflag:s9] =	ssyncset.done $0x0  }
0x40: {  	s25 =	sadd.s32 $0x100, s24;
	[sflag:s9] =	ssyncadd.s32 $0xFFFFC000  }
0x41: {  	[tilespmem:s15], [sflag:$0x1] =	stream.indirect.gather [hbm4b:s6+s14], $0x80, s25, s14, $0xb8;
	[tilespmem:$0x1E800] =	vst v63  }
0x42: {  	_ =	swait.ge [sflag:s18], $0x4000  }
0x43: {  	[sflag:s18] =	ssyncset.done $0x0  }
.Ltmp0:
0x44: {  	s25 =	sadd.s32 $0x1480, s24;
	[sflag:s18] =	ssyncadd.s32 $0xFFFFC000;
	(pc) =	sbr.rel @p0 .LBB2_3-.Ltmp0, $4  }
0x45: {  	[spmem:s1] =	stream.indirect.scatter.add.f32 [tilespmem:s16], [sflag:$0x3], $0x80, s25, s14, $0xb8;
	[tilespmem:$0x1E800] =	vst v63  }
0x46: {  	_ =	swait.ge [sflag:s9], $0x4000  }
0x47: {  	[sflag:s9] =	ssyncset.done $0x0  }
0x48: {  	s24 =	sadd.s32 $0x180, s24;
	[sflag:s9] =	ssyncadd.s32 $0xFFFFC000  }
0x49: {  	[tilespmem:s16], [sflag:$0x2] =	stream.indirect.gather [hbm4b:s6+s14], $0x80, s24, s14, $0xb8;
	[tilespmem:$0x1E800] =	vst v63  }
0x4a: {  	_ =	swait.ge [sflag:s17], $0x4000  }
0x4b: {  	[sflag:s17] =	ssyncset.done $0x0  }
0x4c: {  	[sflag:s17] =	ssyncadd.s32 $0xFFFFC000  }
0x4d: {  	[spmem:s1] =	stream.indirect.scatter.add.f32 [tilespmem:s15], [sflag:$0x3], $0x80, s19, s14, $0xb8;
	[tilespmem:$0x1E800] =	vst v63  }
0x4e: {  	_ =	swait.ge [sflag:s9], $0x4000  }
0x4f: {  	[sflag:s9] =	ssyncset.done $0x0  }
0x50: {  	[sflag:s9] =	ssyncadd.s32 $0xFFFFC000  }
0x51: {  	s22 =	sadd.s32 $0x1, s22;
	_ =	swait.ge [sflag:s18], $0x4000  }
0x52: {  	p0 =	sne.s32 s22, $0x4;
	[sflag:s18] =	ssyncset.done $0x0  }
.Ltmp1:
0x53: {  	[sflag:s18] =	ssyncadd.s32 $0xFFFFC000;
	(pc) =	sbr.rel @p0 .LBB2_2-.Ltmp1, $4  }
0x54: {  	[spmem:s1] =	stream.indirect.scatter.add.f32 [tilespmem:s16], [sflag:$0x3], $0x80, s20, s14, $0xb8;
	[tilespmem:$0x1E800] =	vst v63  }
0x55: {  	_ =	swait.ge [sflag:s9], $0x4000  }
0x56: {  	[sflag:s9] =	ssyncset.done $0x0  }
0x57: {  	[sflag:s9] =	ssyncadd.s32 $0xFFFFC000  }
0x58: {  	s3 =	sadd.s32 $0x1, s3  }
0x59: {  	p0 =	sne.s32 s3, s7  }
.Ltmp2:
0x5a: {  	[bflag:$0x0] =	sbarrier.arrive $0xFFFF;
	(pc) =	sbr.rel @p0 .LBB2_1-.Ltmp2, $4  }
0x5b: {  	[hbm:s21], [sflag:s5] =	dma.local [spmem:s8], $0x2800  }
0x5c: {  	_ =	swait.ge [sflag:s9], $0x2800  }
0x5d: {  	[sflag:s9] =	ssyncset.done $0x0  }
0x5e: {  	[sflag:s9] =	ssyncadd.s32 $0xFFFFD800  }
0x5f: {  	_ =	sfence.sel $0x180000  }
0x60: {  	[bflag:$0x0] =	sbarrier.arrive $0xFFFF  }
0x61: {  	p0 =	sne.s32 s2, $0x0;
	_ =	strace $0x9000004D  }
0x62: {  	s0 =	sadd.s32 @!p0 $0x100000, s0;
	[bflag:$0x2] =	sbarrier.arrive $0xFFFF  }
0x63: {  	[sflag:s0] =	ssyncadd.tile.s32 @!p0 $0x1;
	_ =	shalt  }
.Lfunc_end2:
_tile_overlayer_lowered:
.L_overlay_start_2:
0x64: {  	(tag) =	ssettag $0x2  }
0x65: {  	s0 =	rddreg [dreg:$0x0];
	s2 =	stileid.u32  }
0x66: {  	s1 =	rddreg [dreg:$0x1];
	p0 =	sne.s32 s2, $0x0  }
0x67: {  	s3 =	rddreg [dreg:$0x2];
	[bflag:$0x3] =	sbarrier.arrive $0xFFFF;
	s2 =	simm.s32 @!p0 $0x1C03  }
0x68: {  	[timem:s3], [sflag:s2] =	dma.local @!p0 [hbm:s0], s1  }
0x69: {  	s0 =	simm.s32 @!p0 $0x3  }
0x6a: {  	_ =	swait.ge @!p0 [sflag:s0], s1  }
0x6b: {  	s1 =	ssub.s32 @!p0 $0x0, s1;
	[sflag:s0] =	ssyncset.done @!p0 $0x0  }
0x6c: {  	[sflag:s0] =	ssyncadd.s32 @!p0 s1  }
0x6d: {  	[bflag:$0x3] =	sbarrier.arrive $0xFFFF  }
0x6e: {  	_ =	shalt  }

// kernel: kernel.9.cloned.1.call-start
scs
__scs_entry_jumppad:
0x0: {  	(pc) =	sbr.rel $0x88, $3  }
0x1: {  	(tag) =	ssettag $0x0;
	lr =	simm.s32 $0x1  }
0x2: {  	[smem:$0x3F9B] =	sst lr;
	_ =	strace $0xD0000000  }
0x3: {  	_ = 	snop  }
0x4: {  	_ = 	snop  }
0x5: {  	_ = 	snop  }
0x6: {  	_ = 	snop  }
0x7: {  	_ = 	snop  }
__scs_overlays_trampoline_lowered:
0x8: {  	[smem:$0x3FAA] =	sst s0  }
0x9: {  	[smem:$0x3FAB] =	sst s1  }
0xa: {  	[smem:$0x3FAC] =	sst s2  }
0xb: {  	[smem:$0x3FAD] =	sst s3  }
0xc: {  	[smem:$0x3FAE] =	sst s4  }
0xd: {  	[smem:$0x3FAF] =	sst s5  }
0xe: {  	[smem:$0x3FB0] =	sst s6  }
0xf: {  	[smem:$0x3FB1] =	sst s7  }
0x10: {  	[smem:$0x3FB2] =	sst s8  }
0x11: {  	[smem:$0x3FB3] =	sst s9;
	s0 =	simm.s32 @!p0 $0x0  }
0x12: {  	s1 =	sld [smem:$0x3F99];
	s0 =	simm.s32 @p0 $0x1  }
0x13: {  	[smem:$0x3FB4] =	sst s0;
	s0 =	simm.s32 @!p1 $0x0  }
0x14: {  	s2 =	sld [smem:$0x3F98];
	s0 =	simm.s32 @p1 $0x1  }
0x15: {  	[smem:$0x3FB5] =	sst s0;
	s0 =	simm.s32 @!p2 $0x0  }
0x16: {  	s3 =	sld [smem:$0x3FDB];
	s0 =	simm.s32 @p2 $0x1  }
0x17: {  	s4 =	simm.s32 $0x1BF5;
	[smem:$0x3FB7] =	sst s0  }
0x18: {  	s0 =	sld [smem:$0x3F9A];
	_ =	swait.ge [sflag:s4], $0x0  }
0x19: {  	s7 =	sld [smem:$0x3F9B]  }
0x1a: {  	s8 =	sadd.s32 $0xFFFFE003, lr  }
0x1b: {  	s9 =	sadd.s32 $0xFFFFFEF7, lr;
	s5 =	simm.s32 $0xFFFFFFFF;
	p2 =	slt.u32 s8, $0xFFFFF086  }
0x1c: {  	p1 =	slt.u32 s9, $0xF7A;
	s5 =	simm.s32 @!p2 $0x0  }
0x1d: {  	s5 =	simm.s32 @p1 $0x1;
	p0 =	seq.s32 s7, s2  }
0x1e: {  	s7 =	smul.u32 @!p0 $0xF7A, s2;
	p2 =	seq.s32 @!p0 s5, $0x0  }
0x1f: {  	s9 =	smul.u32 $0xF7A, s1;
	s8 =	simm.s32 @!p0 $0x1BF5;
	p2 =	por !p2, p0  }
0x20: {  	[sflag:s8] =	ssyncset.s32 @!p0 $0xFFFFF086;
	s6 =	sadd.s32 @!p0 s3, s7;
	s7 =	simm.s32 @!p0 $0x108  }
0x21: {  	s3 =	sadd.s32 s3, s9;
	s6 =	sadd.s32 @!p0 $0x88, s6;
	s7 =	simm.s32 @p2 $0x1082  }
0x22: {  	[simem:s7], [sflag:s8] =	dma.local @!p0 [hbm:s6], $0xF7A  }
0x23: {  	s9 =	sor.u32 $0xD0000000, s2;
	s6 =	simm.s32 $0x108;
	_ =	swait.ge @!p0 [sflag:s8], $0x0  }
0x24: {  	s3 =	sadd.s32 $0x88, s3;
	s6 =	simm.s32 @!p1 $0x1082;
	[sflag:s4] =	ssyncset.s32 $0xFFFFF086  }
0x25: {  	[simem:s6], [sflag:s4] =	dma.local [hbm:s3], $0xF7A  }
0x26: {  	[smem:$0x3F9B] =	sst s1;
	(tag) =	ssettag s2;
	_ =	strace s9  }
0x27: {  	s1 =	sld [smem:$0x3FAB]  }
0x28: {  	s2 =	sld [smem:$0x3FAC]  }
0x29: {  	s4 =	sld [smem:$0x3FAE]  }
0x2a: {  	p0 =	seq.s32 s5, $0x0;
	s5 =	sld [smem:$0x3FAF]  }
0x2b: {  	s6 =	sld [smem:$0x3FB0]  }
0x2c: {  	s7 =	sld [smem:$0x3FB1]  }
0x2d: {  	s3 =	simm.s32 $0x108;
	s8 =	sld [smem:$0x3FB2]  }
0x2e: {  	s3 =	simm.s32 @!p0 $0x1082;
	s9 =	sld [smem:$0x3FB3]  }
0x2f: {  	lr =	sadd.s32 s0, s3;
	s0 =	sld [smem:$0x3FAA]  }
0x30: {  	s3 =	sld [smem:$0x3FAD]  }
0x31: {  	[smem:$0x3FB6] =	sst s10  }
0x32: {  	s10 =	sld [smem:$0x3FB4];
	_ =	sdelay $0x3  }
0x33: {  	p0 =	seq.s32 s10, $0x1;
	s10 =	sld [smem:$0x3FB6];
	_ =	sdelay $0x3  }
0x34: {  	[smem:$0x3FB6] =	sst s10  }
0x35: {  	s10 =	sld [smem:$0x3FB5];
	_ =	sdelay $0x3  }
0x36: {  	p1 =	seq.s32 s10, $0x1;
	s10 =	sld [smem:$0x3FB6];
	_ =	sdelay $0x3  }
0x37: {  	[smem:$0x3FB6] =	sst s10  }
0x38: {  	s10 =	sld [smem:$0x3FB7]  }
0x39: {  	_ = 	snop;
	(pc) =	sbr.ind lr, $3  }
0x3a: {  	_ = 	snop  }
0x3b: {  	_ = 	snop  }
0x3c: {  	p2 =	seq.s32 s10, $0x1;
	s10 =	sld [smem:$0x3FB6]  }
0x3d: {  	_ =	shalt  }
0x3e: {  	_ =	shalt  }
0x3f: {  	_ =	shalt  }
0x40: {  	_ =	shalt  }
0x41: {  	_ =	shalt  }
0x42: {  	_ =	shalt  }
0x43: {  	_ =	shalt  }
0x44: {  	_ =	shalt  }
0x45: {  	_ =	shalt  }
0x46: {  	_ =	shalt  }
0x47: {  	_ =	shalt  }
0x48: {  	_ =	shalt  }
0x49: {  	_ =	shalt  }
0x4a: {  	_ =	shalt  }
0x4b: {  	_ =	shalt  }
0x4c: {  	_ =	shalt  }
0x4d: {  	_ =	shalt  }
0x4e: {  	_ =	shalt  }
0x4f: {  	_ =	shalt  }
0x50: {  	_ =	shalt  }
0x51: {  	_ =	shalt  }
0x52: {  	_ =	shalt  }
0x53: {  	_ =	shalt  }
0x54: {  	_ =	shalt  }
0x55: {  	_ =	shalt  }
0x56: {  	_ =	shalt  }
0x57: {  	_ =	shalt  }
0x58: {  	_ =	shalt  }
0x59: {  	_ =	shalt  }
0x5a: {  	_ =	shalt  }
0x5b: {  	_ =	shalt  }
0x5c: {  	_ =	shalt  }
0x5d: {  	_ =	shalt  }
0x5e: {  	_ =	shalt  }
0x5f: {  	_ =	shalt  }
0x60: {  	_ =	shalt  }
0x61: {  	_ =	shalt  }
0x62: {  	_ =	shalt  }
0x63: {  	_ =	shalt  }
0x64: {  	_ =	shalt  }
0x65: {  	_ =	shalt  }
0x66: {  	_ =	shalt  }
0x67: {  	_ =	shalt  }
0x68: {  	_ =	shalt  }
0x69: {  	_ =	shalt  }
0x6a: {  	_ =	shalt  }
0x6b: {  	_ =	shalt  }
0x6c: {  	_ =	shalt  }
0x6d: {  	_ =	shalt  }
0x6e: {  	_ =	shalt  }
0x6f: {  	_ =	shalt  }
0x70: {  	_ =	shalt  }
0x71: {  	_ =	shalt  }
0x72: {  	_ =	shalt  }
0x73: {  	_ =	shalt  }
0x74: {  	_ =	shalt  }
0x75: {  	_ =	shalt  }
0x76: {  	_ =	shalt  }
0x77: {  	_ =	shalt  }
0x78: {  	_ =	shalt  }
0x79: {  	_ =	shalt  }
0x7a: {  	_ =	shalt  }
0x7b: {  	_ =	shalt  }
0x7c: {  	_ =	shalt  }
0x7d: {  	_ =	shalt  }
0x7e: {  	_ =	shalt  }
0x7f: {  	_ =	shalt  }
0x80: {  	_ =	shalt  }
0x81: {  	_ =	shalt  }
0x82: {  	_ =	shalt  }
0x83: {  	_ =	shalt  }
0x84: {  	_ =	shalt  }
0x85: {  	_ =	shalt  }
0x86: {  	_ =	shalt  }
0x87: {  	_ =	shalt  }
.Lfunc_end0:
.L_simem_size_0:
called_computation_lowered:
.L_overlay_start_0:
0x88: {  	s2 =	sld [smem:$0x3FD9]  }
0x89: {  	s3 =	sld [smem:$0x3FFE];
	_ =	sdelay $0x1  }
0x8a: {  	s1 =	srdreg.scid  }
0x8b: {  	s0 =	sand.u32 $0x1, s1  }
0x8c: {  	s16 =	sshll.u32 s0, $0xA;
	s2 =	sadd.s32 s3, s2  }
0x8d: {  	s2 =	sadd.s32 s2, s16  }
0x8e: {  	[smem:$0x3FC2] =	sst s2  }
0x8f: {  	_ = 	snop  }
0x90: {  	(tm) =	ssettm $0x1  }
0x91: {  	s17 =	sld [smem:$0x3FFB];
	_ =	sdelay $0x3  }
0x92: {  	_ =	strace s17  }
0x93: {  	s2 =	sld [smem:$0x3FFC];
	_ =	sdelay $0x3  }
0x94: {  	_ =	strace s2  }
0x95: {  	s2 =	sld [smem:$0x3FFD];
	_ =	sdelay $0x3  }
0x96: {  	_ =	strace s2  }
0x97: {  	_ =	strace $0x8FFFFFFF  }
0x98: {  	s18 =	sld [smem:$0x3FDB];
	_ =	sdelay $0x1  }
0x99: {  	s19 =	simm.s32 $_scs_section_size  }
0x9a: {  	s4 =	simm.s32 $_size__tile_overlayer_lowered;
	s5 =	simm.s32 $_tile_overlayer_lowered  }
0x9b: {  	s22 =	simm.s32 $0x1BFF;
	s21 =	sshll.u32 s5, $0x1;
	s2 =	sadd.s32 s19, s18  }
0x9c: {  	s6 =	simm.s32 $0x0;
	s20 =	sshll.u32 s4, $0x1;
	s4 =	sadd.s32 s21, s2  }
0x9d: {  	[timem:s6], [sflag:s22] =	dma.local [hbm:s4], s20  }
0x9e: {  	_ =	swait.ge [sflag:s22], s20  }
0x9f: {  	s3 =	ssub.s32 $0x0, s20;
	[sflag:s22] =	ssyncset.done $0x0  }
0xa0: {  	[sflag:s22] =	ssyncadd.s32 s3;
	_ =	sdelay $0x1  }
0xa1: {  	s23 =	simm.s32 $0x1B8B  }
0xa2: {  	_ =	swait.ge [sflag:s23], $0x1  }
0xa3: {  	[sflag:s23] =	ssyncset.done $0x0  }
0xa4: {  	s25 =	simm.s32 $0x1B8E;
	s24 =	sld [smem:$0x3FFE];
	[sflag:s23] =	ssyncadd.s32 $0xFFFFFFFF  }
0xa5: {  	s26 =	simm.s32 $execute0_lowered;
	[smem:$0x3FD2] =	sst s25  }
0xa6: {  	s4 =	sshll.u32 s26, $0x1;
	_ =	strace $0x80000046;
	[dreg:$0x1] =	wrdreg $0xFFFFFFFF  }
0xa7: {  	s28 =	simm.s32 $_size_execute0_lowered;
	s2 =	sadd.s32 s2, s4;
	[dreg:$0x0] =	wrdreg $0x0  }
0xa8: {  	s4 =	sshll.u32 s28, $0x1;
	[dreg:$0x2] =	wrdreg s2  }
0xa9: {  	[dreg:$0x3] =	wrdreg s4  }
0xaa: {  	[dreg:$0x4] =	wrdreg $0xC0  }
0xab: {  	_ =	task [dreg:s6], $0x5FFFF  }
0xac: {  	[dreg:$0x1] =	wrdreg $0xFFFFFFFF  }
0xad: {  	[dreg:$0x0] =	wrdreg $0x60  }
0xae: {  	[dreg:$0x2] =	wrdreg s24  }
0xaf: {  	[dreg:$0x3] =	wrdreg $0x9  }
0xb0: {  	_ =	task.clear_ibuf [dreg:s6], $0x4FFFF;
	_ =	strace $0x90000046  }
0xb1: {  	s29 =	simm.s32 $0x9;
	_ =	strace $0x80000048  }
0xb2: {  	_ =	swait.ge [sflag:s29], $0x1  }
0xb3: {  	[sflag:s29] =	ssyncadd.s32 $0xFFFFFFFF  }
0xb4: {  	_ =	strace $0x90000048  }
0xb5: {  	_ =	sfence  }
0xb6: {  	s30 =	sld [smem:$0x0];
	_ =	sdelay $0x2  }
0xb7: {  	s31 =	sshll.u32 s1, $0xD;
	s1 =	sshrl.u32 s1, $0x2  }
0xb8: {  	s3 =	sand.u32 $0x4000, s31;
	s1 =	sadd.s32 s1, s30  }
0xb9: {  	s0 =	sor.u32 s3, s0;
	s1 =	sshll.u32 s1, $0x11  }
0xba: {  	s0 =	sor.u32 s1, s0  }
0xbb: {  	s0 =	sadd.s32 $0x8F2B, s0  }
0xbc: {  	[sflag:s0] =	ssyncadd.remote.s32 $0x1  }
0xbd: {  	_ =	sfence.sel $0xFFFF  }
0xbe: {  	[dreg:$0x0] =	wrdreg $0xFFFFFFFF;
	(pc) =	sbr.abs _section_cstart, $3  }
0xbf: {  	[dreg:$0x1] =	wrdreg $0xFFFFFFFF  }
0xc0: {  	_ =	task.clear_ibuf [dreg:s6], $0x2FFFF;
	_ =	strace $0x9FFFFFFF  }
0xc1: {  	(tm) =	ssettm $0x7FFFFFFF  }
tec
execute0_lowered:
.L_overlay_start_1:
0x0: {  	(tag) =	ssettag $0x1  }
0x1: {  	s5 =	rddreg [dreg:$0x0]  }
0x2: {  	s2 =	srdreg.scid;
	s0 =	rddreg [dreg:$0x1];
	s1 =	simm.s32 $0x0  }
0x3: {  	s4 =	sand.u32 $0x1, s2;
	[smem:$0x7FF] =	sst s1  }
0x4: {  	s3 =	sadd.s32 $0x2A400, s5;
	s2 =	stileid.u32;
	s11 =	smul.u32 $0xA000, s4  }
0x5: {  	s15 =	sadd.s32 $0x16400, s5;
	s16 =	sadd.s32 $0x34A00, s5;
	s12 =	smul.u32 $0x5000, s4  }
0x6: {  	_ =	strace $0x80000047;
	s13 =	smul.u32 $0xA00, s2;
	s8 =	sshrl.u32 s2, $0x3  }
0x7: {  	s4 =	ssub.s32 $0x2, s4;
	s9 =	sshll.u32 s2, $0x7;
	s8 =	smul.u32 $0x14000, s8  }
0x8: {  	s10 =	sshrl.u32 s4, $0x1;
	s9 =	sand.u32 $0x380, s9;
	s6 =	sadd.s32 s11, s5  }
0x9: {  	s7 =	sadd.s32 s12, s5;
	s10 =	ssub.s32 s4, s10;
	s11 =	sadd.s32 s11, s15  }
0xa: {  	s12 =	sadd.s32 s12, s16;
	s6 =	sadd.s32 s13, s6;
	s30 =	sor.u32 s9, s8  }
0xb: {  	s31 =	sadd.s32 $0x2AA00, s7;
	s5 =	smax.u32 s10, $0x1;
	s7 =	simm.s32 $0x5000  }
0xc: {  	s9 =	simm.s32 $0x80;
	s10 =	simm.s32 $0x400;
	s11 =	sadd.s32 s13, s11  }
0xd: {  	s13 =	simm.s32 $0x0;
	s4 =	sadd.s32 $0x2400, s6;
	s14 =	sshrl.u32 s30, $0x3  }
0xe: {  	v0 =	vimm.f32 $1.000000000e+00;
	s6 =	simm.s32 $0x1;
	s8 =	sadd.s32 s14, s31;
	s12 =	sadd.s32 s14, s12  }
.LBB2_1:
0xf: {  	[tilespmem:s1], [sflag:$0x1] =	stream.linear.gather [hbm4b:s4+s1], $0x5000, $0x38;
	[tilespmem:$0x7800] =	vst v63  }
0x10: {  	_ =	swait.ge [sflag:s6], $0x5000  }
0x11: {  	[sflag:s6] =	ssyncset.done $0x0  }
0x12: {  	[sflag:s6] =	ssyncadd.s32 $0xFFFFB000  }
0x13: {  	[tilespmem:s7], [sflag:$0x1] =	stream.linear.gather [hbm4b:s3+s1], $0x2800, $0x38;
	[tilespmem:$0x7800] =	vst v63  }
0x14: {  	_ =	swait.ge [sflag:s6], $0x2800  }
0x15: {  	[sflag:s6] =	ssyncset.done $0x0  }
0x16: {  	s14 =	simm.s32 $0x0;
	[sflag:s6] =	ssyncadd.s32 $0xFFFFD800  }
.LBB2_2:
0x17: {  	s15 =	sshra.s32 s14, $0x2  }
0x18: {  	v1 =	vld [tilespmem:s15+$0x0];
	_ =	sdelay $0x7  }
0x19: {  	[tilespmem:v1+s7+$0x0] =	vst.idx.add.f32.msk $0xffff, v0  }
0x1a: {  	v1 =	vld [tilespmem:s15+$0x10];
	_ =	sdelay $0x7  }
0x1b: {  	[tilespmem:v1+s7+$0x0] =	vst.idx.add.f32.msk $0xffff, v0  }
0x1c: {  	v1 =	vld [tilespmem:s15+$0x20];
	_ =	sdelay $0x7  }
0x1d: {  	[tilespmem:v1+s7+$0x0] =	vst.idx.add.f32.msk $0xffff, v0  }
0x1e: {  	v1 =	vld [tilespmem:s15+$0x30];
	_ =	sdelay $0x7  }
0x1f: {  	[tilespmem:v1+s7+$0x0] =	vst.idx.add.f32.msk $0xffff, v0  }
0x20: {  	v1 =	vld [tilespmem:s15+$0x40];
	_ =	sdelay $0x7  }
0x21: {  	[tilespmem:v1+s7+$0x0] =	vst.idx.add.f32.msk $0xffff, v0  }
0x22: {  	v1 =	vld [tilespmem:s15+$0x50];
	_ =	sdelay $0x7  }
0x23: {  	[tilespmem:v1+s7+$0x0] =	vst.idx.add.f32.msk $0xffff, v0  }
0x24: {  	v1 =	vld [tilespmem:s15+$0x60];
	_ =	sdelay $0x7  }
0x25: {  	[tilespmem:v1+s7+$0x0] =	vst.idx.add.f32.msk $0xffff, v0  }
0x26: {  	v1 =	vld [tilespmem:s15+$0x70];
	_ =	sdelay $0x2  }
0x27: {  	p0 =	sne.s32 s14, $0x13E00  }
.Ltmp0:
0x28: {  	_ = 	snop;
	(pc) =	sbr.rel @p0 .LBB2_2-.Ltmp0, $2  }
0x29: {  	_ =	sdelay $0x2  }
0x2a: {  	s14 =	sadd.s32 $0x200, s14;
	[tilespmem:v1+s7+$0x0] =	vst.idx.add.f32.msk $0xffff, v0  }
0x2b: {  	[hbm4b:s8+s9] =	stream.strided.scatter [tilespmem:s7], [sflag:$0x1], $0x2800, s10, s9, $0x38;
	[tilespmem:$0x7800] =	vst v63  }
0x2c: {  	_ =	swait.ge [sflag:s6], $0x2800  }
0x2d: {  	[sflag:s6] =	ssyncset.done $0x0  }
0x2e: {  	s14 =	simm.s32 $0x0;
	[sflag:s6] =	ssyncadd.s32 $0xFFFFD800  }
0x2f: {  	[tilespmem:s14], [sflag:$0x1] =	stream.linear.gather [hbm4b:s11+s14], $0x5000, $0x38;
	[tilespmem:$0x7800] =	vst v63  }
0x30: {  	_ =	swait.ge [sflag:s6], $0x5000  }
0x31: {  	[sflag:s6] =	ssyncset.done $0x0  }
0x32: {  	[sflag:s6] =	ssyncadd.s32 $0xFFFFB000  }
0x33: {  	[tilespmem:s7], [sflag:$0x1] =	stream.linear.gather [hbm4b:s3+s14], $0x2800, $0x38;
	[tilespmem:$0x7800] =	vst v63  }
0x34: {  	_ =	swait.ge [sflag:s6], $0x2800  }
0x35: {  	[sflag:s6] =	ssyncset.done $0x0  }
0x36: {  	[sflag:s6] =	ssyncadd.s32 $0xFFFFD800  }
.LBB2_4:
0x37: {  	s15 =	sshra.s32 s14, $0x2  }
0x38: {  	v1 =	vld [tilespmem:s15+$0x0];
	_ =	sdelay $0x7  }
0x39: {  	[tilespmem:v1+s7+$0x0] =	vst.idx.add.f32.msk $0xffff, v0  }
0x3a: {  	v1 =	vld [tilespmem:s15+$0x10];
	_ =	sdelay $0x7  }
0x3b: {  	[tilespmem:v1+s7+$0x0] =	vst.idx.add.f32.msk $0xffff, v0  }
0x3c: {  	v1 =	vld [tilespmem:s15+$0x20];
	_ =	sdelay $0x7  }
0x3d: {  	[tilespmem:v1+s7+$0x0] =	vst.idx.add.f32.msk $0xffff, v0  }
0x3e: {  	v1 =	vld [tilespmem:s15+$0x30];
	_ =	sdelay $0x7  }
0x3f: {  	[tilespmem:v1+s7+$0x0] =	vst.idx.add.f32.msk $0xffff, v0  }
0x40: {  	v1 =	vld [tilespmem:s15+$0x40];
	_ =	sdelay $0x7  }
0x41: {  	[tilespmem:v1+s7+$0x0] =	vst.idx.add.f32.msk $0xffff, v0  }
0x42: {  	v1 =	vld [tilespmem:s15+$0x50];
	_ =	sdelay $0x7  }
0x43: {  	[tilespmem:v1+s7+$0x0] =	vst.idx.add.f32.msk $0xffff, v0  }
0x44: {  	v1 =	vld [tilespmem:s15+$0x60];
	_ =	sdelay $0x7  }
0x45: {  	[tilespmem:v1+s7+$0x0] =	vst.idx.add.f32.msk $0xffff, v0  }
0x46: {  	v1 =	vld [tilespmem:s15+$0x70];
	_ =	sdelay $0x2  }
0x47: {  	p0 =	sne.s32 s14, $0x13E00  }
.Ltmp1:
0x48: {  	_ = 	snop;
	(pc) =	sbr.rel @p0 .LBB2_4-.Ltmp1, $2  }
0x49: {  	_ =	sdelay $0x2  }
0x4a: {  	s14 =	sadd.s32 $0x200, s14;
	[tilespmem:v1+s7+$0x0] =	vst.idx.add.f32.msk $0xffff, v0  }
0x4b: {  	s13 =	sadd.s32 $0x1, s13  }
0x4c: {  	p0 =	sne.s32 s13, s5  }
.Ltmp2:
0x4d: {  	_ = 	snop;
	(pc) =	sbr.rel @p0 .LBB2_1-.Ltmp2, $4  }
0x4e: {  	[hbm4b:s12+s9] =	stream.strided.scatter [tilespmem:s7], [sflag:$0x1], $0x2800, s10, s9, $0x38;
	[tilespmem:$0x7800] =	vst v63  }
0x4f: {  	_ =	swait.ge [sflag:s6], $0x2800  }
0x50: {  	[sflag:s6] =	ssyncset.done $0x0  }
0x51: {  	[sflag:s6] =	ssyncadd.s32 $0xFFFFD800  }
0x52: {  	_ =	sfence.sel $0x180000  }
0x53: {  	[bflag:$0x0] =	sbarrier.arrive $0xFFFF  }
0x54: {  	p0 =	sne.s32 s2, $0x0;
	_ =	strace $0x90000047  }
0x55: {  	s0 =	sadd.s32 @!p0 $0x100000, s0;
	[bflag:$0x2] =	sbarrier.arrive $0xFFFF  }
0x56: {  	[sflag:s0] =	ssyncadd.tile.s32 @!p0 $0x1;
	_ =	shalt  }
.Lfunc_end2:
_tile_overlayer_lowered:
.L_overlay_start_2:
0x57: {  	(tag) =	ssettag $0x2  }
0x58: {  	s0 =	rddreg [dreg:$0x0];
	s2 =	stileid.u32  }
0x59: {  	s1 =	rddreg [dreg:$0x1];
	p0 =	sne.s32 s2, $0x0  }
0x5a: {  	s3 =	rddreg [dreg:$0x2];
	[bflag:$0x3] =	sbarrier.arrive $0xFFFF;
	s2 =	simm.s32 @!p0 $0x1C01  }
0x5b: {  	[timem:s3], [sflag:s2] =	dma.local @!p0 [hbm:s0], s1  }
0x5c: {  	s0 =	simm.s32 @!p0 $0x1  }
0x5d: {  	_ =	swait.ge @!p0 [sflag:s0], s1  }
0x5e: {  	s1 =	ssub.s32 @!p0 $0x0, s1;
	[sflag:s0] =	ssyncset.done @!p0 $0x0  }
0x5f: {  	[sflag:s0] =	ssyncadd.s32 @!p0 s1  }
0x60: {  	[bflag:$0x3] =	sbarrier.arrive $0xFFFF  }
0x61: {  	_ =	shalt  }

</sc_bundles>
